<compile_context>
chip_gen: v7x
topology: tpu7x:2x2x1
jax: 0.10.2.dev20260603
libtpu: 0.0.44.dev20260713+nightly
codegen_flags: <defaults>
</compile_context>

<pallas_src>
import jax
import jax.numpy as jnp
from jax import lax
from jax.experimental import pallas as pl
from jax.experimental.pallas import tpu as pltpu
from jax.experimental.pallas import tpu_sc as plsc

_NC = 2
_NS = 16
_LANES = 16
_CB = 8
_HB = 4


def _build(N, C, L_in, L_out):
    NW = _NC * _NS
    assert N == NW, f"kernel specialized for N == {NW}, got {N}"
    assert C % _CB == 0 and L_out % _LANES == 0
    NCB = C // _CB
    NJ = L_out // _LANES
    IN_BLK = _CB * L_in
    OUT_BLK = _HB * L_out
    mesh = plsc.VectorSubcoreMesh(core_axis_name="c", subcore_axis_name="s")

    def body(inp_h, grid_h, par_h, out_h,
             gridv, parv, idx0, w1r,
             ins, outs, isems, osems):
        n = lax.axis_index("c") * _NS + lax.axis_index("s")
        for b in range(2):
            pltpu.async_copy(
                inp_h.at[n, pl.ds(b * IN_BLK, IN_BLK)], ins[b], isems[b])
        pltpu.sync_copy(par_h, parv)
        pltpu.sync_copy(grid_h.at[n], gridv)
        av = parv[pl.ds(0, _LANES)]
        bv = parv[pl.ds(_LANES, _LANES)]
        keepv = parv[pl.ds(2 * _LANES, _LANES)] > 0.5

        @plsc.parallel_loop(0, NJ, step=1, unroll=4)
        def wbody(j):
            s = pl.ds(j * _LANES, _LANES)
            x = gridv[s]
            ix = (x + 1.0) * av - bv
            t = ix.astype(jnp.int32)
            tf = t.astype(jnp.float32)
            i0 = jnp.where(tf > ix, t - 1, t)
            w1 = ix - i0.astype(jnp.float32)
            m1 = (i0 >= -1) & (i0 <= L_in - 2)
            w1r[s] = jnp.where(keepv | m1, w1, 0.0)
            idx0[s] = jnp.clip(i0, 0, L_in - 1)

        def start_in(cb, b):
            pltpu.async_copy(
                inp_h.at[n, pl.ds(cb * IN_BLK, IN_BLK)], ins[b], isems[b])

        def wait_in(b):
            pltpu.make_async_copy(
                inp_h.at[n, pl.ds(0, IN_BLK)], ins[b], isems[b]).wait()

        def start_out(ob, h):
            pltpu.async_copy(
                outs[h], out_h.at[n, pl.ds(ob * OUT_BLK, OUT_BLK)], osems[h])

        def wait_out(h):
            pltpu.make_async_copy(
                outs[h], out_h.at[n, pl.ds(0, OUT_BLK)], osems[h]).wait()

        def compute(ibuf, obuf, coff):
            @plsc.parallel_loop(0, NJ, step=1, unroll=8)
            def jbody(j):
                s = pl.ds(j * _LANES, _LANES)
                i0v = idx0[s]
                w1v = w1r[s]
                i1v = jnp.minimum(i0v + 1, L_in - 1)
                w0v = 1.0 - w1v
                for c in range(_HB):
                    row = ibuf.at[pl.ds((coff + c) * L_in, L_in)]
                    v0 = plsc.load_gather(row, [i0v])
                    v1 = plsc.load_gather(row, [i1v])
                    obuf[pl.ds(c * L_out + j * _LANES, _LANES)] = (
                        w0v * v0 + w1v * v1)

        def step(cb, b):
            wait_in(b)
            for h in range(2):
                @pl.when(cb >= 1)
                def _():
                    wait_out(h)

                compute(ins[b], outs[h], h * _HB)
                start_out(cb * 2 + h, h)

            @pl.when(cb + 2 < NCB)
            def _():
                start_in(cb + 2, b)

        def cbody(it, carry):
            step(it * 2, 0)
            step(it * 2 + 1, 1)
            return carry

        lax.fori_loop(0, NCB // 2, cbody, 0)
        wait_out(0)
        wait_out(1)

    return pl.kernel(
        body,
        out_type=jax.ShapeDtypeStruct((N, C * L_out), jnp.float32),
        mesh=mesh,
        compiler_params=pltpu.CompilerParams(needs_layout_passes=False),
        scratch_types=[
            pltpu.VMEM((L_out,), jnp.float32),
            pltpu.VMEM((3 * _LANES,), jnp.float32),
            pltpu.VMEM((L_out,), jnp.int32),
            pltpu.VMEM((L_out,), jnp.float32),
            [pltpu.VMEM((IN_BLK,), jnp.float32) for _ in range(2)],
            [pltpu.VMEM((OUT_BLK,), jnp.float32) for _ in range(2)],
            [pltpu.SemaphoreType.DMA for _ in range(2)],
            [pltpu.SemaphoreType.DMA for _ in range(2)],
        ],
    )


def kernel(input, grid, padding_mode, align_corners):
    N, C, L_in = input.shape
    L_out = grid.shape[1]
    ac = jnp.asarray(align_corners) != 0
    keep = jnp.asarray(padding_mode) != 0
    a = jnp.where(ac, 0.5 * (L_in - 1), 0.5 * L_in).astype(jnp.float32)
    b = jnp.where(ac, 0.0, 0.5).astype(jnp.float32)
    params = jnp.stack([a, b, keep.astype(jnp.float32)])
    params = jnp.broadcast_to(params[:, None], (3, _LANES))
    params = params.reshape(3 * _LANES).astype(jnp.float32)
    fn = _build(N, C, L_in, L_out)
    out = fn(input.reshape(N, C * L_in), grid, params)
    return out.reshape(N, C, L_out)

# --- scband reference (transcript-rebuilt; emitter-appended) ---
"""Pipeline reference for scband-grid-sample1d-16140487098766 (READ-ONLY COPY).

The authoritative reference and input builder live on the scoring server;
editing this copy changes nothing except your own understanding.
"""

import jax, jax.numpy as jnp
import numpy as np


def setup_inputs(seed: int = 0) -> dict:
    key = jax.random.key(seed)
    k1, k2 = jax.random.split(key)
    inp = jax.random.normal(k1, (32, 256, 4096), dtype=jnp.float32)
    # grid coordinates in [-1, 1], per torch grid_sample convention
    grid = jax.random.uniform(k2, (32, 4096), dtype=jnp.float32) * 2.0 - 1.0
    return {"input": inp, "grid": grid, "padding_mode": 1, "align_corners": 1}


def _grid_sample1d(input, grid, padding_mode, align_corners):
    N, C, L_in = input.shape
    L_out = grid.shape[1]
    x = grid
    ix = jnp.where(
        align_corners != 0,
        (x + 1.0) * 0.5 * (L_in - 1),
        ((x + 1.0) * L_in - 1.0) * 0.5,
    )
    ix0 = jnp.floor(ix)
    ix1 = ix0 + 1.0
    w1 = ix - ix0
    w0 = 1.0 - w1
    # border padding: clamp indices, keep weights
    # zeros padding: zero out contributions from out-of-range taps
    m0 = (ix0 >= 0) & (ix0 <= L_in - 1)
    m1 = (ix1 >= 0) & (ix1 <= L_in - 1)
    keep = padding_mode != 0
    w0 = jnp.where(keep | m0, w0, 0.0)
    w1 = jnp.where(keep | m1, w1, 0.0)
    i0 = jnp.clip(ix0, 0, L_in - 1).astype(jnp.int32)
    i1 = jnp.clip(ix1, 0, L_in - 1).astype(jnp.int32)
    idx0 = jnp.broadcast_to(i0[:, None, :], (N, C, L_out))
    idx1 = jnp.broadcast_to(i1[:, None, :], (N, C, L_out))
    v0 = jnp.take_along_axis(input, idx0, axis=2)
    v1 = jnp.take_along_axis(input, idx1, axis=2)
    return w0[:, None, :] * v0 + w1[:, None, :] * v1


def reference(input, grid, padding_mode, align_corners):
    return _grid_sample1d(input, grid, padding_mode, align_corners)

if __name__ == "__main__":
    import jax
    _d = setup_inputs()
    print(jax.jit(kernel)(*tuple(_d.values())))

</pallas_src>

<mosaic_0001>
#map = affine_map<(d0, d1) -> (0, 0)>
#map1 = affine_map<(d0, d1) -> (0)>
module attributes {stable_mosaic.version = 14 : i64} {
  func.func @body(%arg0: i32, %arg1: i32, %arg2: memref<32x1048576xf32, #tpu.memory_space<hbm>>, %arg3: memref<32x4096xf32, #tpu.memory_space<hbm>>, %arg4: memref<48xf32, #tpu.memory_space<hbm>>, %arg5: memref<32x1048576xf32, #tpu.memory_space<hbm>>, %arg6: memref<4096xf32, #tpu.memory_space<vmem>>, %arg7: memref<48xf32, #tpu.memory_space<vmem>>, %arg8: memref<4096xi32, #tpu.memory_space<vmem>>, %arg9: memref<4096xf32, #tpu.memory_space<vmem>>, %arg10: memref<32768xf32, #tpu.memory_space<vmem>>, %arg11: memref<32768xf32, #tpu.memory_space<vmem>>, %arg12: memref<16384xf32, #tpu.memory_space<vmem>>, %arg13: memref<16384xf32, #tpu.memory_space<vmem>>, %arg14: memref<!tpu.dma_semaphore, #tpu.memory_space<semaphore_mem>>, %arg15: memref<!tpu.dma_semaphore, #tpu.memory_space<semaphore_mem>>, %arg16: memref<!tpu.dma_semaphore, #tpu.memory_space<semaphore_mem>>, %arg17: memref<!tpu.dma_semaphore, #tpu.memory_space<semaphore_mem>>) attributes {dimension_semantics = [#tpu.dimension_semantics<core_parallel>, #tpu.dimension_semantics<subcore_parallel>], iteration_bounds = array<i64: 2, 16>, scalar_prefetch = 0 : i64, scratch_operands = 12 : i64, tpu.core_type = #tpu.core_type<sc_vector_subcore>, window_params = [{transform_indices = #map}, {transform_indices = #map}, {transform_indices = #map1}, {transform_indices = #map}]} {
    %mul3A = arith.constant 16 : i32
    %mul3A_0 = arith.muli %arg0, %mul3A : i32
    %add3A = arith.addi %mul3A_0, %arg1 : i32
    %dma_start3A = arith.constant 0 : i32
    %dma_start3A_1 = tpu.memref_slice %arg2[%add3A, %dma_start3A] : memref<32x1048576xf32, #tpu.memory_space<hbm>> -> memref<1x32768xf32, #tpu.memory_space<hbm>>
    %dma_start3A_2 = tpu.memref_squeeze %dma_start3A_1 : memref<1x32768xf32, #tpu.memory_space<hbm>> -> memref<32768xf32, #tpu.memory_space<hbm>>
    %dma_start3A_3 = arith.constant 0 : i32
    %dma_start3A_4 = tpu.memref_slice %arg2[%add3A, %dma_start3A_3] : memref<32x1048576xf32, #tpu.memory_space<hbm>> -> memref<1x32768xf32, #tpu.memory_space<hbm>>
    %dma_start3A_5 = tpu.memref_squeeze %dma_start3A_4 : memref<1x32768xf32, #tpu.memory_space<hbm>> -> memref<32768xf32, #tpu.memory_space<hbm>>
    tpu.enqueue_dma source(%dma_start3A_5 : memref<32768xf32, #tpu.memory_space<hbm>>) target(%arg10 : memref<32768xf32, #tpu.memory_space<vmem>>) target_semaphore(%arg14 : memref<!tpu.dma_semaphore, #tpu.memory_space<semaphore_mem>>)
    %dma_start3A_6 = arith.constant 32768 : i32
    %dma_start3A_7 = tpu.memref_slice %arg2[%add3A, %dma_start3A_6] : memref<32x1048576xf32, #tpu.memory_space<hbm>> -> memref<1x32768xf32, #tpu.memory_space<hbm>>
    %dma_start3A_8 = tpu.memref_squeeze %dma_start3A_7 : memref<1x32768xf32, #tpu.memory_space<hbm>> -> memref<32768xf32, #tpu.memory_space<hbm>>
    %dma_start3A_9 = arith.constant 32768 : i32
    %dma_start3A_10 = tpu.memref_slice %arg2[%add3A, %dma_start3A_9] : memref<32x1048576xf32, #tpu.memory_space<hbm>> -> memref<1x32768xf32, #tpu.memory_space<hbm>>
    %dma_start3A_11 = tpu.memref_squeeze %dma_start3A_10 : memref<1x32768xf32, #tpu.memory_space<hbm>> -> memref<32768xf32, #tpu.memory_space<hbm>>
    tpu.enqueue_dma source(%dma_start3A_11 : memref<32768xf32, #tpu.memory_space<hbm>>) target(%arg11 : memref<32768xf32, #tpu.memory_space<vmem>>) target_semaphore(%arg15 : memref<!tpu.dma_semaphore, #tpu.memory_space<semaphore_mem>>)
    "tpu.region"() ({
      %run_scoped3A = tpu.sem_alloc : memref<!tpu.dma_semaphore, #tpu.memory_space<semaphore_mem>>
      tpu.enqueue_dma source(%arg4 : memref<48xf32, #tpu.memory_space<hbm>>) target(%arg7 : memref<48xf32, #tpu.memory_space<vmem>>) target_semaphore(%run_scoped3A : memref<!tpu.dma_semaphore, #tpu.memory_space<semaphore_mem>>)
      tpu.wait_dma2 semaphore(%run_scoped3A : memref<!tpu.dma_semaphore, #tpu.memory_space<semaphore_mem>>) src(%arg4 : memref<48xf32, #tpu.memory_space<hbm>>) dst(%arg7 : memref<48xf32, #tpu.memory_space<vmem>>)
      tpu.yield
    }) : () -> ()
    "tpu.region"() ({
      %run_scoped3A = tpu.sem_alloc : memref<!tpu.dma_semaphore, #tpu.memory_space<semaphore_mem>>
      %dma_start3A_37 = arith.constant 0 : i32
      %dma_start3A_38 = tpu.memref_slice %arg3[%add3A, %dma_start3A_37] : memref<32x4096xf32, #tpu.memory_space<hbm>> -> memref<1x4096xf32, #tpu.memory_space<hbm>>
      %dma_start3A_39 = tpu.memref_squeeze %dma_start3A_38 : memref<1x4096xf32, #tpu.memory_space<hbm>> -> memref<4096xf32, #tpu.memory_space<hbm>>
      %dma_start3A_40 = arith.constant 0 : i32
      %dma_start3A_41 = tpu.memref_slice %arg3[%add3A, %dma_start3A_40] : memref<32x4096xf32, #tpu.memory_space<hbm>> -> memref<1x4096xf32, #tpu.memory_space<hbm>>
      %dma_start3A_42 = tpu.memref_squeeze %dma_start3A_41 : memref<1x4096xf32, #tpu.memory_space<hbm>> -> memref<4096xf32, #tpu.memory_space<hbm>>
      tpu.enqueue_dma source(%dma_start3A_42 : memref<4096xf32, #tpu.memory_space<hbm>>) target(%arg6 : memref<4096xf32, #tpu.memory_space<vmem>>) target_semaphore(%run_scoped3A : memref<!tpu.dma_semaphore, #tpu.memory_space<semaphore_mem>>)
      %dma_wait3A_43 = arith.constant 0 : i32
      %dma_wait3A_44 = tpu.memref_slice %arg3[%add3A, %dma_wait3A_43] : memref<32x4096xf32, #tpu.memory_space<hbm>> -> memref<1x4096xf32, #tpu.memory_space<hbm>>
      %dma_wait3A_45 = tpu.memref_squeeze %dma_wait3A_44 : memref<1x4096xf32, #tpu.memory_space<hbm>> -> memref<4096xf32, #tpu.memory_space<hbm>>
      %dma_wait3A_46 = arith.constant 0 : i32
      %dma_wait3A_47 = tpu.memref_slice %arg3[%add3A, %dma_wait3A_46] : memref<32x4096xf32, #tpu.memory_space<hbm>> -> memref<1x4096xf32, #tpu.memory_space<hbm>>
      %dma_wait3A_48 = tpu.memref_squeeze %dma_wait3A_47 : memref<1x4096xf32, #tpu.memory_space<hbm>> -> memref<4096xf32, #tpu.memory_space<hbm>>
      tpu.wait_dma2 semaphore(%run_scoped3A : memref<!tpu.dma_semaphore, #tpu.memory_space<semaphore_mem>>) src(%dma_wait3A_48 : memref<4096xf32, #tpu.memory_space<hbm>>) dst(%arg6 : memref<4096xf32, #tpu.memory_space<vmem>>)
      tpu.yield
    }) : () -> ()
    %get3A = arith.constant 0 : index
    %get3A_12 = tpu.vector_load %arg7[%get3A] {strides = array<i32>} : memref<48xf32, #tpu.memory_space<vmem>>, vector<16xf32>,
    %get3A_13 = arith.constant 16 : index
    %get3A_14 = tpu.vector_load %arg7[%get3A_13] {strides = array<i32>} : memref<48xf32, #tpu.memory_space<vmem>>, vector<16xf32>,
    %get3A_15 = arith.constant 32 : index
    %get3A_16 = tpu.vector_load %arg7[%get3A_15] {strides = array<i32>} : memref<48xf32, #tpu.memory_space<vmem>>, vector<16xf32>,
    %gt3A = arith.constant 5.000000e-01 : f32
    %gt3A_17 = vector.broadcast %gt3A : f32 to vector<16xf32>
    %gt3A_18 = arith.cmpf ogt, %get3A_16, %gt3A_17 : vector<16xf32>
    %parallel_loop3A = arith.constant 0 : i32
    %parallel_loop3A_19 = arith.constant 256 : i32
    %parallel_loop3A_20 = arith.constant 1 : i32
    scf.for %parallel_loop3A_37 = %parallel_loop3A to %parallel_loop3A_19 step %parallel_loop3A_20  : i32 {
      %parallel_loop3A_38 = arith.constant 16 : i32
      %parallel_loop3A_39 = arith.muli %parallel_loop3A_37, %parallel_loop3A_38 : i32
      %parallel_loop3A_40 = arith.index_cast %parallel_loop3A_39 : i32 to index
      %parallel_loop3A_41 = tpu.vector_load %arg6[%parallel_loop3A_40] {strides = array<i32>} : memref<4096xf32, #tpu.memory_space<vmem>>, vector<16xf32>,
      %parallel_loop3A_42 = arith.constant 1.000000e+00 : f32
      %parallel_loop3A_43 = vector.broadcast %parallel_loop3A_42 : f32 to vector<16xf32>
      %parallel_loop3A_44 = arith.addf %parallel_loop3A_41, %parallel_loop3A_43 : vector<16xf32>
      %parallel_loop3A_45 = arith.mulf %parallel_loop3A_44, %get3A_12 : vector<16xf32>
      %parallel_loop3A_46 = arith.subf %parallel_loop3A_45, %get3A_14 : vector<16xf32>
      %parallel_loop3A_47 = arith.fptosi %parallel_loop3A_46 : vector<16xf32> to vector<16xi32>
      %parallel_loop3A_48 = arith.sitofp %parallel_loop3A_47 : vector<16xi32> to vector<16xf32>
      %parallel_loop3A_49 = arith.cmpf ogt, %parallel_loop3A_48, %parallel_loop3A_46 : vector<16xf32>
      %parallel_loop3A_50 = arith.constant 1 : i32
      %parallel_loop3A_51 = vector.broadcast %parallel_loop3A_50 : i32 to vector<16xi32>
      %parallel_loop3A_52 = arith.subi %parallel_loop3A_47, %parallel_loop3A_51 : vector<16xi32>
      %parallel_loop3A_53 = arith.select %parallel_loop3A_49, %parallel_loop3A_52, %parallel_loop3A_47 : vector<16xi1>, vector<16xi32>
      %parallel_loop3A_54 = arith.sitofp %parallel_loop3A_53 : vector<16xi32> to vector<16xf32>
      %parallel_loop3A_55 = arith.subf %parallel_loop3A_46, %parallel_loop3A_54 : vector<16xf32>
      %parallel_loop3A_56 = arith.constant -1 : i32
      %parallel_loop3A_57 = vector.broadcast %parallel_loop3A_56 : i32 to vector<16xi32>
      %parallel_loop3A_58 = arith.cmpi sge, %parallel_loop3A_53, %parallel_loop3A_57 : vector<16xi32>
      %parallel_loop3A_59 = arith.constant 4094 : i32
      %parallel_loop3A_60 = vector.broadcast %parallel_loop3A_59 : i32 to vector<16xi32>
      %parallel_loop3A_61 = arith.cmpi sle, %parallel_loop3A_53, %parallel_loop3A_60 : vector<16xi32>
      %parallel_loop3A_62 = arith.andi %parallel_loop3A_58, %parallel_loop3A_61 : vector<16xi1>
      %parallel_loop3A_63 = arith.ori %gt3A_18, %parallel_loop3A_62 : vector<16xi1>
      %parallel_loop3A_64 = arith.constant 0.000000e+00 : f32
      %parallel_loop3A_65 = vector.broadcast %parallel_loop3A_64 : f32 to vector<16xf32>
      %parallel_loop3A_66 = arith.select %parallel_loop3A_63, %parallel_loop3A_55, %parallel_loop3A_65 : vector<16xi1>, vector<16xf32>
      %parallel_loop3A_67 = arith.index_cast %parallel_loop3A_39 : i32 to index
      %parallel_loop3A_68 = tpu.vector_load %arg9[%parallel_loop3A_67] {strides = array<i32>} : memref<4096xf32, #tpu.memory_space<vmem>>, vector<16xf32>,
      tpu.vector_store %arg9[%parallel_loop3A_67], %parallel_loop3A_66 {strides = array<i32>} : memref<4096xf32, #tpu.memory_space<vmem>>, vector<16xf32>,
      %parallel_loop3A_69 = arith.constant 0 : i32
      %parallel_loop3A_70 = arith.constant 4095 : i32
      %parallel_loop3A_71 = vector.broadcast %parallel_loop3A_69 : i32 to vector<16xi32>
      %parallel_loop3A_72 = arith.maxsi %parallel_loop3A_71, %parallel_loop3A_53 : vector<16xi32>
      %parallel_loop3A_73 = vector.broadcast %parallel_loop3A_70 : i32 to vector<16xi32>
      %parallel_loop3A_74 = arith.minsi %parallel_loop3A_73, %parallel_loop3A_72 : vector<16xi32>
      %parallel_loop3A_75 = arith.index_cast %parallel_loop3A_39 : i32 to index
      %parallel_loop3A_76 = tpu.vector_load %arg8[%parallel_loop3A_75] {strides = array<i32>} : memref<4096xi32, #tpu.memory_space<vmem>>, vector<16xi32>,
      tpu.vector_store %arg8[%parallel_loop3A_75], %parallel_loop3A_74 {strides = array<i32>} : memref<4096xi32, #tpu.memory_space<vmem>>, vector<16xi32>,
    } {sc.loop_unroll_factor = 4 : i64, sc.parallel_access}
    %scan3A = arith.constant 0 : i32
    %scan3A_21 = arith.constant 0 : i32
    %scan3A_22 = arith.constant 16 : i32
    %scan3A_23 = arith.addi %scan3A_21, %scan3A_22 : i32
    %scan3A_24 = arith.constant 1 : i32
    scf.for %scan3A_37 = %scan3A_21 to %scan3A_23 step %scan3A_24  : i32 {
      %mul3A_38 = arith.constant 2 : i32
      %mul3A_39 = arith.muli %scan3A_37, %mul3A_38 : i32
      %dma_wait3A_40 = arith.constant 0 : i32
      %dma_wait3A_41 = tpu.memref_slice %arg2[%add3A, %dma_wait3A_40] : memref<32x1048576xf32, #tpu.memory_space<hbm>> -> memref<1x32768xf32, #tpu.memory_space<hbm>>
      %dma_wait3A_42 = tpu.memref_squeeze %dma_wait3A_41 : memref<1x32768xf32, #tpu.memory_space<hbm>> -> memref<32768xf32, #tpu.memory_space<hbm>>
      %dma_wait3A_43 = arith.constant 0 : i32
      %dma_wait3A_44 = tpu.memref_slice %arg2[%add3A, %dma_wait3A_43] : memref<32x1048576xf32, #tpu.memory_space<hbm>> -> memref<1x32768xf32, #tpu.memory_space<hbm>>
      %dma_wait3A_45 = tpu.memref_squeeze %dma_wait3A_44 : memref<1x32768xf32, #tpu.memory_space<hbm>> -> memref<32768xf32, #tpu.memory_space<hbm>>
      tpu.wait_dma2 semaphore(%arg14 : memref<!tpu.dma_semaphore, #tpu.memory_space<semaphore_mem>>) src(%dma_wait3A_45 : memref<32768xf32, #tpu.memory_space<hbm>>) dst(%arg10 : memref<32768xf32, #tpu.memory_space<vmem>>)
      %ge3A = arith.constant 1 : i32
      %ge3A_46 = arith.cmpi sge, %mul3A_39, %ge3A : i32
      %convert_element_type3A = arith.extui %ge3A_46 : i1 to i32
      %cond3A = arith.constant 0 : i32
      %cond3A_47 = arith.cmpi ne, %convert_element_type3A, %cond3A : i32
      scf.if %cond3A_47 {
        %dma_wait3A_138 = arith.constant 0 : i32
        %dma_wait3A_139 = tpu.memref_slice %arg5[%add3A, %dma_wait3A_138] : memref<32x1048576xf32, #tpu.memory_space<hbm>> -> memref<1x16384xf32, #tpu.memory_space<hbm>>
        %dma_wait3A_140 = tpu.memref_squeeze %dma_wait3A_139 : memref<1x16384xf32, #tpu.memory_space<hbm>> -> memref<16384xf32, #tpu.memory_space<hbm>>
        %dma_wait3A_141 = arith.constant 0 : i32
        %dma_wait3A_142 = tpu.memref_slice %arg5[%add3A, %dma_wait3A_141] : memref<32x1048576xf32, #tpu.memory_space<hbm>> -> memref<1x16384xf32, #tpu.memory_space<hbm>>
        %dma_wait3A_143 = tpu.memref_squeeze %dma_wait3A_142 : memref<1x16384xf32, #tpu.memory_space<hbm>> -> memref<16384xf32, #tpu.memory_space<hbm>>
        tpu.wait_dma2 semaphore(%arg16 : memref<!tpu.dma_semaphore, #tpu.memory_space<semaphore_mem>>) src(%arg12 : memref<16384xf32, #tpu.memory_space<vmem>>) dst(%dma_wait3A_143 : memref<16384xf32, #tpu.memory_space<hbm>>)
      } else {
      }
      %parallel_loop3A_48 = arith.constant 0 : i32
      %parallel_loop3A_49 = arith.constant 256 : i32
      %parallel_loop3A_50 = arith.constant 1 : i32
      scf.for %parallel_loop3A_138 = %parallel_loop3A_48 to %parallel_loop3A_49 step %parallel_loop3A_50  : i32 {
        %parallel_loop3A_139 = arith.constant 16 : i32
        %parallel_loop3A_140 = arith.muli %parallel_loop3A_138, %parallel_loop3A_139 : i32
        %parallel_loop3A_141 = arith.index_cast %parallel_loop3A_140 : i32 to index
        %parallel_loop3A_142 = tpu.vector_load %arg8[%parallel_loop3A_141] {strides = array<i32>} : memref<4096xi32, #tpu.memory_space<vmem>>, vector<16xi32>,
        %parallel_loop3A_143 = arith.index_cast %parallel_loop3A_140 : i32 to index
        %parallel_loop3A_144 = tpu.vector_load %arg9[%parallel_loop3A_143] {strides = array<i32>} : memref<4096xf32, #tpu.memory_space<vmem>>, vector<16xf32>,
        %parallel_loop3A_145 = arith.constant 1 : i32
        %parallel_loop3A_146 = vector.broadcast %parallel_loop3A_145 : i32 to vector<16xi32>
        %parallel_loop3A_147 = arith.addi %parallel_loop3A_142, %parallel_loop3A_146 : vector<16xi32>
        %parallel_loop3A_148 = arith.constant 4095 : i32
        %parallel_loop3A_149 = vector.broadcast %parallel_loop3A_148 : i32 to vector<16xi32>
        %parallel_loop3A_150 = arith.minsi %parallel_loop3A_147, %parallel_loop3A_149 : vector<16xi32>
        %parallel_loop3A_151 = arith.constant 1.000000e+00 : f32
        %parallel_loop3A_152 = vector.broadcast %parallel_loop3A_151 : f32 to vector<16xf32>
        %parallel_loop3A_153 = arith.subf %parallel_loop3A_152, %parallel_loop3A_144 : vector<16xf32>
        %parallel_loop3A_154 = arith.constant 0 : i32
        %parallel_loop3A_155 = tpu.memref_slice %arg10[%parallel_loop3A_154] : memref<32768xf32, #tpu.memory_space<vmem>> -> memref<4096xf32, #tpu.memory_space<vmem>>
        %parallel_loop3A_156 = tpu.vector_load_idx %parallel_loop3A_155[%parallel_loop3A_142] : memref<4096xf32, #tpu.memory_space<vmem>>[vector<16xi32>], vector<16xf32>,
        %parallel_loop3A_157 = arith.constant 0 : i32
        %parallel_loop3A_158 = tpu.memref_slice %arg10[%parallel_loop3A_157] : memref<32768xf32, #tpu.memory_space<vmem>> -> memref<4096xf32, #tpu.memory_space<vmem>>
        %parallel_loop3A_159 = tpu.vector_load_idx %parallel_loop3A_158[%parallel_loop3A_150] : memref<4096xf32, #tpu.memory_space<vmem>>[vector<16xi32>], vector<16xf32>,
        %parallel_loop3A_160 = arith.mulf %parallel_loop3A_153, %parallel_loop3A_156 : vector<16xf32>
        %parallel_loop3A_161 = arith.mulf %parallel_loop3A_144, %parallel_loop3A_159 : vector<16xf32>
        %parallel_loop3A_162 = arith.addf %parallel_loop3A_160, %parallel_loop3A_161 : vector<16xf32>
        %parallel_loop3A_163 = arith.constant 16 : i32
        %parallel_loop3A_164 = arith.muli %parallel_loop3A_138, %parallel_loop3A_163 : i32
        %parallel_loop3A_165 = arith.constant 0 : i32
        %parallel_loop3A_166 = arith.addi %parallel_loop3A_165, %parallel_loop3A_164 : i32
        %parallel_loop3A_167 = arith.index_cast %parallel_loop3A_166 : i32 to index
        %parallel_loop3A_168 = tpu.vector_load %arg12[%parallel_loop3A_167] {strides = array<i32>} : memref<16384xf32, #tpu.memory_space<vmem>>, vector<16xf32>,
        tpu.vector_store %arg12[%parallel_loop3A_167], %parallel_loop3A_162 {strides = array<i32>} : memref<16384xf32, #tpu.memory_space<vmem>>, vector<16xf32>,
        %parallel_loop3A_169 = arith.constant 4096 : i32
        %parallel_loop3A_170 = tpu.memref_slice %arg10[%parallel_loop3A_169] : memref<32768xf32, #tpu.memory_space<vmem>> -> memref<4096xf32, #tpu.memory_space<vmem>>
        %parallel_loop3A_171 = tpu.vector_load_idx %parallel_loop3A_170[%parallel_loop3A_142] : memref<4096xf32, #tpu.memory_space<vmem>>[vector<16xi32>], vector<16xf32>,
        %parallel_loop3A_172 = arith.constant 4096 : i32
        %parallel_loop3A_173 = tpu.memref_slice %arg10[%parallel_loop3A_172] : memref<32768xf32, #tpu.memory_space<vmem>> -> memref<4096xf32, #tpu.memory_space<vmem>>
        %parallel_loop3A_174 = tpu.vector_load_idx %parallel_loop3A_173[%parallel_loop3A_150] : memref<4096xf32, #tpu.memory_space<vmem>>[vector<16xi32>], vector<16xf32>,
        %parallel_loop3A_175 = arith.mulf %parallel_loop3A_153, %parallel_loop3A_171 : vector<16xf32>
        %parallel_loop3A_176 = arith.mulf %parallel_loop3A_144, %parallel_loop3A_174 : vector<16xf32>
        %parallel_loop3A_177 = arith.addf %parallel_loop3A_175, %parallel_loop3A_176 : vector<16xf32>
        %parallel_loop3A_178 = arith.constant 16 : i32
        %parallel_loop3A_179 = arith.muli %parallel_loop3A_138, %parallel_loop3A_178 : i32
        %parallel_loop3A_180 = arith.constant 4096 : i32
        %parallel_loop3A_181 = arith.addi %parallel_loop3A_180, %parallel_loop3A_179 : i32
        %parallel_loop3A_182 = arith.index_cast %parallel_loop3A_181 : i32 to index
        %parallel_loop3A_183 = tpu.vector_load %arg12[%parallel_loop3A_182] {strides = array<i32>} : memref<16384xf32, #tpu.memory_space<vmem>>, vector<16xf32>,
        tpu.vector_store %arg12[%parallel_loop3A_182], %parallel_loop3A_177 {strides = array<i32>} : memref<16384xf32, #tpu.memory_space<vmem>>, vector<16xf32>,
        %parallel_loop3A_184 = arith.constant 8192 : i32
        %parallel_loop3A_185 = tpu.memref_slice %arg10[%parallel_loop3A_184] : memref<32768xf32, #tpu.memory_space<vmem>> -> memref<4096xf32, #tpu.memory_space<vmem>>
        %parallel_loop3A_186 = tpu.vector_load_idx %parallel_loop3A_185[%parallel_loop3A_142] : memref<4096xf32, #tpu.memory_space<vmem>>[vector<16xi32>], vector<16xf32>,
        %parallel_loop3A_187 = arith.constant 8192 : i32
        %parallel_loop3A_188 = tpu.memref_slice %arg10[%parallel_loop3A_187] : memref<32768xf32, #tpu.memory_space<vmem>> -> memref<4096xf32, #tpu.memory_space<vmem>>
        %parallel_loop3A_189 = tpu.vector_load_idx %parallel_loop3A_188[%parallel_loop3A_150] : memref<4096xf32, #tpu.memory_space<vmem>>[vector<16xi32>], vector<16xf32>,
        %parallel_loop3A_190 = arith.mulf %parallel_loop3A_153, %parallel_loop3A_186 : vector<16xf32>
        %parallel_loop3A_191 = arith.mulf %parallel_loop3A_144, %parallel_loop3A_189 : vector<16xf32>
        %parallel_loop3A_192 = arith.addf %parallel_loop3A_190, %parallel_loop3A_191 : vector<16xf32>
        %parallel_loop3A_193 = arith.constant 16 : i32
        %parallel_loop3A_194 = arith.muli %parallel_loop3A_138, %parallel_loop3A_193 : i32
        %parallel_loop3A_195 = arith.constant 8192 : i32
        %parallel_loop3A_196 = arith.addi %parallel_loop3A_195, %parallel_loop3A_194 : i32
        %parallel_loop3A_197 = arith.index_cast %parallel_loop3A_196 : i32 to index
        %parallel_loop3A_198 = tpu.vector_load %arg12[%parallel_loop3A_197] {strides = array<i32>} : memref<16384xf32, #tpu.memory_space<vmem>>, vector<16xf32>,
        tpu.vector_store %arg12[%parallel_loop3A_197], %parallel_loop3A_192 {strides = array<i32>} : memref<16384xf32, #tpu.memory_space<vmem>>, vector<16xf32>,
        %parallel_loop3A_199 = arith.constant 12288 : i32
        %parallel_loop3A_200 = tpu.memref_slice %arg10[%parallel_loop3A_199] : memref<32768xf32, #tpu.memory_space<vmem>> -> memref<4096xf32, #tpu.memory_space<vmem>>
        %parallel_loop3A_201 = tpu.vector_load_idx %parallel_loop3A_200[%parallel_loop3A_142] : memref<4096xf32, #tpu.memory_space<vmem>>[vector<16xi32>], vector<16xf32>,
        %parallel_loop3A_202 = arith.constant 12288 : i32
        %parallel_loop3A_203 = tpu.memref_slice %arg10[%parallel_loop3A_202] : memref<32768xf32, #tpu.memory_space<vmem>> -> memref<4096xf32, #tpu.memory_space<vmem>>
        %parallel_loop3A_204 = tpu.vector_load_idx %parallel_loop3A_203[%parallel_loop3A_150] : memref<4096xf32, #tpu.memory_space<vmem>>[vector<16xi32>], vector<16xf32>,
        %parallel_loop3A_205 = arith.mulf %parallel_loop3A_153, %parallel_loop3A_201 : vector<16xf32>
        %parallel_loop3A_206 = arith.mulf %parallel_loop3A_144, %parallel_loop3A_204 : vector<16xf32>
        %parallel_loop3A_207 = arith.addf %parallel_loop3A_205, %parallel_loop3A_206 : vector<16xf32>
        %parallel_loop3A_208 = arith.constant 16 : i32
        %parallel_loop3A_209 = arith.muli %parallel_loop3A_138, %parallel_loop3A_208 : i32
        %parallel_loop3A_210 = arith.constant 12288 : i32
        %parallel_loop3A_211 = arith.addi %parallel_loop3A_210, %parallel_loop3A_209 : i32
        %parallel_loop3A_212 = arith.index_cast %parallel_loop3A_211 : i32 to index
        %parallel_loop3A_213 = tpu.vector_load %arg12[%parallel_loop3A_212] {strides = array<i32>} : memref<16384xf32, #tpu.memory_space<vmem>>, vector<16xf32>,
        tpu.vector_store %arg12[%parallel_loop3A_212], %parallel_loop3A_207 {strides = array<i32>} : memref<16384xf32, #tpu.memory_space<vmem>>, vector<16xf32>,
      } {sc.loop_unroll_factor = 8 : i64, sc.parallel_access}
      %mul3A_51 = arith.constant 2 : i32
      %mul3A_52 = arith.muli %mul3A_39, %mul3A_51 : i32
      %add3A_53 = arith.constant 0 : i32
      %add3A_54 = arith.addi %mul3A_52, %add3A_53 : i32
      %mul3A_55 = arith.constant 16384 : i32
      %mul3A_56 = arith.muli %add3A_54, %mul3A_55 : i32
      %dma_start3A_57 = tpu.memref_slice %arg5[%add3A, %mul3A_56] : memref<32x1048576xf32, #tpu.memory_space<hbm>> -> memref<1x16384xf32, #tpu.memory_space<hbm>>
      %dma_start3A_58 = tpu.memref_squeeze %dma_start3A_57 : memref<1x16384xf32, #tpu.memory_space<hbm>> -> memref<16384xf32, #tpu.memory_space<hbm>>
      %dma_start3A_59 = tpu.memref_slice %arg5[%add3A, %mul3A_56] : memref<32x1048576xf32, #tpu.memory_space<hbm>> -> memref<1x16384xf32, #tpu.memory_space<hbm>>
      %dma_start3A_60 = tpu.memref_squeeze %dma_start3A_59 : memref<1x16384xf32, #tpu.memory_space<hbm>> -> memref<16384xf32, #tpu.memory_space<hbm>>
      tpu.enqueue_dma source(%arg12 : memref<16384xf32, #tpu.memory_space<vmem>>) target(%dma_start3A_60 : memref<16384xf32, #tpu.memory_space<hbm>>) target_semaphore(%arg16 : memref<!tpu.dma_semaphore, #tpu.memory_space<semaphore_mem>>)
      %ge3A_61 = arith.constant 1 : i32
      %ge3A_62 = arith.cmpi sge, %mul3A_39, %ge3A_61 : i32
      %convert_element_type3A_63 = arith.extui %ge3A_62 : i1 to i32
      %cond3A_64 = arith.constant 0 : i32
      %cond3A_65 = arith.cmpi ne, %convert_element_type3A_63, %cond3A_64 : i32
      scf.if %cond3A_65 {
        %dma_wait3A_138 = arith.constant 0 : i32
        %dma_wait3A_139 = tpu.memref_slice %arg5[%add3A, %dma_wait3A_138] : memref<32x1048576xf32, #tpu.memory_space<hbm>> -> memref<1x16384xf32, #tpu.memory_space<hbm>>
        %dma_wait3A_140 = tpu.memref_squeeze %dma_wait3A_139 : memref<1x16384xf32, #tpu.memory_space<hbm>> -> memref<16384xf32, #tpu.memory_space<hbm>>
        %dma_wait3A_141 = arith.constant 0 : i32
        %dma_wait3A_142 = tpu.memref_slice %arg5[%add3A, %dma_wait3A_141] : memref<32x1048576xf32, #tpu.memory_space<hbm>> -> memref<1x16384xf32, #tpu.memory_space<hbm>>
        %dma_wait3A_143 = tpu.memref_squeeze %dma_wait3A_142 : memref<1x16384xf32, #tpu.memory_space<hbm>> -> memref<16384xf32, #tpu.memory_space<hbm>>
        tpu.wait_dma2 semaphore(%arg17 : memref<!tpu.dma_semaphore, #tpu.memory_space<semaphore_mem>>) src(%arg13 : memref<16384xf32, #tpu.memory_space<vmem>>) dst(%dma_wait3A_143 : memref<16384xf32, #tpu.memory_space<hbm>>)
      } else {
      }
      %parallel_loop3A_66 = arith.constant 0 : i32
      %parallel_loop3A_67 = arith.constant 256 : i32
      %parallel_loop3A_68 = arith.constant 1 : i32
      scf.for %parallel_loop3A_138 = %parallel_loop3A_66 to %parallel_loop3A_67 step %parallel_loop3A_68  : i32 {
        %parallel_loop3A_139 = arith.constant 16 : i32
        %parallel_loop3A_140 = arith.muli %parallel_loop3A_138, %parallel_loop3A_139 : i32
        %parallel_loop3A_141 = arith.index_cast %parallel_loop3A_140 : i32 to index
        %parallel_loop3A_142 = tpu.vector_load %arg8[%parallel_loop3A_141] {strides = array<i32>} : memref<4096xi32, #tpu.memory_space<vmem>>, vector<16xi32>,
        %parallel_loop3A_143 = arith.index_cast %parallel_loop3A_140 : i32 to index
        %parallel_loop3A_144 = tpu.vector_load %arg9[%parallel_loop3A_143] {strides = array<i32>} : memref<4096xf32, #tpu.memory_space<vmem>>, vector<16xf32>,
        %parallel_loop3A_145 = arith.constant 1 : i32
        %parallel_loop3A_146 = vector.broadcast %parallel_loop3A_145 : i32 to vector<16xi32>
        %parallel_loop3A_147 = arith.addi %parallel_loop3A_142, %parallel_loop3A_146 : vector<16xi32>
        %parallel_loop3A_148 = arith.constant 4095 : i32
        %parallel_loop3A_149 = vector.broadcast %parallel_loop3A_148 : i32 to vector<16xi32>
        %parallel_loop3A_150 = arith.minsi %parallel_loop3A_147, %parallel_loop3A_149 : vector<16xi32>
        %parallel_loop3A_151 = arith.constant 1.000000e+00 : f32
        %parallel_loop3A_152 = vector.broadcast %parallel_loop3A_151 : f32 to vector<16xf32>
        %parallel_loop3A_153 = arith.subf %parallel_loop3A_152, %parallel_loop3A_144 : vector<16xf32>
        %parallel_loop3A_154 = arith.constant 16384 : i32
        %parallel_loop3A_155 = tpu.memref_slice %arg10[%parallel_loop3A_154] : memref<32768xf32, #tpu.memory_space<vmem>> -> memref<4096xf32, #tpu.memory_space<vmem>>
        %parallel_loop3A_156 = tpu.vector_load_idx %parallel_loop3A_155[%parallel_loop3A_142] : memref<4096xf32, #tpu.memory_space<vmem>>[vector<16xi32>], vector<16xf32>,
        %parallel_loop3A_157 = arith.constant 16384 : i32
        %parallel_loop3A_158 = tpu.memref_slice %arg10[%parallel_loop3A_157] : memref<32768xf32, #tpu.memory_space<vmem>> -> memref<4096xf32, #tpu.memory_space<vmem>>
        %parallel_loop3A_159 = tpu.vector_load_idx %parallel_loop3A_158[%parallel_loop3A_150] : memref<4096xf32, #tpu.memory_space<vmem>>[vector<16xi32>], vector<16xf32>,
        %parallel_loop3A_160 = arith.mulf %parallel_loop3A_153, %parallel_loop3A_156 : vector<16xf32>
        %parallel_loop3A_161 = arith.mulf %parallel_loop3A_144, %parallel_loop3A_159 : vector<16xf32>
        %parallel_loop3A_162 = arith.addf %parallel_loop3A_160, %parallel_loop3A_161 : vector<16xf32>
        %parallel_loop3A_163 = arith.constant 16 : i32
        %parallel_loop3A_164 = arith.muli %parallel_loop3A_138, %parallel_loop3A_163 : i32
        %parallel_loop3A_165 = arith.constant 0 : i32
        %parallel_loop3A_166 = arith.addi %parallel_loop3A_165, %parallel_loop3A_164 : i32
        %parallel_loop3A_167 = arith.index_cast %parallel_loop3A_166 : i32 to index
        %parallel_loop3A_168 = tpu.vector_load %arg13[%parallel_loop3A_167] {strides = array<i32>} : memref<16384xf32, #tpu.memory_space<vmem>>, vector<16xf32>,
        tpu.vector_store %arg13[%parallel_loop3A_167], %parallel_loop3A_162 {strides = array<i32>} : memref<16384xf32, #tpu.memory_space<vmem>>, vector<16xf32>,
        %parallel_loop3A_169 = arith.constant 20480 : i32
        %parallel_loop3A_170 = tpu.memref_slice %arg10[%parallel_loop3A_169] : memref<32768xf32, #tpu.memory_space<vmem>> -> memref<4096xf32, #tpu.memory_space<vmem>>
        %parallel_loop3A_171 = tpu.vector_load_idx %parallel_loop3A_170[%parallel_loop3A_142] : memref<4096xf32, #tpu.memory_space<vmem>>[vector<16xi32>], vector<16xf32>,
        %parallel_loop3A_172 = arith.constant 20480 : i32
        %parallel_loop3A_173 = tpu.memref_slice %arg10[%parallel_loop3A_172] : memref<32768xf32, #tpu.memory_space<vmem>> -> memref<4096xf32, #tpu.memory_space<vmem>>
        %parallel_loop3A_174 = tpu.vector_load_idx %parallel_loop3A_173[%parallel_loop3A_150] : memref<4096xf32, #tpu.memory_space<vmem>>[vector<16xi32>], vector<16xf32>,
        %parallel_loop3A_175 = arith.mulf %parallel_loop3A_153, %parallel_loop3A_171 : vector<16xf32>
        %parallel_loop3A_176 = arith.mulf %parallel_loop3A_144, %parallel_loop3A_174 : vector<16xf32>
        %parallel_loop3A_177 = arith.addf %parallel_loop3A_175, %parallel_loop3A_176 : vector<16xf32>
        %parallel_loop3A_178 = arith.constant 16 : i32
        %parallel_loop3A_179 = arith.muli %parallel_loop3A_138, %parallel_loop3A_178 : i32
        %parallel_loop3A_180 = arith.constant 4096 : i32
        %parallel_loop3A_181 = arith.addi %parallel_loop3A_180, %parallel_loop3A_179 : i32
        %parallel_loop3A_182 = arith.index_cast %parallel_loop3A_181 : i32 to index
        %parallel_loop3A_183 = tpu.vector_load %arg13[%parallel_loop3A_182] {strides = array<i32>} : memref<16384xf32, #tpu.memory_space<vmem>>, vector<16xf32>,
        tpu.vector_store %arg13[%parallel_loop3A_182], %parallel_loop3A_177 {strides = array<i32>} : memref<16384xf32, #tpu.memory_space<vmem>>, vector<16xf32>,
        %parallel_loop3A_184 = arith.constant 24576 : i32
        %parallel_loop3A_185 = tpu.memref_slice %arg10[%parallel_loop3A_184] : memref<32768xf32, #tpu.memory_space<vmem>> -> memref<4096xf32, #tpu.memory_space<vmem>>
        %parallel_loop3A_186 = tpu.vector_load_idx %parallel_loop3A_185[%parallel_loop3A_142] : memref<4096xf32, #tpu.memory_space<vmem>>[vector<16xi32>], vector<16xf32>,
        %parallel_loop3A_187 = arith.constant 24576 : i32
        %parallel_loop3A_188 = tpu.memref_slice %arg10[%parallel_loop3A_187] : memref<32768xf32, #tpu.memory_space<vmem>> -> memref<4096xf32, #tpu.memory_space<vmem>>
        %parallel_loop3A_189 = tpu.vector_load_idx %parallel_loop3A_188[%parallel_loop3A_150] : memref<4096xf32, #tpu.memory_space<vmem>>[vector<16xi32>], vector<16xf32>,
        %parallel_loop3A_190 = arith.mulf %parallel_loop3A_153, %parallel_loop3A_186 : vector<16xf32>
        %parallel_loop3A_191 = arith.mulf %parallel_loop3A_144, %parallel_loop3A_189 : vector<16xf32>
        %parallel_loop3A_192 = arith.addf %parallel_loop3A_190, %parallel_loop3A_191 : vector<16xf32>
        %parallel_loop3A_193 = arith.constant 16 : i32
        %parallel_loop3A_194 = arith.muli %parallel_loop3A_138, %parallel_loop3A_193 : i32
        %parallel_loop3A_195 = arith.constant 8192 : i32
        %parallel_loop3A_196 = arith.addi %parallel_loop3A_195, %parallel_loop3A_194 : i32
        %parallel_loop3A_197 = arith.index_cast %parallel_loop3A_196 : i32 to index
        %parallel_loop3A_198 = tpu.vector_load %arg13[%parallel_loop3A_197] {strides = array<i32>} : memref<16384xf32, #tpu.memory_space<vmem>>, vector<16xf32>,
        tpu.vector_store %arg13[%parallel_loop3A_197], %parallel_loop3A_192 {strides = array<i32>} : memref<16384xf32, #tpu.memory_space<vmem>>, vector<16xf32>,
        %parallel_loop3A_199 = arith.constant 28672 : i32
        %parallel_loop3A_200 = tpu.memref_slice %arg10[%parallel_loop3A_199] : memref<32768xf32, #tpu.memory_space<vmem>> -> memref<4096xf32, #tpu.memory_space<vmem>>
        %parallel_loop3A_201 = tpu.vector_load_idx %parallel_loop3A_200[%parallel_loop3A_142] : memref<4096xf32, #tpu.memory_space<vmem>>[vector<16xi32>], vector<16xf32>,
        %parallel_loop3A_202 = arith.constant 28672 : i32
        %parallel_loop3A_203 = tpu.memref_slice %arg10[%parallel_loop3A_202] : memref<32768xf32, #tpu.memory_space<vmem>> -> memref<4096xf32, #tpu.memory_space<vmem>>
        %parallel_loop3A_204 = tpu.vector_load_idx %parallel_loop3A_203[%parallel_loop3A_150] : memref<4096xf32, #tpu.memory_space<vmem>>[vector<16xi32>], vector<16xf32>,
        %parallel_loop3A_205 = arith.mulf %parallel_loop3A_153, %parallel_loop3A_201 : vector<16xf32>
        %parallel_loop3A_206 = arith.mulf %parallel_loop3A_144, %parallel_loop3A_204 : vector<16xf32>
        %parallel_loop3A_207 = arith.addf %parallel_loop3A_205, %parallel_loop3A_206 : vector<16xf32>
        %parallel_loop3A_208 = arith.constant 16 : i32
        %parallel_loop3A_209 = arith.muli %parallel_loop3A_138, %parallel_loop3A_208 : i32
        %parallel_loop3A_210 = arith.constant 12288 : i32
        %parallel_loop3A_211 = arith.addi %parallel_loop3A_210, %parallel_loop3A_209 : i32
        %parallel_loop3A_212 = arith.index_cast %parallel_loop3A_211 : i32 to index
        %parallel_loop3A_213 = tpu.vector_load %arg13[%parallel_loop3A_212] {strides = array<i32>} : memref<16384xf32, #tpu.memory_space<vmem>>, vector<16xf32>,
        tpu.vector_store %arg13[%parallel_loop3A_212], %parallel_loop3A_207 {strides = array<i32>} : memref<16384xf32, #tpu.memory_space<vmem>>, vector<16xf32>,
      } {sc.loop_unroll_factor = 8 : i64, sc.parallel_access}
      %mul3A_69 = arith.constant 2 : i32
      %mul3A_70 = arith.muli %mul3A_39, %mul3A_69 : i32
      %add3A_71 = arith.constant 1 : i32
      %add3A_72 = arith.addi %mul3A_70, %add3A_71 : i32
      %mul3A_73 = arith.constant 16384 : i32
      %mul3A_74 = arith.muli %add3A_72, %mul3A_73 : i32
      %dma_start3A_75 = tpu.memref_slice %arg5[%add3A, %mul3A_74] : memref<32x1048576xf32, #tpu.memory_space<hbm>> -> memref<1x16384xf32, #tpu.memory_space<hbm>>
      %dma_start3A_76 = tpu.memref_squeeze %dma_start3A_75 : memref<1x16384xf32, #tpu.memory_space<hbm>> -> memref<16384xf32, #tpu.memory_space<hbm>>
      %dma_start3A_77 = tpu.memref_slice %arg5[%add3A, %mul3A_74] : memref<32x1048576xf32, #tpu.memory_space<hbm>> -> memref<1x16384xf32, #tpu.memory_space<hbm>>
      %dma_start3A_78 = tpu.memref_squeeze %dma_start3A_77 : memref<1x16384xf32, #tpu.memory_space<hbm>> -> memref<16384xf32, #tpu.memory_space<hbm>>
      tpu.enqueue_dma source(%arg13 : memref<16384xf32, #tpu.memory_space<vmem>>) target(%dma_start3A_78 : memref<16384xf32, #tpu.memory_space<hbm>>) target_semaphore(%arg17 : memref<!tpu.dma_semaphore, #tpu.memory_space<semaphore_mem>>)
      %add3A_79 = arith.constant 2 : i32
      %add3A_80 = arith.addi %mul3A_39, %add3A_79 : i32
      %lt3A = arith.constant 32 : i32
      %lt3A_81 = arith.cmpi slt, %add3A_80, %lt3A : i32
      %convert_element_type3A_82 = arith.extui %lt3A_81 : i1 to i32
      %cond3A_83 = arith.constant 0 : i32
      %cond3A_84 = arith.cmpi ne, %convert_element_type3A_82, %cond3A_83 : i32
      scf.if %cond3A_84 {
        %add3A_138 = arith.constant 2 : i32
        %add3A_139 = arith.addi %mul3A_39, %add3A_138 : i32
        %mul3A_140 = arith.constant 32768 : i32
        %mul3A_141 = arith.muli %add3A_139, %mul3A_140 : i32
        %dma_start3A_142 = tpu.memref_slice %arg2[%add3A, %mul3A_141] : memref<32x1048576xf32, #tpu.memory_space<hbm>> -> memref<1x32768xf32, #tpu.memory_space<hbm>>
        %dma_start3A_143 = tpu.memref_squeeze %dma_start3A_142 : memref<1x32768xf32, #tpu.memory_space<hbm>> -> memref<32768xf32, #tpu.memory_space<hbm>>
        %dma_start3A_144 = tpu.memref_slice %arg2[%add3A, %mul3A_141] : memref<32x1048576xf32, #tpu.memory_space<hbm>> -> memref<1x32768xf32, #tpu.memory_space<hbm>>
        %dma_start3A_145 = tpu.memref_squeeze %dma_start3A_144 : memref<1x32768xf32, #tpu.memory_space<hbm>> -> memref<32768xf32, #tpu.memory_space<hbm>>
        tpu.enqueue_dma source(%dma_start3A_145 : memref<32768xf32, #tpu.memory_space<hbm>>) target(%arg10 : memref<32768xf32, #tpu.memory_space<vmem>>) target_semaphore(%arg14 : memref<!tpu.dma_semaphore, #tpu.memory_space<semaphore_mem>>)
      } else {
      }
      %mul3A_85 = arith.constant 2 : i32
      %mul3A_86 = arith.muli %scan3A_37, %mul3A_85 : i32
      %add3A_87 = arith.constant 1 : i32
      %add3A_88 = arith.addi %mul3A_86, %add3A_87 : i32
      %dma_wait3A_89 = arith.constant 0 : i32
      %dma_wait3A_90 = tpu.memref_slice %arg2[%add3A, %dma_wait3A_89] : memref<32x1048576xf32, #tpu.memory_space<hbm>> -> memref<1x32768xf32, #tpu.memory_space<hbm>>
      %dma_wait3A_91 = tpu.memref_squeeze %dma_wait3A_90 : memref<1x32768xf32, #tpu.memory_space<hbm>> -> memref<32768xf32, #tpu.memory_space<hbm>>
      %dma_wait3A_92 = arith.constant 0 : i32
      %dma_wait3A_93 = tpu.memref_slice %arg2[%add3A, %dma_wait3A_92] : memref<32x1048576xf32, #tpu.memory_space<hbm>> -> memref<1x32768xf32, #tpu.memory_space<hbm>>
      %dma_wait3A_94 = tpu.memref_squeeze %dma_wait3A_93 : memref<1x32768xf32, #tpu.memory_space<hbm>> -> memref<32768xf32, #tpu.memory_space<hbm>>
      tpu.wait_dma2 semaphore(%arg15 : memref<!tpu.dma_semaphore, #tpu.memory_space<semaphore_mem>>) src(%dma_wait3A_94 : memref<32768xf32, #tpu.memory_space<hbm>>) dst(%arg11 : memref<32768xf32, #tpu.memory_space<vmem>>)
      %ge3A_95 = arith.constant 1 : i32
      %ge3A_96 = arith.cmpi sge, %add3A_88, %ge3A_95 : i32
      %convert_element_type3A_97 = arith.extui %ge3A_96 : i1 to i32
      %cond3A_98 = arith.constant 0 : i32
      %cond3A_99 = arith.cmpi ne, %convert_element_type3A_97, %cond3A_98 : i32
      scf.if %cond3A_99 {
        %dma_wait3A_138 = arith.constant 0 : i32
        %dma_wait3A_139 = tpu.memref_slice %arg5[%add3A, %dma_wait3A_138] : memref<32x1048576xf32, #tpu.memory_space<hbm>> -> memref<1x16384xf32, #tpu.memory_space<hbm>>
        %dma_wait3A_140 = tpu.memref_squeeze %dma_wait3A_139 : memref<1x16384xf32, #tpu.memory_space<hbm>> -> memref<16384xf32, #tpu.memory_space<hbm>>
        %dma_wait3A_141 = arith.constant 0 : i32
        %dma_wait3A_142 = tpu.memref_slice %arg5[%add3A, %dma_wait3A_141] : memref<32x1048576xf32, #tpu.memory_space<hbm>> -> memref<1x16384xf32, #tpu.memory_space<hbm>>
        %dma_wait3A_143 = tpu.memref_squeeze %dma_wait3A_142 : memref<1x16384xf32, #tpu.memory_space<hbm>> -> memref<16384xf32, #tpu.memory_space<hbm>>
        tpu.wait_dma2 semaphore(%arg16 : memref<!tpu.dma_semaphore, #tpu.memory_space<semaphore_mem>>) src(%arg12 : memref<16384xf32, #tpu.memory_space<vmem>>) dst(%dma_wait3A_143 : memref<16384xf32, #tpu.memory_space<hbm>>)
      } else {
      }
      %parallel_loop3A_100 = arith.constant 0 : i32
      %parallel_loop3A_101 = arith.constant 256 : i32
      %parallel_loop3A_102 = arith.constant 1 : i32
      scf.for %parallel_loop3A_138 = %parallel_loop3A_100 to %parallel_loop3A_101 step %parallel_loop3A_102  : i32 {
        %parallel_loop3A_139 = arith.constant 16 : i32
        %parallel_loop3A_140 = arith.muli %parallel_loop3A_138, %parallel_loop3A_139 : i32
        %parallel_loop3A_141 = arith.index_cast %parallel_loop3A_140 : i32 to index
        %parallel_loop3A_142 = tpu.vector_load %arg8[%parallel_loop3A_141] {strides = array<i32>} : memref<4096xi32, #tpu.memory_space<vmem>>, vector<16xi32>,
        %parallel_loop3A_143 = arith.index_cast %parallel_loop3A_140 : i32 to index
        %parallel_loop3A_144 = tpu.vector_load %arg9[%parallel_loop3A_143] {strides = array<i32>} : memref<4096xf32, #tpu.memory_space<vmem>>, vector<16xf32>,
        %parallel_loop3A_145 = arith.constant 1 : i32
        %parallel_loop3A_146 = vector.broadcast %parallel_loop3A_145 : i32 to vector<16xi32>
        %parallel_loop3A_147 = arith.addi %parallel_loop3A_142, %parallel_loop3A_146 : vector<16xi32>
        %parallel_loop3A_148 = arith.constant 4095 : i32
        %parallel_loop3A_149 = vector.broadcast %parallel_loop3A_148 : i32 to vector<16xi32>
        %parallel_loop3A_150 = arith.minsi %parallel_loop3A_147, %parallel_loop3A_149 : vector<16xi32>
        %parallel_loop3A_151 = arith.constant 1.000000e+00 : f32
        %parallel_loop3A_152 = vector.broadcast %parallel_loop3A_151 : f32 to vector<16xf32>
        %parallel_loop3A_153 = arith.subf %parallel_loop3A_152, %parallel_loop3A_144 : vector<16xf32>
        %parallel_loop3A_154 = arith.constant 0 : i32
        %parallel_loop3A_155 = tpu.memref_slice %arg11[%parallel_loop3A_154] : memref<32768xf32, #tpu.memory_space<vmem>> -> memref<4096xf32, #tpu.memory_space<vmem>>
        %parallel_loop3A_156 = tpu.vector_load_idx %parallel_loop3A_155[%parallel_loop3A_142] : memref<4096xf32, #tpu.memory_space<vmem>>[vector<16xi32>], vector<16xf32>,
        %parallel_loop3A_157 = arith.constant 0 : i32
        %parallel_loop3A_158 = tpu.memref_slice %arg11[%parallel_loop3A_157] : memref<32768xf32, #tpu.memory_space<vmem>> -> memref<4096xf32, #tpu.memory_space<vmem>>
        %parallel_loop3A_159 = tpu.vector_load_idx %parallel_loop3A_158[%parallel_loop3A_150] : memref<4096xf32, #tpu.memory_space<vmem>>[vector<16xi32>], vector<16xf32>,
        %parallel_loop3A_160 = arith.mulf %parallel_loop3A_153, %parallel_loop3A_156 : vector<16xf32>
        %parallel_loop3A_161 = arith.mulf %parallel_loop3A_144, %parallel_loop3A_159 : vector<16xf32>
        %parallel_loop3A_162 = arith.addf %parallel_loop3A_160, %parallel_loop3A_161 : vector<16xf32>
        %parallel_loop3A_163 = arith.constant 16 : i32
        %parallel_loop3A_164 = arith.muli %parallel_loop3A_138, %parallel_loop3A_163 : i32
        %parallel_loop3A_165 = arith.constant 0 : i32
        %parallel_loop3A_166 = arith.addi %parallel_loop3A_165, %parallel_loop3A_164 : i32
        %parallel_loop3A_167 = arith.index_cast %parallel_loop3A_166 : i32 to index
        %parallel_loop3A_168 = tpu.vector_load %arg12[%parallel_loop3A_167] {strides = array<i32>} : memref<16384xf32, #tpu.memory_space<vmem>>, vector<16xf32>,
        tpu.vector_store %arg12[%parallel_loop3A_167], %parallel_loop3A_162 {strides = array<i32>} : memref<16384xf32, #tpu.memory_space<vmem>>, vector<16xf32>,
        %parallel_loop3A_169 = arith.constant 4096 : i32
        %parallel_loop3A_170 = tpu.memref_slice %arg11[%parallel_loop3A_169] : memref<32768xf32, #tpu.memory_space<vmem>> -> memref<4096xf32, #tpu.memory_space<vmem>>
        %parallel_loop3A_171 = tpu.vector_load_idx %parallel_loop3A_170[%parallel_loop3A_142] : memref<4096xf32, #tpu.memory_space<vmem>>[vector<16xi32>], vector<16xf32>,
        %parallel_loop3A_172 = arith.constant 4096 : i32
        %parallel_loop3A_173 = tpu.memref_slice %arg11[%parallel_loop3A_172] : memref<32768xf32, #tpu.memory_space<vmem>> -> memref<4096xf32, #tpu.memory_space<vmem>>
        %parallel_loop3A_174 = tpu.vector_load_idx %parallel_loop3A_173[%parallel_loop3A_150] : memref<4096xf32, #tpu.memory_space<vmem>>[vector<16xi32>], vector<16xf32>,
        %parallel_loop3A_175 = arith.mulf %parallel_loop3A_153, %parallel_loop3A_171 : vector<16xf32>
        %parallel_loop3A_176 = arith.mulf %parallel_loop3A_144, %parallel_loop3A_174 : vector<16xf32>
        %parallel_loop3A_177 = arith.addf %parallel_loop3A_175, %parallel_loop3A_176 : vector<16xf32>
        %parallel_loop3A_178 = arith.constant 16 : i32
        %parallel_loop3A_179 = arith.muli %parallel_loop3A_138, %parallel_loop3A_178 : i32
        %parallel_loop3A_180 = arith.constant 4096 : i32
        %parallel_loop3A_181 = arith.addi %parallel_loop3A_180, %parallel_loop3A_179 : i32
        %parallel_loop3A_182 = arith.index_cast %parallel_loop3A_181 : i32 to index
        %parallel_loop3A_183 = tpu.vector_load %arg12[%parallel_loop3A_182] {strides = array<i32>} : memref<16384xf32, #tpu.memory_space<vmem>>, vector<16xf32>,
        tpu.vector_store %arg12[%parallel_loop3A_182], %parallel_loop3A_177 {strides = array<i32>} : memref<16384xf32, #tpu.memory_space<vmem>>, vector<16xf32>,
        %parallel_loop3A_184 = arith.constant 8192 : i32
        %parallel_loop3A_185 = tpu.memref_slice %arg11[%parallel_loop3A_184] : memref<32768xf32, #tpu.memory_space<vmem>> -> memref<4096xf32, #tpu.memory_space<vmem>>
        %parallel_loop3A_186 = tpu.vector_load_idx %parallel_loop3A_185[%parallel_loop3A_142] : memref<4096xf32, #tpu.memory_space<vmem>>[vector<16xi32>], vector<16xf32>,
        %parallel_loop3A_187 = arith.constant 8192 : i32
        %parallel_loop3A_188 = tpu.memref_slice %arg11[%parallel_loop3A_187] : memref<32768xf32, #tpu.memory_space<vmem>> -> memref<4096xf32, #tpu.memory_space<vmem>>
        %parallel_loop3A_189 = tpu.vector_load_idx %parallel_loop3A_188[%parallel_loop3A_150] : memref<4096xf32, #tpu.memory_space<vmem>>[vector<16xi32>], vector<16xf32>,
        %parallel_loop3A_190 = arith.mulf %parallel_loop3A_153, %parallel_loop3A_186 : vector<16xf32>
        %parallel_loop3A_191 = arith.mulf %parallel_loop3A_144, %parallel_loop3A_189 : vector<16xf32>
        %parallel_loop3A_192 = arith.addf %parallel_loop3A_190, %parallel_loop3A_191 : vector<16xf32>
        %parallel_loop3A_193 = arith.constant 16 : i32
        %parallel_loop3A_194 = arith.muli %parallel_loop3A_138, %parallel_loop3A_193 : i32
        %parallel_loop3A_195 = arith.constant 8192 : i32
        %parallel_loop3A_196 = arith.addi %parallel_loop3A_195, %parallel_loop3A_194 : i32
        %parallel_loop3A_197 = arith.index_cast %parallel_loop3A_196 : i32 to index
        %parallel_loop3A_198 = tpu.vector_load %arg12[%parallel_loop3A_197] {strides = array<i32>} : memref<16384xf32, #tpu.memory_space<vmem>>, vector<16xf32>,
        tpu.vector_store %arg12[%parallel_loop3A_197], %parallel_loop3A_192 {strides = array<i32>} : memref<16384xf32, #tpu.memory_space<vmem>>, vector<16xf32>,
        %parallel_loop3A_199 = arith.constant 12288 : i32
        %parallel_loop3A_200 = tpu.memref_slice %arg11[%parallel_loop3A_199] : memref<32768xf32, #tpu.memory_space<vmem>> -> memref<4096xf32, #tpu.memory_space<vmem>>
        %parallel_loop3A_201 = tpu.vector_load_idx %parallel_loop3A_200[%parallel_loop3A_142] : memref<4096xf32, #tpu.memory_space<vmem>>[vector<16xi32>], vector<16xf32>,
        %parallel_loop3A_202 = arith.constant 12288 : i32
        %parallel_loop3A_203 = tpu.memref_slice %arg11[%parallel_loop3A_202] : memref<32768xf32, #tpu.memory_space<vmem>> -> memref<4096xf32, #tpu.memory_space<vmem>>
        %parallel_loop3A_204 = tpu.vector_load_idx %parallel_loop3A_203[%parallel_loop3A_150] : memref<4096xf32, #tpu.memory_space<vmem>>[vector<16xi32>], vector<16xf32>,
        %parallel_loop3A_205 = arith.mulf %parallel_loop3A_153, %parallel_loop3A_201 : vector<16xf32>
        %parallel_loop3A_206 = arith.mulf %parallel_loop3A_144, %parallel_loop3A_204 : vector<16xf32>
        %parallel_loop3A_207 = arith.addf %parallel_loop3A_205, %parallel_loop3A_206 : vector<16xf32>
        %parallel_loop3A_208 = arith.constant 16 : i32
        %parallel_loop3A_209 = arith.muli %parallel_loop3A_138, %parallel_loop3A_208 : i32
        %parallel_loop3A_210 = arith.constant 12288 : i32
        %parallel_loop3A_211 = arith.addi %parallel_loop3A_210, %parallel_loop3A_209 : i32
        %parallel_loop3A_212 = arith.index_cast %parallel_loop3A_211 : i32 to index
        %parallel_loop3A_213 = tpu.vector_load %arg12[%parallel_loop3A_212] {strides = array<i32>} : memref<16384xf32, #tpu.memory_space<vmem>>, vector<16xf32>,
        tpu.vector_store %arg12[%parallel_loop3A_212], %parallel_loop3A_207 {strides = array<i32>} : memref<16384xf32, #tpu.memory_space<vmem>>, vector<16xf32>,
      } {sc.loop_unroll_factor = 8 : i64, sc.parallel_access}
      %mul3A_103 = arith.constant 2 : i32
      %mul3A_104 = arith.muli %add3A_88, %mul3A_103 : i32
      %add3A_105 = arith.constant 0 : i32
      %add3A_106 = arith.addi %mul3A_104, %add3A_105 : i32
      %mul3A_107 = arith.constant 16384 : i32
      %mul3A_108 = arith.muli %add3A_106, %mul3A_107 : i32
      %dma_start3A_109 = tpu.memref_slice %arg5[%add3A, %mul3A_108] : memref<32x1048576xf32, #tpu.memory_space<hbm>> -> memref<1x16384xf32, #tpu.memory_space<hbm>>
      %dma_start3A_110 = tpu.memref_squeeze %dma_start3A_109 : memref<1x16384xf32, #tpu.memory_space<hbm>> -> memref<16384xf32, #tpu.memory_space<hbm>>
      %dma_start3A_111 = tpu.memref_slice %arg5[%add3A, %mul3A_108] : memref<32x1048576xf32, #tpu.memory_space<hbm>> -> memref<1x16384xf32, #tpu.memory_space<hbm>>
      %dma_start3A_112 = tpu.memref_squeeze %dma_start3A_111 : memref<1x16384xf32, #tpu.memory_space<hbm>> -> memref<16384xf32, #tpu.memory_space<hbm>>
      tpu.enqueue_dma source(%arg12 : memref<16384xf32, #tpu.memory_space<vmem>>) target(%dma_start3A_112 : memref<16384xf32, #tpu.memory_space<hbm>>) target_semaphore(%arg16 : memref<!tpu.dma_semaphore, #tpu.memory_space<semaphore_mem>>)
      %ge3A_113 = arith.constant 1 : i32
      %ge3A_114 = arith.cmpi sge, %add3A_88, %ge3A_113 : i32
      %convert_element_type3A_115 = arith.extui %ge3A_114 : i1 to i32
      %cond3A_116 = arith.constant 0 : i32
      %cond3A_117 = arith.cmpi ne, %convert_element_type3A_115, %cond3A_116 : i32
      scf.if %cond3A_117 {
        %dma_wait3A_138 = arith.constant 0 : i32
        %dma_wait3A_139 = tpu.memref_slice %arg5[%add3A, %dma_wait3A_138] : memref<32x1048576xf32, #tpu.memory_space<hbm>> -> memref<1x16384xf32, #tpu.memory_space<hbm>>
        %dma_wait3A_140 = tpu.memref_squeeze %dma_wait3A_139 : memref<1x16384xf32, #tpu.memory_space<hbm>> -> memref<16384xf32, #tpu.memory_space<hbm>>
        %dma_wait3A_141 = arith.constant 0 : i32
        %dma_wait3A_142 = tpu.memref_slice %arg5[%add3A, %dma_wait3A_141] : memref<32x1048576xf32, #tpu.memory_space<hbm>> -> memref<1x16384xf32, #tpu.memory_space<hbm>>
        %dma_wait3A_143 = tpu.memref_squeeze %dma_wait3A_142 : memref<1x16384xf32, #tpu.memory_space<hbm>> -> memref<16384xf32, #tpu.memory_space<hbm>>
        tpu.wait_dma2 semaphore(%arg17 : memref<!tpu.dma_semaphore, #tpu.memory_space<semaphore_mem>>) src(%arg13 : memref<16384xf32, #tpu.memory_space<vmem>>) dst(%dma_wait3A_143 : memref<16384xf32, #tpu.memory_space<hbm>>)
      } else {
      }
      %parallel_loop3A_118 = arith.constant 0 : i32
      %parallel_loop3A_119 = arith.constant 256 : i32
      %parallel_loop3A_120 = arith.constant 1 : i32
      scf.for %parallel_loop3A_138 = %parallel_loop3A_118 to %parallel_loop3A_119 step %parallel_loop3A_120  : i32 {
        %parallel_loop3A_139 = arith.constant 16 : i32
        %parallel_loop3A_140 = arith.muli %parallel_loop3A_138, %parallel_loop3A_139 : i32
        %parallel_loop3A_141 = arith.index_cast %parallel_loop3A_140 : i32 to index
        %parallel_loop3A_142 = tpu.vector_load %arg8[%parallel_loop3A_141] {strides = array<i32>} : memref<4096xi32, #tpu.memory_space<vmem>>, vector<16xi32>,
        %parallel_loop3A_143 = arith.index_cast %parallel_loop3A_140 : i32 to index
        %parallel_loop3A_144 = tpu.vector_load %arg9[%parallel_loop3A_143] {strides = array<i32>} : memref<4096xf32, #tpu.memory_space<vmem>>, vector<16xf32>,
        %parallel_loop3A_145 = arith.constant 1 : i32
        %parallel_loop3A_146 = vector.broadcast %parallel_loop3A_145 : i32 to vector<16xi32>
        %parallel_loop3A_147 = arith.addi %parallel_loop3A_142, %parallel_loop3A_146 : vector<16xi32>
        %parallel_loop3A_148 = arith.constant 4095 : i32
        %parallel_loop3A_149 = vector.broadcast %parallel_loop3A_148 : i32 to vector<16xi32>
        %parallel_loop3A_150 = arith.minsi %parallel_loop3A_147, %parallel_loop3A_149 : vector<16xi32>
        %parallel_loop3A_151 = arith.constant 1.000000e+00 : f32
        %parallel_loop3A_152 = vector.broadcast %parallel_loop3A_151 : f32 to vector<16xf32>
        %parallel_loop3A_153 = arith.subf %parallel_loop3A_152, %parallel_loop3A_144 : vector<16xf32>
        %parallel_loop3A_154 = arith.constant 16384 : i32
        %parallel_loop3A_155 = tpu.memref_slice %arg11[%parallel_loop3A_154] : memref<32768xf32, #tpu.memory_space<vmem>> -> memref<4096xf32, #tpu.memory_space<vmem>>
        %parallel_loop3A_156 = tpu.vector_load_idx %parallel_loop3A_155[%parallel_loop3A_142] : memref<4096xf32, #tpu.memory_space<vmem>>[vector<16xi32>], vector<16xf32>,
        %parallel_loop3A_157 = arith.constant 16384 : i32
        %parallel_loop3A_158 = tpu.memref_slice %arg11[%parallel_loop3A_157] : memref<32768xf32, #tpu.memory_space<vmem>> -> memref<4096xf32, #tpu.memory_space<vmem>>
        %parallel_loop3A_159 = tpu.vector_load_idx %parallel_loop3A_158[%parallel_loop3A_150] : memref<4096xf32, #tpu.memory_space<vmem>>[vector<16xi32>], vector<16xf32>,
        %parallel_loop3A_160 = arith.mulf %parallel_loop3A_153, %parallel_loop3A_156 : vector<16xf32>
        %parallel_loop3A_161 = arith.mulf %parallel_loop3A_144, %parallel_loop3A_159 : vector<16xf32>
        %parallel_loop3A_162 = arith.addf %parallel_loop3A_160, %parallel_loop3A_161 : vector<16xf32>
        %parallel_loop3A_163 = arith.constant 16 : i32
        %parallel_loop3A_164 = arith.muli %parallel_loop3A_138, %parallel_loop3A_163 : i32
        %parallel_loop3A_165 = arith.constant 0 : i32
        %parallel_loop3A_166 = arith.addi %parallel_loop3A_165, %parallel_loop3A_164 : i32
        %parallel_loop3A_167 = arith.index_cast %parallel_loop3A_166 : i32 to index
        %parallel_loop3A_168 = tpu.vector_load %arg13[%parallel_loop3A_167] {strides = array<i32>} : memref<16384xf32, #tpu.memory_space<vmem>>, vector<16xf32>,
        tpu.vector_store %arg13[%parallel_loop3A_167], %parallel_loop3A_162 {strides = array<i32>} : memref<16384xf32, #tpu.memory_space<vmem>>, vector<16xf32>,
        %parallel_loop3A_169 = arith.constant 20480 : i32
        %parallel_loop3A_170 = tpu.memref_slice %arg11[%parallel_loop3A_169] : memref<32768xf32, #tpu.memory_space<vmem>> -> memref<4096xf32, #tpu.memory_space<vmem>>
        %parallel_loop3A_171 = tpu.vector_load_idx %parallel_loop3A_170[%parallel_loop3A_142] : memref<4096xf32, #tpu.memory_space<vmem>>[vector<16xi32>], vector<16xf32>,
        %parallel_loop3A_172 = arith.constant 20480 : i32
        %parallel_loop3A_173 = tpu.memref_slice %arg11[%parallel_loop3A_172] : memref<32768xf32, #tpu.memory_space<vmem>> -> memref<4096xf32, #tpu.memory_space<vmem>>
        %parallel_loop3A_174 = tpu.vector_load_idx %parallel_loop3A_173[%parallel_loop3A_150] : memref<4096xf32, #tpu.memory_space<vmem>>[vector<16xi32>], vector<16xf32>,
        %parallel_loop3A_175 = arith.mulf %parallel_loop3A_153, %parallel_loop3A_171 : vector<16xf32>
        %parallel_loop3A_176 = arith.mulf %parallel_loop3A_144, %parallel_loop3A_174 : vector<16xf32>
        %parallel_loop3A_177 = arith.addf %parallel_loop3A_175, %parallel_loop3A_176 : vector<16xf32>
        %parallel_loop3A_178 = arith.constant 16 : i32
        %parallel_loop3A_179 = arith.muli %parallel_loop3A_138, %parallel_loop3A_178 : i32
        %parallel_loop3A_180 = arith.constant 4096 : i32
        %parallel_loop3A_181 = arith.addi %parallel_loop3A_180, %parallel_loop3A_179 : i32
        %parallel_loop3A_182 = arith.index_cast %parallel_loop3A_181 : i32 to index
        %parallel_loop3A_183 = tpu.vector_load %arg13[%parallel_loop3A_182] {strides = array<i32>} : memref<16384xf32, #tpu.memory_space<vmem>>, vector<16xf32>,
        tpu.vector_store %arg13[%parallel_loop3A_182], %parallel_loop3A_177 {strides = array<i32>} : memref<16384xf32, #tpu.memory_space<vmem>>, vector<16xf32>,
        %parallel_loop3A_184 = arith.constant 24576 : i32
        %parallel_loop3A_185 = tpu.memref_slice %arg11[%parallel_loop3A_184] : memref<32768xf32, #tpu.memory_space<vmem>> -> memref<4096xf32, #tpu.memory_space<vmem>>
        %parallel_loop3A_186 = tpu.vector_load_idx %parallel_loop3A_185[%parallel_loop3A_142] : memref<4096xf32, #tpu.memory_space<vmem>>[vector<16xi32>], vector<16xf32>,
        %parallel_loop3A_187 = arith.constant 24576 : i32
        %parallel_loop3A_188 = tpu.memref_slice %arg11[%parallel_loop3A_187] : memref<32768xf32, #tpu.memory_space<vmem>> -> memref<4096xf32, #tpu.memory_space<vmem>>
        %parallel_loop3A_189 = tpu.vector_load_idx %parallel_loop3A_188[%parallel_loop3A_150] : memref<4096xf32, #tpu.memory_space<vmem>>[vector<16xi32>], vector<16xf32>,
        %parallel_loop3A_190 = arith.mulf %parallel_loop3A_153, %parallel_loop3A_186 : vector<16xf32>
        %parallel_loop3A_191 = arith.mulf %parallel_loop3A_144, %parallel_loop3A_189 : vector<16xf32>
        %parallel_loop3A_192 = arith.addf %parallel_loop3A_190, %parallel_loop3A_191 : vector<16xf32>
        %parallel_loop3A_193 = arith.constant 16 : i32
        %parallel_loop3A_194 = arith.muli %parallel_loop3A_138, %parallel_loop3A_193 : i32
        %parallel_loop3A_195 = arith.constant 8192 : i32
        %parallel_loop3A_196 = arith.addi %parallel_loop3A_195, %parallel_loop3A_194 : i32
        %parallel_loop3A_197 = arith.index_cast %parallel_loop3A_196 : i32 to index
        %parallel_loop3A_198 = tpu.vector_load %arg13[%parallel_loop3A_197] {strides = array<i32>} : memref<16384xf32, #tpu.memory_space<vmem>>, vector<16xf32>,
        tpu.vector_store %arg13[%parallel_loop3A_197], %parallel_loop3A_192 {strides = array<i32>} : memref<16384xf32, #tpu.memory_space<vmem>>, vector<16xf32>,
        %parallel_loop3A_199 = arith.constant 28672 : i32
        %parallel_loop3A_200 = tpu.memref_slice %arg11[%parallel_loop3A_199] : memref<32768xf32, #tpu.memory_space<vmem>> -> memref<4096xf32, #tpu.memory_space<vmem>>
        %parallel_loop3A_201 = tpu.vector_load_idx %parallel_loop3A_200[%parallel_loop3A_142] : memref<4096xf32, #tpu.memory_space<vmem>>[vector<16xi32>], vector<16xf32>,
        %parallel_loop3A_202 = arith.constant 28672 : i32
        %parallel_loop3A_203 = tpu.memref_slice %arg11[%parallel_loop3A_202] : memref<32768xf32, #tpu.memory_space<vmem>> -> memref<4096xf32, #tpu.memory_space<vmem>>
        %parallel_loop3A_204 = tpu.vector_load_idx %parallel_loop3A_203[%parallel_loop3A_150] : memref<4096xf32, #tpu.memory_space<vmem>>[vector<16xi32>], vector<16xf32>,
        %parallel_loop3A_205 = arith.mulf %parallel_loop3A_153, %parallel_loop3A_201 : vector<16xf32>
        %parallel_loop3A_206 = arith.mulf %parallel_loop3A_144, %parallel_loop3A_204 : vector<16xf32>
        %parallel_loop3A_207 = arith.addf %parallel_loop3A_205, %parallel_loop3A_206 : vector<16xf32>
        %parallel_loop3A_208 = arith.constant 16 : i32
        %parallel_loop3A_209 = arith.muli %parallel_loop3A_138, %parallel_loop3A_208 : i32
        %parallel_loop3A_210 = arith.constant 12288 : i32
        %parallel_loop3A_211 = arith.addi %parallel_loop3A_210, %parallel_loop3A_209 : i32
        %parallel_loop3A_212 = arith.index_cast %parallel_loop3A_211 : i32 to index
        %parallel_loop3A_213 = tpu.vector_load %arg13[%parallel_loop3A_212] {strides = array<i32>} : memref<16384xf32, #tpu.memory_space<vmem>>, vector<16xf32>,
        tpu.vector_store %arg13[%parallel_loop3A_212], %parallel_loop3A_207 {strides = array<i32>} : memref<16384xf32, #tpu.memory_space<vmem>>, vector<16xf32>,
      } {sc.loop_unroll_factor = 8 : i64, sc.parallel_access}
      %mul3A_121 = arith.constant 2 : i32
      %mul3A_122 = arith.muli %add3A_88, %mul3A_121 : i32
      %add3A_123 = arith.constant 1 : i32
      %add3A_124 = arith.addi %mul3A_122, %add3A_123 : i32
      %mul3A_125 = arith.constant 16384 : i32
      %mul3A_126 = arith.muli %add3A_124, %mul3A_125 : i32
      %dma_start3A_127 = tpu.memref_slice %arg5[%add3A, %mul3A_126] : memref<32x1048576xf32, #tpu.memory_space<hbm>> -> memref<1x16384xf32, #tpu.memory_space<hbm>>
      %dma_start3A_128 = tpu.memref_squeeze %dma_start3A_127 : memref<1x16384xf32, #tpu.memory_space<hbm>> -> memref<16384xf32, #tpu.memory_space<hbm>>
      %dma_start3A_129 = tpu.memref_slice %arg5[%add3A, %mul3A_126] : memref<32x1048576xf32, #tpu.memory_space<hbm>> -> memref<1x16384xf32, #tpu.memory_space<hbm>>
      %dma_start3A_130 = tpu.memref_squeeze %dma_start3A_129 : memref<1x16384xf32, #tpu.memory_space<hbm>> -> memref<16384xf32, #tpu.memory_space<hbm>>
      tpu.enqueue_dma source(%arg13 : memref<16384xf32, #tpu.memory_space<vmem>>) target(%dma_start3A_130 : memref<16384xf32, #tpu.memory_space<hbm>>) target_semaphore(%arg17 : memref<!tpu.dma_semaphore, #tpu.memory_space<semaphore_mem>>)
      %add3A_131 = arith.constant 2 : i32
      %add3A_132 = arith.addi %add3A_88, %add3A_131 : i32
      %lt3A_133 = arith.constant 32 : i32
      %lt3A_134 = arith.cmpi slt, %add3A_132, %lt3A_133 : i32
      %convert_element_type3A_135 = arith.extui %lt3A_134 : i1 to i32
      %cond3A_136 = arith.constant 0 : i32
      %cond3A_137 = arith.cmpi ne, %convert_element_type3A_135, %cond3A_136 : i32
      scf.if %cond3A_137 {
        %add3A_138 = arith.constant 2 : i32
        %add3A_139 = arith.addi %add3A_88, %add3A_138 : i32
        %mul3A_140 = arith.constant 32768 : i32
        %mul3A_141 = arith.muli %add3A_139, %mul3A_140 : i32
        %dma_start3A_142 = tpu.memref_slice %arg2[%add3A, %mul3A_141] : memref<32x1048576xf32, #tpu.memory_space<hbm>> -> memref<1x32768xf32, #tpu.memory_space<hbm>>
        %dma_start3A_143 = tpu.memref_squeeze %dma_start3A_142 : memref<1x32768xf32, #tpu.memory_space<hbm>> -> memref<32768xf32, #tpu.memory_space<hbm>>
        %dma_start3A_144 = tpu.memref_slice %arg2[%add3A, %mul3A_141] : memref<32x1048576xf32, #tpu.memory_space<hbm>> -> memref<1x32768xf32, #tpu.memory_space<hbm>>
        %dma_start3A_145 = tpu.memref_squeeze %dma_start3A_144 : memref<1x32768xf32, #tpu.memory_space<hbm>> -> memref<32768xf32, #tpu.memory_space<hbm>>
        tpu.enqueue_dma source(%dma_start3A_145 : memref<32768xf32, #tpu.memory_space<hbm>>) target(%arg11 : memref<32768xf32, #tpu.memory_space<vmem>>) target_semaphore(%arg15 : memref<!tpu.dma_semaphore, #tpu.memory_space<semaphore_mem>>)
      } else {
      }
    }
    %scan3A_25 = arith.constant 16 : i32
    %dma_wait3A = arith.constant 0 : i32
    %dma_wait3A_26 = tpu.memref_slice %arg5[%add3A, %dma_wait3A] : memref<32x1048576xf32, #tpu.memory_space<hbm>> -> memref<1x16384xf32, #tpu.memory_space<hbm>>
    %dma_wait3A_27 = tpu.memref_squeeze %dma_wait3A_26 : memref<1x16384xf32, #tpu.memory_space<hbm>> -> memref<16384xf32, #tpu.memory_space<hbm>>
    %dma_wait3A_28 = arith.constant 0 : i32
    %dma_wait3A_29 = tpu.memref_slice %arg5[%add3A, %dma_wait3A_28] : memref<32x1048576xf32, #tpu.memory_space<hbm>> -> memref<1x16384xf32, #tpu.memory_space<hbm>>
    %dma_wait3A_30 = tpu.memref_squeeze %dma_wait3A_29 : memref<1x16384xf32, #tpu.memory_space<hbm>> -> memref<16384xf32, #tpu.memory_space<hbm>>
    tpu.wait_dma2 semaphore(%arg16 : memref<!tpu.dma_semaphore, #tpu.memory_space<semaphore_mem>>) src(%arg12 : memref<16384xf32, #tpu.memory_space<vmem>>) dst(%dma_wait3A_30 : memref<16384xf32, #tpu.memory_space<hbm>>)
    %dma_wait3A_31 = arith.constant 0 : i32
    %dma_wait3A_32 = tpu.memref_slice %arg5[%add3A, %dma_wait3A_31] : memref<32x1048576xf32, #tpu.memory_space<hbm>> -> memref<1x16384xf32, #tpu.memory_space<hbm>>
    %dma_wait3A_33 = tpu.memref_squeeze %dma_wait3A_32 : memref<1x16384xf32, #tpu.memory_space<hbm>> -> memref<16384xf32, #tpu.memory_space<hbm>>
    %dma_wait3A_34 = arith.constant 0 : i32
    %dma_wait3A_35 = tpu.memref_slice %arg5[%add3A, %dma_wait3A_34] : memref<32x1048576xf32, #tpu.memory_space<hbm>> -> memref<1x16384xf32, #tpu.memory_space<hbm>>
    %dma_wait3A_36 = tpu.memref_squeeze %dma_wait3A_35 : memref<1x16384xf32, #tpu.memory_space<hbm>> -> memref<16384xf32, #tpu.memory_space<hbm>>
    tpu.wait_dma2 semaphore(%arg17 : memref<!tpu.dma_semaphore, #tpu.memory_space<semaphore_mem>>) src(%arg13 : memref<16384xf32, #tpu.memory_space<vmem>>) dst(%dma_wait3A_36 : memref<16384xf32, #tpu.memory_space<hbm>>)
    return
  }
}

</mosaic_0001>

<sc_bundles>
// kernel: kernel.3.cloned.1.call-start
scs
__scs_entry_jumppad:
0x0: {  	(pc) =	sbr.rel $0x88, $3  }
0x1: {  	(tag) =	ssettag $0x0;
	lr =	simm.s32 $0x1  }
0x2: {  	[smem:$0x3F9D] =	sst lr;
	_ =	strace $0xD0000000  }
0x3: {  	_ = 	snop  }
0x4: {  	_ = 	snop  }
0x5: {  	_ = 	snop  }
0x6: {  	_ = 	snop  }
0x7: {  	_ = 	snop  }
__scs_overlays_trampoline_lowered:
0x8: {  	[smem:$0x3FAC] =	sst s0  }
0x9: {  	[smem:$0x3FAD] =	sst s1  }
0xa: {  	[smem:$0x3FAE] =	sst s2  }
0xb: {  	[smem:$0x3FAF] =	sst s3  }
0xc: {  	[smem:$0x3FB0] =	sst s4  }
0xd: {  	[smem:$0x3FB1] =	sst s5  }
0xe: {  	[smem:$0x3FB2] =	sst s6  }
0xf: {  	[smem:$0x3FB3] =	sst s7  }
0x10: {  	[smem:$0x3FB4] =	sst s8  }
0x11: {  	[smem:$0x3FB5] =	sst s9;
	s0 =	simm.s32 @!p0 $0x0  }
0x12: {  	s1 =	sld [smem:$0x3F9B];
	s0 =	simm.s32 @p0 $0x1  }
0x13: {  	[smem:$0x3FB6] =	sst s0;
	s0 =	simm.s32 @!p1 $0x0  }
0x14: {  	s2 =	sld [smem:$0x3F9A];
	s0 =	simm.s32 @p1 $0x1  }
0x15: {  	[smem:$0x3FB7] =	sst s0;
	s0 =	simm.s32 @!p2 $0x0  }
0x16: {  	s3 =	sld [smem:$0x3FDB];
	s0 =	simm.s32 @p2 $0x1  }
0x17: {  	s4 =	simm.s32 $0x1BF5;
	[smem:$0x3FB9] =	sst s0  }
0x18: {  	s0 =	sld [smem:$0x3F9C];
	_ =	swait.ge [sflag:s4], $0x0  }
0x19: {  	s7 =	sld [smem:$0x3F9D]  }
0x1a: {  	s8 =	sadd.s32 $0xFFFFE003, lr  }
0x1b: {  	s9 =	sadd.s32 $0xFFFFFEF7, lr;
	s5 =	simm.s32 $0xFFFFFFFF;
	p2 =	slt.u32 s8, $0xFFFFF086  }
0x1c: {  	p1 =	slt.u32 s9, $0xF7A;
	s5 =	simm.s32 @!p2 $0x0  }
0x1d: {  	s5 =	simm.s32 @p1 $0x1;
	p0 =	seq.s32 s7, s2  }
0x1e: {  	s7 =	smul.u32 @!p0 $0xF7A, s2;
	p2 =	seq.s32 @!p0 s5, $0x0  }
0x1f: {  	s9 =	smul.u32 $0xF7A, s1;
	s8 =	simm.s32 @!p0 $0x1BF5;
	p2 =	por !p2, p0  }
0x20: {  	[sflag:s8] =	ssyncset.s32 @!p0 $0xFFFFF086;
	s6 =	sadd.s32 @!p0 s3, s7;
	s7 =	simm.s32 @!p0 $0x108  }
0x21: {  	s3 =	sadd.s32 s3, s9;
	s6 =	sadd.s32 @!p0 $0x88, s6;
	s7 =	simm.s32 @p2 $0x1082  }
0x22: {  	[simem:s7], [sflag:s8] =	dma.local @!p0 [hbm:s6], $0xF7A  }
0x23: {  	s9 =	sor.u32 $0xD0000000, s2;
	s6 =	simm.s32 $0x108;
	_ =	swait.ge @!p0 [sflag:s8], $0x0  }
0x24: {  	s3 =	sadd.s32 $0x88, s3;
	s6 =	simm.s32 @!p1 $0x1082;
	[sflag:s4] =	ssyncset.s32 $0xFFFFF086  }
0x25: {  	[simem:s6], [sflag:s4] =	dma.local [hbm:s3], $0xF7A  }
0x26: {  	[smem:$0x3F9D] =	sst s1;
	(tag) =	ssettag s2;
	_ =	strace s9  }
0x27: {  	s1 =	sld [smem:$0x3FAD]  }
0x28: {  	s2 =	sld [smem:$0x3FAE]  }
0x29: {  	s4 =	sld [smem:$0x3FB0]  }
0x2a: {  	p0 =	seq.s32 s5, $0x0;
	s5 =	sld [smem:$0x3FB1]  }
0x2b: {  	s6 =	sld [smem:$0x3FB2]  }
0x2c: {  	s7 =	sld [smem:$0x3FB3]  }
0x2d: {  	s3 =	simm.s32 $0x108;
	s8 =	sld [smem:$0x3FB4]  }
0x2e: {  	s3 =	simm.s32 @!p0 $0x1082;
	s9 =	sld [smem:$0x3FB5]  }
0x2f: {  	lr =	sadd.s32 s0, s3;
	s0 =	sld [smem:$0x3FAC]  }
0x30: {  	s3 =	sld [smem:$0x3FAF]  }
0x31: {  	[smem:$0x3FB8] =	sst s10  }
0x32: {  	s10 =	sld [smem:$0x3FB6];
	_ =	sdelay $0x3  }
0x33: {  	p0 =	seq.s32 s10, $0x1;
	s10 =	sld [smem:$0x3FB8];
	_ =	sdelay $0x3  }
0x34: {  	[smem:$0x3FB8] =	sst s10  }
0x35: {  	s10 =	sld [smem:$0x3FB7];
	_ =	sdelay $0x3  }
0x36: {  	p1 =	seq.s32 s10, $0x1;
	s10 =	sld [smem:$0x3FB8];
	_ =	sdelay $0x3  }
0x37: {  	[smem:$0x3FB8] =	sst s10  }
0x38: {  	s10 =	sld [smem:$0x3FB9]  }
0x39: {  	_ = 	snop;
	(pc) =	sbr.ind lr, $3  }
0x3a: {  	_ = 	snop  }
0x3b: {  	_ = 	snop  }
0x3c: {  	p2 =	seq.s32 s10, $0x1;
	s10 =	sld [smem:$0x3FB8]  }
0x3d: {  	_ =	shalt  }
0x3e: {  	_ =	shalt  }
0x3f: {  	_ =	shalt  }
0x40: {  	_ =	shalt  }
0x41: {  	_ =	shalt  }
0x42: {  	_ =	shalt  }
0x43: {  	_ =	shalt  }
0x44: {  	_ =	shalt  }
0x45: {  	_ =	shalt  }
0x46: {  	_ =	shalt  }
0x47: {  	_ =	shalt  }
0x48: {  	_ =	shalt  }
0x49: {  	_ =	shalt  }
0x4a: {  	_ =	shalt  }
0x4b: {  	_ =	shalt  }
0x4c: {  	_ =	shalt  }
0x4d: {  	_ =	shalt  }
0x4e: {  	_ =	shalt  }
0x4f: {  	_ =	shalt  }
0x50: {  	_ =	shalt  }
0x51: {  	_ =	shalt  }
0x52: {  	_ =	shalt  }
0x53: {  	_ =	shalt  }
0x54: {  	_ =	shalt  }
0x55: {  	_ =	shalt  }
0x56: {  	_ =	shalt  }
0x57: {  	_ =	shalt  }
0x58: {  	_ =	shalt  }
0x59: {  	_ =	shalt  }
0x5a: {  	_ =	shalt  }
0x5b: {  	_ =	shalt  }
0x5c: {  	_ =	shalt  }
0x5d: {  	_ =	shalt  }
0x5e: {  	_ =	shalt  }
0x5f: {  	_ =	shalt  }
0x60: {  	_ =	shalt  }
0x61: {  	_ =	shalt  }
0x62: {  	_ =	shalt  }
0x63: {  	_ =	shalt  }
0x64: {  	_ =	shalt  }
0x65: {  	_ =	shalt  }
0x66: {  	_ =	shalt  }
0x67: {  	_ =	shalt  }
0x68: {  	_ =	shalt  }
0x69: {  	_ =	shalt  }
0x6a: {  	_ =	shalt  }
0x6b: {  	_ =	shalt  }
0x6c: {  	_ =	shalt  }
0x6d: {  	_ =	shalt  }
0x6e: {  	_ =	shalt  }
0x6f: {  	_ =	shalt  }
0x70: {  	_ =	shalt  }
0x71: {  	_ =	shalt  }
0x72: {  	_ =	shalt  }
0x73: {  	_ =	shalt  }
0x74: {  	_ =	shalt  }
0x75: {  	_ =	shalt  }
0x76: {  	_ =	shalt  }
0x77: {  	_ =	shalt  }
0x78: {  	_ =	shalt  }
0x79: {  	_ =	shalt  }
0x7a: {  	_ =	shalt  }
0x7b: {  	_ =	shalt  }
0x7c: {  	_ =	shalt  }
0x7d: {  	_ =	shalt  }
0x7e: {  	_ =	shalt  }
0x7f: {  	_ =	shalt  }
0x80: {  	_ =	shalt  }
0x81: {  	_ =	shalt  }
0x82: {  	_ =	shalt  }
0x83: {  	_ =	shalt  }
0x84: {  	_ =	shalt  }
0x85: {  	_ =	shalt  }
0x86: {  	_ =	shalt  }
0x87: {  	_ =	shalt  }
.Lfunc_end0:
.L_simem_size_0:
called_computation.2_lowered:
.L_overlay_start_0:
0x88: {  	s2 =	sld [smem:$0x3FD9]  }
0x89: {  	s3 =	sld [smem:$0x3FFE];
	_ =	sdelay $0x1  }
0x8a: {  	s1 =	srdreg.scid  }
0x8b: {  	s0 =	sand.u32 $0x1, s1  }
0x8c: {  	s17 =	sshll.u32 s0, $0xA;
	s2 =	sadd.s32 s3, s2  }
0x8d: {  	s2 =	sadd.s32 s2, s17  }
0x8e: {  	[smem:$0x3FC4] =	sst s2  }
0x8f: {  	_ = 	snop  }
0x90: {  	s2 =	sld [smem:$0x3FC8]  }
0x91: {  	s18 =	sld [smem:$0x3FD0];
	(tm) =	ssettm $0x1  }
0x92: {  	s4 =	sld [smem:$0x3FFB];
	_ =	sdelay $0x3  }
0x93: {  	_ =	strace s4  }
0x94: {  	s4 =	sld [smem:$0x3FFC];
	_ =	sdelay $0x3  }
0x95: {  	_ =	strace s4  }
0x96: {  	s4 =	sld [smem:$0x3FFD];
	_ =	sdelay $0x3  }
0x97: {  	_ =	strace s4  }
0x98: {  	_ =	strace $0x8FFFFFFF  }
0x99: {  	s19 =	sld [smem:$0x3FDB];
	_ =	sdelay $0x1  }
0x9a: {  	s5 =	simm.s32 $_scs_section_size  }
0x9b: {  	s6 =	simm.s32 $_size__tile_overlayer_lowered;
	s7 =	simm.s32 $_tile_overlayer_lowered  }
0x9c: {  	s22 =	simm.s32 $0x1BFF;
	s21 =	sshll.u32 s7, $0x1;
	s4 =	sadd.s32 s5, s19  }
0x9d: {  	s8 =	simm.s32 $0x0;
	s20 =	sshll.u32 s6, $0x1;
	s6 =	sadd.s32 s21, s4  }
0x9e: {  	[timem:s8], [sflag:s22] =	dma.local [hbm:s6], s20  }
0x9f: {  	_ =	swait.ge [sflag:s22], s20  }
0xa0: {  	s5 =	ssub.s32 $0x0, s20;
	[sflag:s22] =	ssyncset.done $0x0  }
0xa1: {  	[sflag:s22] =	ssyncadd.s32 s5;
	_ =	sdelay $0x1  }
0xa2: {  	s23 =	simm.s32 $0x1B8B  }
0xa3: {  	_ =	swait.ge [sflag:s23], $0x1  }
0xa4: {  	[sflag:s23] =	ssyncset.done $0x0  }
0xa5: {  	s25 =	simm.s32 $0x1B8E;
	s24 =	sld [smem:$0x3FFE];
	[sflag:s23] =	ssyncadd.s32 $0xFFFFFFFF  }
0xa6: {  	s26 =	simm.s32 $execute0_lowered;
	[smem:$0x3FD2] =	sst s25  }
0xa7: {  	s6 =	sshll.u32 s26, $0x1;
	_ =	strace $0x80000049;
	[dreg:$0x1] =	wrdreg $0xFFFFFFFF  }
0xa8: {  	s28 =	simm.s32 $_size_execute0_lowered;
	s4 =	sadd.s32 s4, s6;
	[dreg:$0x0] =	wrdreg $0x0  }
0xa9: {  	s6 =	sshll.u32 s28, $0x1;
	[dreg:$0x2] =	wrdreg s4  }
0xaa: {  	[dreg:$0x3] =	wrdreg s6  }
0xab: {  	[dreg:$0x4] =	wrdreg $0xC0  }
0xac: {  	_ =	task [dreg:s8], $0x5FFFF  }
0xad: {  	[dreg:$0x1] =	wrdreg $0xFFFFFFFF  }
0xae: {  	[dreg:$0x0] =	wrdreg $0x60  }
0xaf: {  	[dreg:$0x2] =	wrdreg s18  }
0xb0: {  	[dreg:$0x3] =	wrdreg s2  }
0xb1: {  	[dreg:$0x4] =	wrdreg s24  }
0xb2: {  	[dreg:$0x5] =	wrdreg $0x9  }
0xb3: {  	_ =	task.clear_ibuf [dreg:s8], $0x6FFFF;
	_ =	strace $0x90000049  }
0xb4: {  	s29 =	simm.s32 $0x9;
	_ =	strace $0x8000004B  }
0xb5: {  	_ =	swait.ge [sflag:s29], $0x1  }
0xb6: {  	[sflag:s29] =	ssyncadd.s32 $0xFFFFFFFF  }
0xb7: {  	_ =	strace $0x9000004B  }
0xb8: {  	_ =	sfence  }
0xb9: {  	s30 =	sld [smem:$0x0];
	_ =	sdelay $0x2  }
0xba: {  	s31 =	sshll.u32 s1, $0xD;
	s1 =	sshrl.u32 s1, $0x2  }
0xbb: {  	s3 =	sand.u32 $0x4000, s31;
	s1 =	sadd.s32 s1, s30  }
0xbc: {  	s0 =	sor.u32 s3, s0;
	s1 =	sshll.u32 s1, $0x11  }
0xbd: {  	s0 =	sor.u32 s1, s0  }
0xbe: {  	s0 =	sadd.s32 $0x8F2B, s0  }
0xbf: {  	[sflag:s0] =	ssyncadd.remote.s32 $0x1  }
0xc0: {  	_ =	sfence.sel $0xFFFF  }
0xc1: {  	[dreg:$0x0] =	wrdreg $0xFFFFFFFF;
	(pc) =	sbr.abs _section_cstart, $3  }
0xc2: {  	[dreg:$0x1] =	wrdreg $0xFFFFFFFF  }
0xc3: {  	_ =	task.clear_ibuf [dreg:s8], $0x2FFFF;
	_ =	strace $0x9FFFFFFF  }
0xc4: {  	(tm) =	ssettm $0x7FFFFFFF  }
0xc5: {  	_ =	shalt  }
tec
execute0_lowered:
.L_overlay_start_1:
0x0: {  	(tag) =	ssettag $0x1  }
0x1: {  	s7 =	rddreg [dreg:$0x0]  }
0x2: {  	s0 =	rddreg [dreg:$0x1]  }
0x3: {  	s1 =	rddreg [dreg:$0x2]  }
0x4: {  	s2 =	srdreg.scid;
	s5 =	simm.s32 $0x0;
	s4 =	stileid.u32  }
0x5: {  	s13 =	simm.s32 $0x80;
	s14 =	simm.s32 $0x400;
	s15 =	simm.s32 $0x3080  }
0x6: {  	s16 =	simm.s32 $0xB080;
	s19 =	simm.s32 $0x1;
	s20 =	simm.s32 $0x4080  }
0x7: {  	s28 =	simm.s32 $0xA080;
	s30 =	simm.s32 $0x2;
	s31 =	simm.s32 $0x3  }
0x8: {  	s17 =	simm.s32 $0xE080;
	s8 =	simm.s32 $0x10080;
	s9 =	simm.s32 $0x11080  }
0x9: {  	s12 =	simm.s32 $0x12080;
	s2 =	sand.u32 $0x1, s2;
	[smem:$0x7FF] =	sst s5  }
0xa: {  	s21 =	sadd.s32 $0xC00, s1;
	s5 =	sadd.s32 $0xE00, s1;
	s3 =	sshll.u32 s2, $0x4  }
0xb: {  	_ =	strace $0x8000004A;
	[dreg:$0x4] =	wrdreg s21;
	s2 =	ssub.s32 $0x2, s2  }
0xc: {  	s21 =	simm.s32 $0x5080;
	s3 =	sor.u32 s4, s3;
	s4 =	sshll.u32 s4, $0x7  }
0xd: {  	s24 =	sshrl.u32 s2, $0x1;
	s3 =	sshrl.u32 s3, $0x3;
	s4 =	sand.u32 $0x380, s4  }
0xe: {  	s2 =	ssub.s32 s2, s24;
	s24 =	simm.s32 $0x7080;
	s6 =	sshll.u32 s3, $0x17  }
0xf: {  	s22 =	sshll.u32 s3, $0xF;
	s29 =	smax.u32 s2, $0x1;
	s2 =	simm.s32 $0xD080  }
0x10: {  	s6 =	sor.u32 s4, s6;
	s1 =	sor.u32 s4, s22;
	[dreg:$0xb] =	wrdreg s29  }
0x11: {  	s22 =	simm.s32 $0x6080;
	s4 =	simm.s32 $0xF080;
	s23 =	sshrl.u32 s6, $0x3  }
0x12: {  	s1 =	sshrl.u32 s1, $0x3;
	s25 =	sor.u32 $0x80000, s6;
	[dreg:$0x5] =	wrdreg s6  }
.Ltmp0:
0x13: {  	s26 =	sor.u32 $0xC0000, s6;
	[dreg:$0x9] =	wrdreg s25;
	(pc) =	sbr.rel .LBB2_1-.Ltmp0, $4  }
0x14: {  	s6 =	simm.s32 $0x0;
	s3 =	sadd.s32 s7, s23;
	[dreg:$0xa] =	wrdreg s26  }
0x15: {  	s0 =	sadd.s32 s0, s1;
	s25 =	simm.s32 $0x8080;
	[dreg:$0x6] =	wrdreg s3  }
0x16: {  	s26 =	simm.s32 $0x9080;
	s3 =	sadd.s32 $0x8000, s3;
	[dreg:$0x8] =	wrdreg s0  }
0x17: {  	v0 =	vimm.s32 $0x0;
	s0 =	simm.s32 $0xC080;
	[dreg:$0x7] =	wrdreg s3;
	s3 =	simm.s32 $0x4  }
.LBB2_14:
0x18: {  	_ =	swait.ge [sflag:s31], $0x4000  }
0x19: {  	[sflag:s31] =	ssyncset.done $0x0  }
0x1a: {  	[sflag:s31] =	ssyncadd.s32 $0xFFFFC000  }
0x1b: {  	_ =	swait.ge [sflag:s3], $0x4000  }
0x1c: {  	s6 =	rddreg [dreg:$0xc]  }
0x1d: {  	s1 =	rddreg [dreg:$0xb];
	s6 =	sadd.s32 $0x1, s6  }
0x1e: {  	p0 =	sne.s32 s6, s1  }
.Ltmp1:
0x1f: {  	_ = 	snop;
	(pc) =	sbr.rel @!p0 .LBB2_15-.Ltmp1, $3  }
0x20: {  	_ =	sdelay $0x1  }
0x21: {  	[sflag:s3] =	ssyncset.done $0x0  }
0x22: {  	[sflag:s3] =	ssyncadd.s32 $0xFFFFC000  }
.LBB2_1:
0x23: {  	[dreg:$0xc] =	wrdreg s6  }
0x24: {  	s1 =	rddreg [dreg:$0x6]  }
0x25: {  	[tilespmem:s15], [sflag:$0x1] =	stream.strided.gather [hbm4b:s1+s13], $0x8000, s14, s13, $0x38;
	[tilespmem:$0x1B080] =	vst v63  }
0x26: {  	s7 =	rddreg [dreg:$0x7];
	s10 =	simm.s32 $0x0  }
0x27: {  	[tilespmem:s16], [sflag:$0x2] =	stream.strided.gather [hbm4b:s7+s13], $0x8000, s14, s13, $0x38;
	[tilespmem:$0x1B080] =	vst v63  }
0x28: {  	s11 =	rddreg [dreg:$0x4];
	s18 =	simm.s32 $0x5;
	s7 =	simm.s32 $0x1000  }
0x29: {  	[tilespmem:s7], [sflag:$0x5] =	stream.linear.gather [hbm4b:s11+s10], $0x80, $0x38;
	[tilespmem:$0x1B080] =	vst v63  }
0x2a: {  	_ =	swait.ge [sflag:s18], $0x80  }
0x2b: {  	[sflag:s18] =	ssyncset.done $0x0  }
0x2c: {  	s23 =	rddreg [dreg:$0x8];
	[sflag:s18] =	ssyncadd.s32 $0xFFFFFF80  }
0x2d: {  	[tilespmem:s10], [sflag:$0x5] =	stream.strided.gather [hbm4b:s23+s13], $0x1000, s14, s13, $0x38;
	[tilespmem:$0x1B080] =	vst v63  }
0x2e: {  	_ =	swait.ge [sflag:s18], $0x1000  }
0x2f: {  	[sflag:s18] =	ssyncset.done $0x0  }
0x30: {  	s29 =	simm.s32 $0x20;
	[sflag:s18] =	ssyncadd.s32 $0xFFFFF000  }
0x31: {  	v3 =	vld [tilespmem:s29+$0x10]  }
0x32: {  	v4 =	vld [tilespmem:s29+$0xFFFFFFF0]  }
0x33: {  	v5 =	vld [tilespmem:s29+$0x0]  }
0x34: {  	v6 =	vld [tilespmem:s29+$0xFFFFFFE0]  }
0x35: {  	v1 =	vld [tilespmem:$0x1000];
	_ =	sdelay $0x1  }
0x36: {  	v2 =	vld [tilespmem:$0x1010]  }
0x37: {  	v3 =	vadd.f32 $1.000000000e+00, v3;
	v4 =	vadd.f32 $1.000000000e+00, v4  }
0x38: {  	v7 =	vld [tilespmem:$0x1020];
	v5 =	vadd.f32 $1.000000000e+00, v5;
	v6 =	vadd.f32 $1.000000000e+00, v6  }
0x39: {  	v3 =	vmul.f32 v3, v1;
	v4 =	vmul.f32 v4, v1  }
0x3a: {  	v5 =	vmul.f32 v5, v1;
	v6 =	vmul.f32 v6, v1  }
0x3b: {  	v8 =	vsub.f32 v3, v2;
	v3 =	vsub.f32 v4, v2  }
0x3c: {  	v4 =	vsub.f32 v5, v2;
	v5 =	vsub.f32 v6, v2  }
0x3d: {  	vm0 =	vgt.f32 v7, $5.000000000e-01;
	v7 =	vtrunc.f32 v8  }
0x3e: {  	v9 =	vtrunc.f32 v4;
	v11 =	vtrunc.f32 v5  }
0x3f: {  	v6 =	vcvt.f32.s32 v7;
	vm1 =	vlt.f32 v8, v7;
	v7 =	vtrunc.f32 v3  }
0x40: {  	v13 =	vcvt.f32.s32 v9;
	v10 =	vsel vm1, $0xFFFFFFFF, v0;
	v12 =	vcvt.f32.s32 v7  }
0x41: {  	vm1 =	vlt.f32 v5, v11;
	vm2 =	vlt.f32 v3, v7;
	v6 =	vadd.s32 v6, v10  }
0x42: {  	v10 =	vcvt.f32.s32 v11;
	v11 =	vcvt.s32.f32 v6;
	v7 =	vadd.s32 $0x1, v6  }
0x43: {  	vm3 =	vlt.f32 v4, v9;
	vm15 =	vgt.s32 v6, $0x0;
	vm4 =	vlt.u32 v7, $0x1000  }
0x44: {  	v7 =	vsel vm1, $0xFFFFFFFF, v0;
	v6 =	vnsel vm15, $0x0, v6;
	v8 =	vsub.f32 v8, v11  }
0x45: {  	vm1 =	vmor vm0, vm4;
	v11 =	vsel vm2, $0xFFFFFFFF, v0;
	v7 =	vadd.s32 v10, v7  }
0x46: {  	s1 =	simm.s32 $0x20A0;
	v10 =	vsel vm3, $0xFFFFFFFF, v0;
	v14 =	vmin.u32 v6, $0xFFF;
	v8 =	vnsel vm1, $0x0, v8  }
0x47: {  	s6 =	simm.s32 $0x10A0;
	v9 =	vcvt.s32.f32 v7;
	v6 =	vadd.s32 v13, v10;
	[tilespmem:s1+$0x10] =	vst v8;
	v8 =	vadd.s32 v12, v11  }
0x48: {  	s7 =	simm.s32 $0x0;
	s10 =	simm.s32 $0x60;
	v10 =	vadd.s32 $0x1, v7;
	v12 =	vcvt.s32.f32 v6;
	[tilespmem:s6+$0x10] =	vst v14;
	v11 =	vcvt.s32.f32 v8  }
.LBB2_2:
0x49: {  	v13 =	vld [tilespmem:s10+$0x10];
	v5 =	vsub.f32 v5, v9;
	v9 =	vadd.s32 $0x1, v8;
	v14 =	vadd.s32 $0x1, v6  }
0x4a: {  	s7 =	sadd.s32 $0x4, s7;
	vm1 =	vlt.u32 v10, $0x1000;
	v15 =	vld [tilespmem:s10+$0xFFFFFFF0];
	v3 =	vsub.f32 v3, v11;
	v4 =	vsub.f32 v4, v12  }
0x4b: {  	vm2 =	vgt.s32 v7, $0x0;
	p0 =	slt.u32 s7, $0xFC;
	vm3 =	vlt.u32 v9, $0x1000;
	vm4 =	vlt.u32 v14, $0x1000;
	v10 =	vld [tilespmem:s10+$0x0]  }
0x4c: {  	vm5 =	vgt.s32 v8, $0x0;
	vm6 =	vgt.s32 v6, $0x0;
	vm1 =	vmor vm0, vm1;
	v9 =	vld [tilespmem:s10+$0xFFFFFFE0]  }
0x4d: {  	v7 =	vnsel vm2, $0x0, v7;
	vm2 =	vmor vm0, vm3;
	vm3 =	vmor vm0, vm4  }
0x4e: {  	v8 =	vnsel vm5, $0x0, v8;
	v6 =	vnsel vm6, $0x0, v6;
	v11 =	vadd.f32 $1.000000000e+00, v13  }
0x4f: {  	v5 =	vnsel vm1, $0x0, v5;
	v3 =	vnsel vm2, $0x0, v3;
	v12 =	vadd.f32 $1.000000000e+00, v15  }
0x50: {  	v10 =	vadd.f32 $1.000000000e+00, v10;
	v11 =	vmul.f32 v11, v1;
	[tilespmem:s1+$0xFFFFFFE0] =	vst v5;
	v5 =	vnsel vm3, $0x0, v4  }
0x51: {  	v7 =	vmin.u32 v7, $0xFFF;
	v4 =	vadd.f32 $1.000000000e+00, v9;
	v9 =	vmul.f32 v12, v1;
	[tilespmem:s1+$0xFFFFFFF0] =	vst v3  }
0x52: {  	v10 =	vmul.f32 v10, v1;
	v11 =	vsub.f32 v11, v2;
	[tilespmem:s6+$0xFFFFFFE0] =	vst v7;
	v7 =	vmin.u32 v8, $0xFFF  }
0x53: {  	v6 =	vmin.u32 v6, $0xFFF;
	v8 =	vmul.f32 v4, v1;
	v3 =	vsub.f32 v9, v2;
	[tilespmem:s6+$0xFFFFFFF0] =	vst v7  }
0x54: {  	v4 =	vsub.f32 v10, v2;
	v7 =	vtrunc.f32 v11;
	[tilespmem:s1+$0x0] =	vst v5  }
0x55: {  	v5 =	vsub.f32 v8, v2;
	v8 =	vcvt.f32.s32 v7;
	vm1 =	vlt.f32 v11, v7;
	[tilespmem:s6+$0x0] =	vst v6  }
0x56: {  	v6 =	vtrunc.f32 v3;
	v7 =	vtrunc.f32 v4;
	v9 =	vsel vm1, $0xFFFFFFFF, v0  }
0x57: {  	v12 =	vcvt.f32.s32 v6;
	v10 =	vtrunc.f32 v5;
	v8 =	vadd.s32 v8, v9  }
0x58: {  	v9 =	vcvt.f32.s32 v10;
	vm1 =	vlt.f32 v5, v10;
	v10 =	vcvt.s32.f32 v8  }
0x59: {  	vm2 =	vlt.f32 v3, v6;
	v6 =	vcvt.f32.s32 v7;
	v13 =	vadd.s32 $0x1, v8  }
0x5a: {  	vm3 =	vlt.f32 v4, v7;
	vm4 =	vlt.u32 v13, $0x1000;
	v7 =	vsub.f32 v11, v10  }
.Ltmp2:
0x5b: {  	v10 =	vsel vm1, $0xFFFFFFFF, v0;
	vm1 =	vmor vm0, vm4;
	vm4 =	vgt.s32 v8, $0x0;
	(pc) =	sbr.rel @p0 .LBB2_2-.Ltmp2, $4  }
0x5c: {  	s1 =	sadd.s32 $0x40, s1;
	v11 =	vsel vm2, $0xFFFFFFFF, v0;
	v8 =	vnsel vm4, $0x0, v8;
	v13 =	vnsel vm1, $0x0, v7  }
0x5d: {  	s6 =	sadd.s32 $0x40, s6;
	v7 =	vadd.s32 v9, v10;
	v10 =	vsel vm3, $0xFFFFFFFF, v0;
	[tilespmem:s1+$0x10] =	vst v13;
	v13 =	vmin.u32 v8, $0xFFF  }
0x5e: {  	s18 =	simm.s32 $0x0;
	v9 =	vcvt.s32.f32 v7;
	v8 =	vadd.s32 v12, v11;
	v6 =	vadd.s32 v6, v10;
	[tilespmem:s6+$0x10] =	vst v13  }
0x5f: {  	s10 =	sadd.s32 $0x40, s10;
	v10 =	vadd.s32 $0x1, v7;
	v11 =	vcvt.s32.f32 v8;
	v12 =	vcvt.s32.f32 v6  }
0x60: {  	v1 =	vsub.f32 v5, v9;
	v2 =	vadd.s32 $0x1, v8  }
0x61: {  	v63 =	vadd.s32 $0x1, v6;
	vm1 =	vlt.u32 v10, $0x1000;
	vm3 =	vgt.s32 v7, $0x0  }
0x62: {  	v3 =	vsub.f32 v3, v11;
	vm2 =	vlt.u32 v2, $0x1000;
	vm1 =	vmor vm0, vm1  }
0x63: {  	vm12 =	vgt.s32 v8, $0x0;
	vm2 =	vmor vm0, vm2;
	v1 =	vnsel vm1, $0x0, v1  }
0x64: {  	v4 =	vsub.f32 v4, v12;
	v2 =	vnsel vm3, $0x0, v7;
	v3 =	vnsel vm2, $0x0, v3;
	[tilespmem:s1+$0xFFFFFFE0] =	vst v1  }
0x65: {  	vm13 =	vlt.u32 v63, $0x1000;
	v2 =	vmin.u32 v2, $0xFFF;
	v1 =	vnsel vm12, $0x0, v8;
	[tilespmem:s1+$0xFFFFFFF0] =	vst v3  }
0x66: {  	vm14 =	vgt.s32 v6, $0x0;
	vm15 =	vmor vm0, vm13;
	[tilespmem:s6+$0xFFFFFFE0] =	vst v2;
	v1 =	vmin.u32 v1, $0xFFF  }
0x67: {  	v2 =	vnsel vm14, $0x0, v6;
	v3 =	vnsel vm15, $0x0, v4;
	[tilespmem:s6+$0xFFFFFFF0] =	vst v1  }
0x68: {  	v1 =	vmin.u32 v2, $0xFFF;
	[tilespmem:s1+$0x0] =	vst v3  }
0x69: {  	[tilespmem:s6+$0x0] =	vst v1  }
.LBB2_4:
0x6a: {  	_ =	swait.ge [sflag:s19], $0x8000  }
0x6b: {  	p0 =	seq.s32 s18, $0x0;
	[sflag:s19] =	ssyncset.done $0x0  }
0x6c: {  	s1 =	simm.s32 @!p0 $0x3;
	[sflag:s19] =	ssyncadd.s32 $0xFFFF8000  }
0x6d: {  	_ =	swait.ge @!p0 [sflag:s1], $0x4000  }
0x6e: {  	[sflag:s1] =	ssyncset.done @!p0 $0x0  }
0x6f: {  	s29 =	simm.s32 $0x10C0;
	[sflag:s1] =	ssyncadd.s32 @!p0 $0xFFFFC000  }
0x70: {  	v31 =	vld [tilespmem:s29+$0x30]  }
0x71: {  	v18 =	vld [tilespmem:s29+$0xFFFFFFD0]  }
0x72: {  	v15 =	vld [tilespmem:s29+$0xFFFFFFE0]  }
0x73: {  	v13 =	vld [tilespmem:s29+$0xFFFFFFF0]  }
0x74: {  	v12 =	vld [tilespmem:s29+$0x0]  }
0x75: {  	v11 =	vld [tilespmem:s29+$0x10];
	v2 =	vadd.s32 $0x1, v31  }
0x76: {  	v1 =	vld [tilespmem:s29+$0x20];
	vm0 =	vlt.s32 v2, $0xFFF  }
0x77: {  	s11 =	simm.s32 $0x20C0;
	v20 =	vld [tilespmem:s29+$0xFFFFFFC0];
	v32 =	vnsel vm0, $0xFFF, v2  }
0x78: {  	v25 =	vld [tilespmem:s11+$0x30]  }
0x79: {  	v17 =	vld [tilespmem:s11+$0xFFFFFFC0]  }
0x7a: {  	v16 =	vld [tilespmem:s11+$0xFFFFFFD0]  }
0x7b: {  	v2 =	vld.idx.msk [tilespmem:v31+s15+$0x0], $0xffff  }
0x7c: {  	v3 =	vld.idx.msk [tilespmem:v32+s15+$0x0], $0xffff  }
0x7d: {  	v14 =	vld [tilespmem:s11+$0xFFFFFFE0];
	v5 =	vadd.s32 $0x1, v18  }
0x7e: {  	v6 =	vld [tilespmem:s11+$0xFFFFFFF0];
	v4 =	vadd.s32 $0x1, v20;
	v8 =	vadd.s32 $0x1, v15;
	vm1 =	vlt.s32 v5, $0xFFF  }
0x7f: {  	v29 =	vsub.f32 $1.000000000e+00, v25;
	vm10 =	vlt.s32 v4, $0xFFF;
	v24 =	vnsel vm1, $0xFFF, v5;
	v5 =	vld [tilespmem:s11+$0x0]  }
0x80: {  	vm11 =	vlt.s32 v8, $0xFFF;
	v26 =	vnsel vm10, $0xFFF, v4;
	v4 =	vld [tilespmem:s11+$0x10]  }
0x81: {  	v23 =	vnsel vm11, $0xFFF, v8;
	v7 =	vld.idx.msk [tilespmem:v18+s15+$0x0], $0xffff;
	v8 =	vmul.f32 v2, v29;
	v3 =	vmul.f32 v3, v25  }
0x82: {  	v38 =	vld.idx.msk [tilespmem:v20+s15+$0x0], $0xffff  }
0x83: {  	v39 =	vld.idx.msk [tilespmem:v15+s15+$0x0], $0xffff;
	v3 =	vadd.f32 v3, v8  }
0x84: {  	s1 =	simm.s32 $0x15080;
	v40 =	vld.idx.msk [tilespmem:v13+s15+$0x0], $0xffff;
	v8 =	vadd.s32 $0x1, v1  }
0x85: {  	v41 =	vld.idx.msk [tilespmem:v12+s15+$0x0], $0xffff;
	vm15 =	vlt.s32 v8, $0xFFF;
	[tilespmem:s1+$0xFFFFE070] =	vst v3  }
0x86: {  	v9 =	vadd.s32 $0x1, v13;
	v3 =	vnsel vm15, $0xFFF, v8;
	v8 =	vld.idx.msk [tilespmem:v31+s20+$0x0], $0xffff  }
0x87: {  	v10 =	vadd.s32 $0x1, v12;
	vm12 =	vlt.s32 v9, $0xFFF;
	v27 =	vld.idx.msk [tilespmem:v32+s20+$0x0], $0xffff  }
0x88: {  	vm13 =	vlt.s32 v10, $0xFFF;
	v21 =	vnsel vm12, $0xFFF, v9;
	v42 =	vld.idx.msk [tilespmem:v11+s15+$0x0], $0xffff  }
0x89: {  	v9 =	vadd.s32 $0x1, v11;
	v22 =	vnsel vm13, $0xFFF, v10;
	v44 =	vld.idx.msk [tilespmem:v1+s15+$0x0], $0xffff  }
0x8a: {  	vm14 =	vlt.s32 v9, $0xFFF;
	v10 =	vld.idx.msk [tilespmem:v24+s15+$0x0], $0xffff  }
0x8b: {  	v19 =	vnsel vm14, $0xFFF, v9;
	v33 =	vld.idx.msk [tilespmem:v26+s15+$0x0], $0xffff  }
0x8c: {  	v9 =	vld.idx.msk [tilespmem:v23+s15+$0x0], $0xffff;
	v8 =	vmul.f32 v8, v29;
	v28 =	vmul.f32 v27, v25  }
0x8d: {  	v34 =	vld.idx.msk [tilespmem:v21+s15+$0x0], $0xffff;
	v27 =	vsub.f32 $1.000000000e+00, v16  }
0x8e: {  	v35 =	vld.idx.msk [tilespmem:v22+s15+$0x0], $0xffff;
	v8 =	vadd.f32 v28, v8  }
0x8f: {  	v30 =	vsub.f32 $1.000000000e+00, v17;
	v2 =	vld [tilespmem:s11+$0x20];
	v10 =	vmul.f32 v10, v16;
	v7 =	vmul.f32 v7, v27  }
0x90: {  	v36 =	vld.idx.msk [tilespmem:v19+s15+$0x0], $0xffff;
	v33 =	vmul.f32 v33, v17;
	[tilespmem:s1+$0xFFFFF070] =	vst v8  }
0x91: {  	v28 =	vsub.f32 $1.000000000e+00, v14;
	v7 =	vadd.f32 v10, v7;
	v10 =	vmul.f32 v38, v30;
	v59 =	vld.idx.msk [tilespmem:v31+s21+$0x0], $0xffff  }
0x92: {  	v9 =	vmul.f32 v9, v14;
	v8 =	vsub.f32 $1.000000000e+00, v6;
	v43 =	vld.idx.msk [tilespmem:v32+s21+$0x0], $0xffff  }
0x93: {  	v37 =	vld.idx.msk [tilespmem:v3+s15+$0x0], $0xffff;
	[tilespmem:s1+$0xFFFFE010] =	vst v7;
	v7 =	vmul.f32 v39, v28;
	v10 =	vadd.f32 v33, v10  }
0x94: {  	v60 =	vmul.f32 v34, v6;
	v62 =	vmul.f32 v40, v8;
	v61 =	vld.idx.msk [tilespmem:v18+s20+$0x0], $0xffff  }
0x95: {  	v63 =	vld.idx.msk [tilespmem:v24+s20+$0x0], $0xffff;
	v7 =	vadd.f32 v9, v7;
	[tilespmem:s1+$0xFFFFE000] =	vst v10  }
0x96: {  	v33 =	vadd.f32 v60, v62;
	v48 =	vld.idx.msk [tilespmem:v20+s20+$0x0], $0xffff  }
0x97: {  	v10 =	vsub.f32 $1.000000000e+00, v5;
	v45 =	vld.idx.msk [tilespmem:v26+s20+$0x0], $0xffff;
	[tilespmem:s1+$0xFFFFE020] =	vst v7;
	v7 =	vmul.f32 v59, v29;
	v49 =	vmul.f32 v43, v25  }
0x98: {  	v35 =	vmul.f32 v35, v5;
	v9 =	vsub.f32 $1.000000000e+00, v4;
	v50 =	vld.idx.msk [tilespmem:v15+s20+$0x0], $0xffff  }
0x99: {  	v41 =	vmul.f32 v41, v10;
	[tilespmem:s1+$0xFFFFE030] =	vst v33;
	v51 =	vld.idx.msk [tilespmem:v23+s20+$0x0], $0xffff;
	v38 =	vadd.f32 v49, v7  }
0x9a: {  	v36 =	vmul.f32 v36, v4;
	v42 =	vmul.f32 v42, v9;
	v46 =	vld.idx.msk [tilespmem:v13+s20+$0x0], $0xffff  }
0x9b: {  	v52 =	vld.idx.msk [tilespmem:v21+s20+$0x0], $0xffff;
	v35 =	vadd.f32 v35, v41;
	[tilespmem:s1+$0x70] =	vst v38  }
0x9c: {  	v36 =	vadd.f32 v36, v42;
	v31 =	vld.idx.msk [tilespmem:v31+s22+$0x0], $0xffff  }
0x9d: {  	v7 =	vsub.f32 $1.000000000e+00, v2;
	v34 =	vmul.f32 v61, v27;
	v40 =	vmul.f32 v63, v16;
	[tilespmem:s1+$0xFFFFE040] =	vst v35;
	v32 =	vld.idx.msk [tilespmem:v32+s22+$0x0], $0xffff  }
0x9e: {  	v37 =	vmul.f32 v37, v2;
	v55 =	vld.idx.msk [tilespmem:v12+s20+$0x0], $0xffff  }
0x9f: {  	v53 =	vmul.f32 v44, v7;
	[tilespmem:s1+$0xFFFFE050] =	vst v36;
	v34 =	vadd.f32 v40, v34;
	v58 =	vld.idx.msk [tilespmem:v22+s20+$0x0], $0xffff  }
0xa0: {  	v56 =	vmul.f32 v48, v30;
	v57 =	vmul.f32 v45, v17;
	v59 =	vld.idx.msk [tilespmem:v11+s20+$0x0], $0xffff  }
0xa1: {  	v61 =	vld.idx.msk [tilespmem:v19+s20+$0x0], $0xffff;
	v54 =	vadd.f32 v37, v53;
	[tilespmem:s1+$0xFFFFF010] =	vst v34  }
0xa2: {  	v60 =	vadd.f32 v57, v56;
	v53 =	vld.idx.msk [tilespmem:v18+s21+$0x0], $0xffff  }
0xa3: {  	v63 =	vmul.f32 v50, v28;
	v33 =	vmul.f32 v51, v14;
	v56 =	vld.idx.msk [tilespmem:v24+s21+$0x0], $0xffff;
	[tilespmem:s1+$0xFFFFE060] =	vst v54  }
0xa4: {  	v49 =	vmul.f32 v46, v8;
	v62 =	vld.idx.msk [tilespmem:v1+s20+$0x0], $0xffff  }
0xa5: {  	v41 =	vmul.f32 v52, v6;
	[tilespmem:s1+$0xFFFFF000] =	vst v60;
	v33 =	vadd.f32 v33, v63;
	v48 =	vld.idx.msk [tilespmem:v3+s20+$0x0], $0xffff  }
0xa6: {  	v50 =	vld.idx.msk [tilespmem:v20+s21+$0x0], $0xffff  }
0xa7: {  	v52 =	vadd.f32 v41, v49;
	v51 =	vld.idx.msk [tilespmem:v26+s21+$0x0], $0xffff;
	[tilespmem:s1+$0xFFFFF020] =	vst v33  }
0xa8: {  	v54 =	vmul.f32 v55, v10;
	v55 =	vmul.f32 v58, v5;
	v57 =	vld.idx.msk [tilespmem:v15+s21+$0x0], $0xffff  }
0xa9: {  	[tilespmem:s1+$0xFFFFF030] =	vst v52;
	v58 =	vld.idx.msk [tilespmem:v23+s21+$0x0], $0xffff  }
0xaa: {  	v42 =	vmul.f32 v59, v9;
	v36 =	vmul.f32 v61, v4;
	v59 =	vld.idx.msk [tilespmem:v13+s21+$0x0], $0xffff;
	v33 =	vadd.f32 v55, v54  }
0xab: {  	v61 =	vld.idx.msk [tilespmem:v21+s21+$0x0], $0xffff  }
0xac: {  	v60 =	vadd.f32 v36, v42;
	v47 =	vmul.f32 v53, v27;
	v39 =	vmul.f32 v56, v16;
	[tilespmem:s1+$0xFFFFF040] =	vst v33  }
0xad: {  	v38 =	vmul.f32 v62, v7;
	v63 =	vld.idx.msk [tilespmem:v12+s21+$0x0], $0xffff  }
0xae: {  	v35 =	vmul.f32 v48, v2;
	[tilespmem:s1+$0xFFFFF050] =	vst v60;
	v52 =	vadd.f32 v39, v47;
	v46 =	vld.idx.msk [tilespmem:v22+s21+$0x0], $0xffff  }
0xaf: {  	v62 =	vmul.f32 v50, v30;
	v48 =	vld.idx.msk [tilespmem:v11+s21+$0x0], $0xffff  }
0xb0: {  	v34 =	vmul.f32 v51, v17;
	v49 =	vld.idx.msk [tilespmem:v19+s21+$0x0], $0xffff;
	v45 =	vadd.f32 v35, v38;
	[tilespmem:s1+$0x10] =	vst v52  }
0xb1: {  	v50 =	vmul.f32 v57, v28;
	v57 =	vld.idx.msk [tilespmem:v18+s22+$0x0], $0xffff  }
0xb2: {  	v34 =	vadd.f32 v34, v62;
	v24 =	vld.idx.msk [tilespmem:v24+s22+$0x0], $0xffff;
	[tilespmem:s1+$0xFFFFF060] =	vst v45  }
0xb3: {  	v37 =	vmul.f32 v58, v14;
	v51 =	vld.idx.msk [tilespmem:v1+s21+$0x0], $0xffff  }
0xb4: {  	v29 =	vmul.f32 v31, v29;
	v25 =	vmul.f32 v32, v25;
	[tilespmem:s1+$0x0] =	vst v34;
	v53 =	vld.idx.msk [tilespmem:v3+s21+$0x0], $0xffff  }
0xb5: {  	v54 =	vmul.f32 v59, v8;
	v55 =	vmul.f32 v61, v6;
	v31 =	vadd.f32 v37, v50;
	v20 =	vld.idx.msk [tilespmem:v20+s22+$0x0], $0xffff  }
0xb6: {  	v25 =	vadd.f32 v25, v29;
	v26 =	vld.idx.msk [tilespmem:v26+s22+$0x0], $0xffff  }
0xb7: {  	v18 =	vadd.f32 v55, v54;
	v56 =	vmul.f32 v63, v10;
	[tilespmem:s1+$0x20] =	vst v31;
	v58 =	vmul.f32 v46, v5  }
0xb8: {  	[tilespmem:s1+$0x1070] =	vst v25;
	v59 =	vmul.f32 v48, v9;
	v60 =	vmul.f32 v49, v4;
	v15 =	vld.idx.msk [tilespmem:v15+s22+$0x0], $0xffff  }
0xb9: {  	[tilespmem:s1+$0x30] =	vst v18;
	v23 =	vld.idx.msk [tilespmem:v23+s22+$0x0], $0xffff;
	v18 =	vadd.f32 v58, v56  }
0xba: {  	v13 =	vld.idx.msk [tilespmem:v13+s22+$0x0], $0xffff;
	v25 =	vadd.f32 v60, v59;
	v61 =	vmul.f32 v51, v7;
	v62 =	vmul.f32 v53, v2  }
0xbb: {  	[tilespmem:s1+$0x40] =	vst v18;
	v20 =	vmul.f32 v20, v30;
	v17 =	vmul.f32 v26, v17;
	v18 =	vld.idx.msk [tilespmem:v21+s22+$0x0], $0xffff  }
0xbc: {  	[tilespmem:s1+$0x50] =	vst v25;
	v12 =	vld.idx.msk [tilespmem:v12+s22+$0x0], $0xffff;
	v21 =	vadd.f32 v62, v61  }
0xbd: {  	v63 =	vmul.f32 v57, v27;
	v16 =	vmul.f32 v24, v16;
	v11 =	vld.idx.msk [tilespmem:v11+s22+$0x0], $0xffff;
	v26 =	vadd.f32 v17, v20  }
0xbe: {  	s7 =	sshll.u32 s18, $0x13;
	v17 =	vld.idx.msk [tilespmem:v22+s22+$0x0], $0xffff;
	v20 =	vmul.f32 v15, v28;
	[tilespmem:s1+$0x60] =	vst v21  }
0xbf: {  	s10 =	simm.s32 $0x0;
	s23 =	simm.s32 $0x1140;
	s6 =	simm.s32 $0x15080;
	v22 =	vadd.f32 v16, v63;
	v14 =	vmul.f32 v23, v14;
	v16 =	vld.idx.msk [tilespmem:v19+s22+$0x0], $0xffff;
	[tilespmem:s1+$0x1000] =	vst v26  }
.LBB2_5:
0xc0: {  	v29 =	vld [tilespmem:s23+$0x30];
	v8 =	vmul.f32 v13, v8  }
0xc1: {  	v6 =	vmul.f32 v18, v6;
	v15 =	vld [tilespmem:s23+$0xFFFFFFD0];
	[tilespmem:s1+$0x1010] =	vst v22;
	v19 =	vadd.f32 v14, v20  }
0xc2: {  	v10 =	vmul.f32 v12, v10;
	v14 =	vld [tilespmem:s23+$0xFFFFFFE0]  }
0xc3: {  	s10 =	sadd.s32 $0x8, s10;
	v6 =	vadd.f32 v6, v8;
	v5 =	vmul.f32 v17, v5;
	v13 =	vld [tilespmem:s23+$0xFFFFFFF0];
	[tilespmem:s1+$0x1020] =	vst v19  }
0xc4: {  	p1 =	slt.u32 s10, $0xF8;
	v8 =	vmul.f32 v11, v9;
	v12 =	vld [tilespmem:s23+$0x0]  }
0xc5: {  	v5 =	vadd.f32 v5, v10;
	v4 =	vmul.f32 v16, v4;
	v11 =	vld [tilespmem:s23+$0x10];
	v9 =	vadd.s32 $0x1, v29;
	[tilespmem:s1+$0x1030] =	vst v6  }
0xc6: {  	v6 =	vadd.s32 $0x1, v15;
	v10 =	vld [tilespmem:s23+$0x20];
	vm0 =	vlt.s32 v9, $0xFFF  }
0xc7: {  	v22 =	vld [tilespmem:s23+$0xFFFFFFC0];
	vm1 =	vlt.s32 v6, $0xFFF;
	v16 =	vadd.s32 $0x1, v14;
	v31 =	vnsel vm0, $0xFFF, v9;
	[tilespmem:s1+$0x1040] =	vst v5  }
0xc8: {  	v20 =	vnsel vm1, $0xFFF, v6;
	vm0 =	vlt.s32 v16, $0xFFF;
	v5 =	vadd.s32 $0x1, v13;
	v6 =	vld.idx.msk [tilespmem:v1+s22+$0x0], $0xffff  }
0xc9: {  	s11 =	sadd.s32 $0x80, s11;
	v9 =	vld.idx.msk [tilespmem:v15+s15+$0x0], $0xffff;
	v19 =	vnsel vm0, $0xFFF, v16;
	vm0 =	vlt.s32 v5, $0xFFF;
	v16 =	vadd.s32 $0x1, v12  }
0xca: {  	v18 =	vnsel vm0, $0xFFF, v5;
	vm0 =	vlt.s32 v16, $0xFFF;
	v5 =	vadd.s32 $0x1, v11;
	v30 =	vld [tilespmem:s11+$0x30]  }
0xcb: {  	v17 =	vnsel vm0, $0xFFF, v16;
	vm0 =	vlt.s32 v5, $0xFFF;
	v21 =	vadd.s32 $0x1, v10;
	v25 =	vld.idx.msk [tilespmem:v29+s15+$0x0], $0xffff;
	v1 =	vmovc v10  }
0xcc: {  	v10 =	vadd.s32 $0x1, v22;
	v16 =	vnsel vm0, $0xFFF, v5;
	vm0 =	vlt.s32 v21, $0xFFF;
	v26 =	vld.idx.msk [tilespmem:v31+s15+$0x0], $0xffff  }
0xcd: {  	v4 =	vadd.f32 v4, v8;
	v24 =	vld [tilespmem:s11+$0xFFFFFFC0];
	vm1 =	vlt.s32 v10, $0xFFF;
	v33 =	vnsel vm0, $0xFFF, v21  }
0xce: {  	v34 =	vmul.f32 v6, v7;
	v28 =	vnsel vm1, $0xFFF, v10;
	v23 =	vld [tilespmem:s11+$0xFFFFFFD0]  }
0xcf: {  	v21 =	vld [tilespmem:s11+$0xFFFFFFE0];
	[tilespmem:s1+$0x1050] =	vst v4  }
0xd0: {  	v32 =	vsub.f32 $1.000000000e+00, v30;
	v6 =	vld [tilespmem:s11+$0xFFFFFFF0]  }
0xd1: {  	v5 =	vld [tilespmem:s11+$0x0]  }
0xd2: {  	v7 =	vmul.f32 v25, v32;
	v8 =	vmul.f32 v26, v30;
	v27 =	vsub.f32 $1.000000000e+00, v24;
	v4 =	vld [tilespmem:s11+$0x10]  }
0xd3: {  	v26 =	vsub.f32 $1.000000000e+00, v23;
	v35 =	vld [tilespmem:s11+$0x20]  }
0xd4: {  	v7 =	vadd.f32 v8, v7;
	v36 =	vld.idx.msk [tilespmem:v28+s15+$0x0], $0xffff;
	v25 =	vsub.f32 $1.000000000e+00, v21  }
0xd5: {  	s1 =	sadd.s32 $0x80, s1;
	v37 =	vld.idx.msk [tilespmem:v20+s15+$0x0], $0xffff;
	v38 =	vmul.f32 v9, v26;
	v8 =	vsub.f32 $1.000000000e+00, v6  }
0xd6: {  	v39 =	vld.idx.msk [tilespmem:v19+s15+$0x0], $0xffff;
	v10 =	vsub.f32 $1.000000000e+00, v5;
	[tilespmem:s1+$0xFFFFE070] =	vst v7  }
0xd7: {  	v9 =	vsub.f32 $1.000000000e+00, v4;
	v40 =	vld.idx.msk [tilespmem:v29+s20+$0x0], $0xffff  }
0xd8: {  	v7 =	vsub.f32 $1.000000000e+00, v35;
	v41 =	vld.idx.msk [tilespmem:v31+s20+$0x0], $0xffff  }
0xd9: {  	v42 =	vld.idx.msk [tilespmem:v18+s15+$0x0], $0xffff  }
0xda: {  	v36 =	vmul.f32 v36, v24;
	v43 =	vld.idx.msk [tilespmem:v17+s15+$0x0], $0xffff  }
0xdb: {  	v37 =	vmul.f32 v37, v23;
	v44 =	vld.idx.msk [tilespmem:v16+s15+$0x0], $0xffff  }
0xdc: {  	v39 =	vmul.f32 v39, v21;
	v45 =	vld.idx.msk [tilespmem:v33+s15+$0x0], $0xffff  }
0xdd: {  	v37 =	vadd.f32 v37, v38;
	v46 =	vld.idx.msk [tilespmem:v22+s15+$0x0], $0xffff  }
0xde: {  	v40 =	vmul.f32 v40, v32;
	v41 =	vmul.f32 v41, v30;
	v38 =	vld.idx.msk [tilespmem:v14+s15+$0x0], $0xffff  }
0xdf: {  	v42 =	vmul.f32 v42, v6;
	[tilespmem:s1+$0xFFFFE010] =	vst v37;
	v37 =	vld.idx.msk [tilespmem:v13+s15+$0x0], $0xffff  }
0xe0: {  	v43 =	vmul.f32 v43, v5;
	v40 =	vadd.f32 v41, v40;
	v47 =	vld.idx.msk [tilespmem:v12+s15+$0x0], $0xffff  }
0xe1: {  	v44 =	vmul.f32 v44, v4;
	v41 =	vld.idx.msk [tilespmem:v11+s15+$0x0], $0xffff  }
0xe2: {  	v45 =	vmul.f32 v45, v35;
	v48 =	vld.idx.msk [tilespmem:v1+s15+$0x0], $0xffff;
	[tilespmem:s1+$0xFFFFF070] =	vst v40  }
0xe3: {  	v40 =	vmul.f32 v46, v27;
	v46 =	vld.idx.msk [tilespmem:v29+s21+$0x0], $0xffff  }
0xe4: {  	v38 =	vmul.f32 v38, v25;
	v49 =	vld.idx.msk [tilespmem:v31+s21+$0x0], $0xffff  }
0xe5: {  	v36 =	vadd.f32 v36, v40;
	v37 =	vmul.f32 v37, v8;
	v40 =	vld.idx.msk [tilespmem:v15+s20+$0x0], $0xffff  }
0xe6: {  	v38 =	vadd.f32 v39, v38;
	v39 =	vmul.f32 v47, v10;
	v50 =	vld.idx.msk [tilespmem:v20+s20+$0x0], $0xffff  }
0xe7: {  	[tilespmem:s1+$0xFFFFE000] =	vst v36;
	v36 =	vadd.f32 v42, v37;
	v37 =	vmul.f32 v41, v9;
	v41 =	vld.idx.msk [tilespmem:v3+s22+$0x0], $0xffff;
	v3 =	vmov v33  }
0xe8: {  	v33 =	vld.idx.msk [tilespmem:v22+s20+$0x0], $0xffff;
	[tilespmem:s1+$0xFFFFE020] =	vst v38;
	v38 =	vadd.f32 v43, v39;
	v39 =	vmul.f32 v48, v7  }
0xe9: {  	v42 =	vld.idx.msk [tilespmem:v28+s20+$0x0], $0xffff;
	[tilespmem:s1+$0xFFFFE030] =	vst v36;
	v36 =	vadd.f32 v44, v37  }
0xea: {  	[tilespmem:s1+$0xFFFFE040] =	vst v38;
	v37 =	vadd.f32 v45, v39;
	v38 =	vmul.f32 v46, v32;
	v39 =	vmul.f32 v49, v30  }
0xeb: {  	v40 =	vmul.f32 v40, v26;
	v43 =	vld.idx.msk [tilespmem:v14+s20+$0x0], $0xffff;
	[tilespmem:s1+$0xFFFFE050] =	vst v36  }
0xec: {  	v36 =	vmul.f32 v50, v23;
	v44 =	vld.idx.msk [tilespmem:v19+s20+$0x0], $0xffff;
	[tilespmem:s1+$0xFFFFE060] =	vst v37;
	v37 =	vadd.f32 v39, v38  }
0xed: {  	v39 =	vmul.f32 v41, v2;
	v2 =	vmov v35;
	v38 =	vld.idx.msk [tilespmem:v13+s20+$0x0], $0xffff  }
0xee: {  	v33 =	vmul.f32 v33, v27;
	v35 =	vadd.f32 v36, v40;
	v36 =	vld.idx.msk [tilespmem:v18+s20+$0x0], $0xffff;
	[tilespmem:s1+$0x70] =	vst v37  }
0xef: {  	v37 =	vmul.f32 v42, v24;
	v34 =	vadd.f32 v39, v34;
	v29 =	vld.idx.msk [tilespmem:v29+s22+$0x0], $0xffff  }
0xf0: {  	[tilespmem:s1+$0xFFFFF010] =	vst v35;
	v31 =	vld.idx.msk [tilespmem:v31+s22+$0x0], $0xffff  }
0xf1: {  	v33 =	vadd.f32 v37, v33;
	v35 =	vmul.f32 v43, v25;
	v37 =	vld.idx.msk [tilespmem:v12+s20+$0x0], $0xffff;
	[tilespmem:s6+$0x1060] =	vst v34;
	s6 =	smov.u32 s1  }
0xf2: {  	v34 =	vmul.f32 v44, v21;
	v39 =	vld.idx.msk [tilespmem:v17+s20+$0x0], $0xffff  }
0xf3: {  	[tilespmem:s1+$0xFFFFF000] =	vst v33;
	v33 =	vmul.f32 v38, v8;
	v38 =	vld.idx.msk [tilespmem:v11+s20+$0x0], $0xffff  }
0xf4: {  	v34 =	vadd.f32 v34, v35;
	v35 =	vmul.f32 v36, v6;
	v36 =	vld.idx.msk [tilespmem:v16+s20+$0x0], $0xffff  }
0xf5: {  	v40 =	vld.idx.msk [tilespmem:v1+s20+$0x0], $0xffff  }
0xf6: {  	v29 =	vmul.f32 v29, v32;
	v33 =	vadd.f32 v35, v33;
	v30 =	vmul.f32 v31, v30;
	v35 =	vld.idx.msk [tilespmem:v3+s20+$0x0], $0xffff  }
0xf7: {  	v32 =	vmul.f32 v37, v10;
	v31 =	vld.idx.msk [tilespmem:v22+s21+$0x0], $0xffff;
	[tilespmem:s1+$0xFFFFF020] =	vst v34  }
0xf8: {  	v29 =	vadd.f32 v30, v29;
	v34 =	vld.idx.msk [tilespmem:v28+s21+$0x0], $0xffff;
	[tilespmem:s1+$0xFFFFF030] =	vst v33;
	v33 =	vmul.f32 v39, v5  }
0xf9: {  	v37 =	vmul.f32 v38, v9;
	v30 =	vld.idx.msk [tilespmem:v15+s21+$0x0], $0xffff  }
0xfa: {  	v38 =	vld.idx.msk [tilespmem:v20+s21+$0x0], $0xffff;
	v32 =	vadd.f32 v33, v32;
	v33 =	vmul.f32 v36, v4;
	[tilespmem:s1+$0x1070] =	vst v29  }
0xfb: {  	v36 =	vmul.f32 v40, v7;
	v29 =	vld.idx.msk [tilespmem:v14+s21+$0x0], $0xffff  }
0xfc: {  	v39 =	vld.idx.msk [tilespmem:v19+s21+$0x0], $0xffff;
	[tilespmem:s1+$0xFFFFF040] =	vst v32;
	v32 =	vadd.f32 v33, v37;
	v33 =	vmul.f32 v35, v2  }
0xfd: {  	v31 =	vmul.f32 v31, v27;
	v35 =	vld.idx.msk [tilespmem:v13+s21+$0x0], $0xffff  }
0xfe: {  	v34 =	vmul.f32 v34, v24;
	v37 =	vld.idx.msk [tilespmem:v18+s21+$0x0], $0xffff;
	[tilespmem:s1+$0xFFFFF050] =	vst v32;
	v32 =	vadd.f32 v33, v36  }
0xff: {  	v30 =	vmul.f32 v30, v26;
	v33 =	vld.idx.msk [tilespmem:v12+s21+$0x0], $0xffff  }
0x100: {  	v31 =	vadd.f32 v34, v31;
	v34 =	vmul.f32 v38, v23;
	v36 =	vld.idx.msk [tilespmem:v17+s21+$0x0], $0xffff;
	[tilespmem:s1+$0xFFFFF060] =	vst v32  }
0x101: {  	v29 =	vmul.f32 v29, v25;
	v32 =	vld.idx.msk [tilespmem:v11+s21+$0x0], $0xffff  }
0x102: {  	v30 =	vadd.f32 v34, v30;
	[tilespmem:s1+$0x0] =	vst v31;
	v31 =	vmul.f32 v39, v21;
	v34 =	vld.idx.msk [tilespmem:v16+s21+$0x0], $0xffff  }
0x103: {  	v35 =	vmul.f32 v35, v8;
	v38 =	vld.idx.msk [tilespmem:v1+s21+$0x0], $0xffff  }
0x104: {  	[tilespmem:s1+$0x10] =	vst v30;
	v29 =	vadd.f32 v31, v29;
	v30 =	vmul.f32 v37, v6;
	v31 =	vld.idx.msk [tilespmem:v3+s21+$0x0], $0xffff  }
0x105: {  	v33 =	vmul.f32 v33, v10;
	v22 =	vld.idx.msk [tilespmem:v22+s22+$0x0], $0xffff  }
0x106: {  	v28 =	vld.idx.msk [tilespmem:v28+s22+$0x0], $0xffff;
	[tilespmem:s1+$0x20] =	vst v29;
	v29 =	vadd.f32 v30, v35;
	v30 =	vmul.f32 v36, v5  }
0x107: {  	v32 =	vmul.f32 v32, v9;
	v15 =	vld.idx.msk [tilespmem:v15+s22+$0x0], $0xffff  }
0x108: {  	v20 =	vld.idx.msk [tilespmem:v20+s22+$0x0], $0xffff;
	[tilespmem:s1+$0x30] =	vst v29;
	v29 =	vadd.f32 v30, v33;
	v30 =	vmul.f32 v34, v4  }
0x109: {  	v33 =	vmul.f32 v38, v7;
	v14 =	vld.idx.msk [tilespmem:v14+s22+$0x0], $0xffff  }
0x10a: {  	v19 =	vld.idx.msk [tilespmem:v19+s22+$0x0], $0xffff;
	[tilespmem:s1+$0x40] =	vst v29;
	v29 =	vadd.f32 v30, v32;
	v30 =	vmul.f32 v31, v2  }
0x10b: {  	v22 =	vmul.f32 v22, v27;
	v13 =	vld.idx.msk [tilespmem:v13+s22+$0x0], $0xffff  }
.Ltmp3:
0x10c: {  	v24 =	vmul.f32 v28, v24;
	v18 =	vld.idx.msk [tilespmem:v18+s22+$0x0], $0xffff;
	[tilespmem:s1+$0x50] =	vst v29;
	v27 =	vadd.f32 v30, v33;
	(pc) =	sbr.rel @p1 .LBB2_5-.Ltmp3, $4  }
0x10d: {  	v15 =	vmul.f32 v15, v26;
	v12 =	vld.idx.msk [tilespmem:v12+s22+$0x0], $0xffff  }
0x10e: {  	v22 =	vadd.f32 v24, v22;
	v23 =	vmul.f32 v20, v23;
	v17 =	vld.idx.msk [tilespmem:v17+s22+$0x0], $0xffff;
	[tilespmem:s1+$0x60] =	vst v27  }
0x10f: {  	v20 =	vmul.f32 v14, v25;
	v11 =	vld.idx.msk [tilespmem:v11+s22+$0x0], $0xffff  }
0x110: {  	s23 =	sadd.s32 $0x80, s23;
	v14 =	vmul.f32 v19, v21;
	[tilespmem:s1+$0x1000] =	vst v22;
	v22 =	vadd.f32 v23, v15;
	v16 =	vld.idx.msk [tilespmem:v16+s22+$0x0], $0xffff  }
0x111: {  	_ =	sdelay $0x3  }
0x112: {  	v1 =	vld.idx.msk [tilespmem:v1+s22+$0x0], $0xffff  }
0x113: {  	v3 =	vld.idx.msk [tilespmem:v3+s22+$0x0], $0xffff;
	v8 =	vmul.f32 v13, v8;
	v6 =	vmul.f32 v18, v6  }
0x114: {  	v13 =	vadd.f32 v14, v20;
	v10 =	vmul.f32 v12, v10;
	v5 =	vmul.f32 v17, v5  }
0x115: {  	[tilespmem:s1+$0x1010] =	vst v22;
	v6 =	vadd.f32 v6, v8  }
0x116: {  	[tilespmem:s1+$0x1020] =	vst v13;
	v5 =	vadd.f32 v5, v10  }
0x117: {  	v8 =	vmul.f32 v11, v9;
	v4 =	vmul.f32 v16, v4;
	[tilespmem:s1+$0x1030] =	vst v6  }
0x118: {  	v1 =	vmul.f32 v1, v7;
	v2 =	vmul.f32 v3, v2;
	[tilespmem:s1+$0x1040] =	vst v5  }
0x119: {  	v3 =	vadd.f32 v4, v8;
	s10 =	rddreg [dreg:$0x5]  }
0x11a: {  	v1 =	vadd.f32 v2, v1;
	s10 =	sor.u32 s7, s10  }
0x11b: {  	[tilespmem:s1+$0x1050] =	vst v3;
	s11 =	sshrl.u32 s10, $0x3  }
0x11c: {  	s1 =	simm.s32 @!p0 $0x4;
	[tilespmem:s6+$0x1060] =	vst v1;
	s10 =	simm.s32 $0x13080;
	s6 =	sadd.s32 s5, s11  }
0x11d: {  	[hbm4b:s6+s13] =	stream.strided.scatter [tilespmem:s10], [sflag:$0x3], $0x4000, s14, s13, $0x38;
	[tilespmem:$0x1B080] =	vst v63  }
0x11e: {  	_ =	swait.ge @!p0 [sflag:s1], $0x4000  }
0x11f: {  	[sflag:s1] =	ssyncset.done @!p0 $0x0  }
0x120: {  	s23 =	simm.s32 $0x10C0;
	[sflag:s1] =	ssyncadd.s32 @!p0 $0xFFFFC000  }
0x121: {  	v31 =	vld [tilespmem:s23+$0x30]  }
0x122: {  	v18 =	vld [tilespmem:s23+$0xFFFFFFD0]  }
0x123: {  	v15 =	vld [tilespmem:s23+$0xFFFFFFE0]  }
0x124: {  	v13 =	vld [tilespmem:s23+$0xFFFFFFF0]  }
0x125: {  	v12 =	vld [tilespmem:s23+$0x0]  }
0x126: {  	v11 =	vld [tilespmem:s23+$0x10];
	v2 =	vadd.s32 $0x1, v31  }
0x127: {  	v1 =	vld [tilespmem:s23+$0x20];
	vm0 =	vlt.s32 v2, $0xFFF  }
0x128: {  	s1 =	simm.s32 $0x20C0;
	v20 =	vld [tilespmem:s23+$0xFFFFFFC0];
	v32 =	vnsel vm0, $0xFFF, v2  }
0x129: {  	v25 =	vld [tilespmem:s1+$0x30]  }
0x12a: {  	v17 =	vld [tilespmem:s1+$0xFFFFFFC0]  }
0x12b: {  	v16 =	vld [tilespmem:s1+$0xFFFFFFD0]  }
0x12c: {  	v2 =	vld.idx.msk [tilespmem:v31+s24+$0x0], $0xffff  }
0x12d: {  	v3 =	vld.idx.msk [tilespmem:v32+s24+$0x0], $0xffff  }
0x12e: {  	v14 =	vld [tilespmem:s1+$0xFFFFFFE0];
	v5 =	vadd.s32 $0x1, v18  }
0x12f: {  	v6 =	vld [tilespmem:s1+$0xFFFFFFF0];
	v4 =	vadd.s32 $0x1, v20;
	v8 =	vadd.s32 $0x1, v15;
	vm1 =	vlt.s32 v5, $0xFFF  }
0x130: {  	v29 =	vsub.f32 $1.000000000e+00, v25;
	vm10 =	vlt.s32 v4, $0xFFF;
	v24 =	vnsel vm1, $0xFFF, v5;
	v5 =	vld [tilespmem:s1+$0x0]  }
0x131: {  	vm11 =	vlt.s32 v8, $0xFFF;
	v26 =	vnsel vm10, $0xFFF, v4;
	v4 =	vld [tilespmem:s1+$0x10]  }
0x132: {  	v23 =	vnsel vm11, $0xFFF, v8;
	v7 =	vld.idx.msk [tilespmem:v18+s24+$0x0], $0xffff;
	v8 =	vmul.f32 v2, v29;
	v3 =	vmul.f32 v3, v25  }
0x133: {  	v38 =	vld.idx.msk [tilespmem:v20+s24+$0x0], $0xffff  }
0x134: {  	v39 =	vld.idx.msk [tilespmem:v15+s24+$0x0], $0xffff;
	v3 =	vadd.f32 v3, v8  }
0x135: {  	s6 =	simm.s32 $0x19080;
	v40 =	vld.idx.msk [tilespmem:v13+s24+$0x0], $0xffff;
	v8 =	vadd.s32 $0x1, v1  }
0x136: {  	v41 =	vld.idx.msk [tilespmem:v12+s24+$0x0], $0xffff;
	vm15 =	vlt.s32 v8, $0xFFF;
	[tilespmem:s6+$0xFFFFE070] =	vst v3  }
0x137: {  	v9 =	vadd.s32 $0x1, v13;
	v3 =	vnsel vm15, $0xFFF, v8;
	v8 =	vld.idx.msk [tilespmem:v31+s25+$0x0], $0xffff  }
0x138: {  	v10 =	vadd.s32 $0x1, v12;
	vm12 =	vlt.s32 v9, $0xFFF;
	v27 =	vld.idx.msk [tilespmem:v32+s25+$0x0], $0xffff  }
0x139: {  	vm13 =	vlt.s32 v10, $0xFFF;
	v21 =	vnsel vm12, $0xFFF, v9;
	v42 =	vld.idx.msk [tilespmem:v11+s24+$0x0], $0xffff  }
0x13a: {  	v9 =	vadd.s32 $0x1, v11;
	v22 =	vnsel vm13, $0xFFF, v10;
	v44 =	vld.idx.msk [tilespmem:v1+s24+$0x0], $0xffff  }
0x13b: {  	vm14 =	vlt.s32 v9, $0xFFF;
	v10 =	vld.idx.msk [tilespmem:v24+s24+$0x0], $0xffff  }
0x13c: {  	v19 =	vnsel vm14, $0xFFF, v9;
	v33 =	vld.idx.msk [tilespmem:v26+s24+$0x0], $0xffff  }
0x13d: {  	v9 =	vld.idx.msk [tilespmem:v23+s24+$0x0], $0xffff;
	v8 =	vmul.f32 v8, v29;
	v28 =	vmul.f32 v27, v25  }
0x13e: {  	v34 =	vld.idx.msk [tilespmem:v21+s24+$0x0], $0xffff;
	v27 =	vsub.f32 $1.000000000e+00, v16  }
0x13f: {  	v35 =	vld.idx.msk [tilespmem:v22+s24+$0x0], $0xffff;
	v8 =	vadd.f32 v28, v8  }
0x140: {  	v30 =	vsub.f32 $1.000000000e+00, v17;
	v2 =	vld [tilespmem:s1+$0x20];
	v10 =	vmul.f32 v10, v16;
	v7 =	vmul.f32 v7, v27  }
0x141: {  	v36 =	vld.idx.msk [tilespmem:v19+s24+$0x0], $0xffff;
	v33 =	vmul.f32 v33, v17;
	[tilespmem:s6+$0xFFFFF070] =	vst v8  }
0x142: {  	v28 =	vsub.f32 $1.000000000e+00, v14;
	v7 =	vadd.f32 v10, v7;
	v10 =	vmul.f32 v38, v30;
	v59 =	vld.idx.msk [tilespmem:v31+s26+$0x0], $0xffff  }
0x143: {  	v9 =	vmul.f32 v9, v14;
	v8 =	vsub.f32 $1.000000000e+00, v6;
	v43 =	vld.idx.msk [tilespmem:v32+s26+$0x0], $0xffff  }
0x144: {  	v37 =	vld.idx.msk [tilespmem:v3+s24+$0x0], $0xffff;
	[tilespmem:s6+$0xFFFFE010] =	vst v7;
	v7 =	vmul.f32 v39, v28;
	v10 =	vadd.f32 v33, v10  }
0x145: {  	v60 =	vmul.f32 v34, v6;
	v62 =	vmul.f32 v40, v8;
	v61 =	vld.idx.msk [tilespmem:v18+s25+$0x0], $0xffff  }
0x146: {  	v63 =	vld.idx.msk [tilespmem:v24+s25+$0x0], $0xffff;
	v7 =	vadd.f32 v9, v7;
	[tilespmem:s6+$0xFFFFE000] =	vst v10  }
0x147: {  	v33 =	vadd.f32 v60, v62;
	v48 =	vld.idx.msk [tilespmem:v20+s25+$0x0], $0xffff  }
0x148: {  	v10 =	vsub.f32 $1.000000000e+00, v5;
	v45 =	vld.idx.msk [tilespmem:v26+s25+$0x0], $0xffff;
	[tilespmem:s6+$0xFFFFE020] =	vst v7;
	v7 =	vmul.f32 v59, v29;
	v49 =	vmul.f32 v43, v25  }
0x149: {  	v35 =	vmul.f32 v35, v5;
	v9 =	vsub.f32 $1.000000000e+00, v4;
	v50 =	vld.idx.msk [tilespmem:v15+s25+$0x0], $0xffff  }
0x14a: {  	v41 =	vmul.f32 v41, v10;
	[tilespmem:s6+$0xFFFFE030] =	vst v33;
	v51 =	vld.idx.msk [tilespmem:v23+s25+$0x0], $0xffff;
	v38 =	vadd.f32 v49, v7  }
0x14b: {  	v36 =	vmul.f32 v36, v4;
	v42 =	vmul.f32 v42, v9;
	v46 =	vld.idx.msk [tilespmem:v13+s25+$0x0], $0xffff  }
0x14c: {  	v52 =	vld.idx.msk [tilespmem:v21+s25+$0x0], $0xffff;
	v35 =	vadd.f32 v35, v41;
	[tilespmem:s6+$0x70] =	vst v38  }
0x14d: {  	v36 =	vadd.f32 v36, v42;
	v31 =	vld.idx.msk [tilespmem:v31+s28+$0x0], $0xffff  }
0x14e: {  	v7 =	vsub.f32 $1.000000000e+00, v2;
	v34 =	vmul.f32 v61, v27;
	v40 =	vmul.f32 v63, v16;
	[tilespmem:s6+$0xFFFFE040] =	vst v35;
	v32 =	vld.idx.msk [tilespmem:v32+s28+$0x0], $0xffff  }
0x14f: {  	v37 =	vmul.f32 v37, v2;
	v55 =	vld.idx.msk [tilespmem:v12+s25+$0x0], $0xffff  }
0x150: {  	v53 =	vmul.f32 v44, v7;
	[tilespmem:s6+$0xFFFFE050] =	vst v36;
	v34 =	vadd.f32 v40, v34;
	v58 =	vld.idx.msk [tilespmem:v22+s25+$0x0], $0xffff  }
0x151: {  	v56 =	vmul.f32 v48, v30;
	v57 =	vmul.f32 v45, v17;
	v59 =	vld.idx.msk [tilespmem:v11+s25+$0x0], $0xffff  }
0x152: {  	v61 =	vld.idx.msk [tilespmem:v19+s25+$0x0], $0xffff;
	v54 =	vadd.f32 v37, v53;
	[tilespmem:s6+$0xFFFFF010] =	vst v34  }
0x153: {  	v60 =	vadd.f32 v57, v56;
	v53 =	vld.idx.msk [tilespmem:v18+s26+$0x0], $0xffff  }
0x154: {  	v63 =	vmul.f32 v50, v28;
	v33 =	vmul.f32 v51, v14;
	v56 =	vld.idx.msk [tilespmem:v24+s26+$0x0], $0xffff;
	[tilespmem:s6+$0xFFFFE060] =	vst v54  }
0x155: {  	v49 =	vmul.f32 v46, v8;
	v62 =	vld.idx.msk [tilespmem:v1+s25+$0x0], $0xffff  }
0x156: {  	v41 =	vmul.f32 v52, v6;
	[tilespmem:s6+$0xFFFFF000] =	vst v60;
	v33 =	vadd.f32 v33, v63;
	v48 =	vld.idx.msk [tilespmem:v3+s25+$0x0], $0xffff  }
0x157: {  	v50 =	vld.idx.msk [tilespmem:v20+s26+$0x0], $0xffff  }
0x158: {  	v52 =	vadd.f32 v41, v49;
	v51 =	vld.idx.msk [tilespmem:v26+s26+$0x0], $0xffff;
	[tilespmem:s6+$0xFFFFF020] =	vst v33  }
0x159: {  	v54 =	vmul.f32 v55, v10;
	v55 =	vmul.f32 v58, v5;
	v57 =	vld.idx.msk [tilespmem:v15+s26+$0x0], $0xffff  }
0x15a: {  	[tilespmem:s6+$0xFFFFF030] =	vst v52;
	v58 =	vld.idx.msk [tilespmem:v23+s26+$0x0], $0xffff  }
0x15b: {  	v42 =	vmul.f32 v59, v9;
	v36 =	vmul.f32 v61, v4;
	v59 =	vld.idx.msk [tilespmem:v13+s26+$0x0], $0xffff;
	v33 =	vadd.f32 v55, v54  }
0x15c: {  	v61 =	vld.idx.msk [tilespmem:v21+s26+$0x0], $0xffff  }
0x15d: {  	v60 =	vadd.f32 v36, v42;
	v47 =	vmul.f32 v53, v27;
	v39 =	vmul.f32 v56, v16;
	[tilespmem:s6+$0xFFFFF040] =	vst v33  }
0x15e: {  	v38 =	vmul.f32 v62, v7;
	v63 =	vld.idx.msk [tilespmem:v12+s26+$0x0], $0xffff  }
0x15f: {  	v35 =	vmul.f32 v48, v2;
	[tilespmem:s6+$0xFFFFF050] =	vst v60;
	v52 =	vadd.f32 v39, v47;
	v46 =	vld.idx.msk [tilespmem:v22+s26+$0x0], $0xffff  }
0x160: {  	v62 =	vmul.f32 v50, v30;
	v48 =	vld.idx.msk [tilespmem:v11+s26+$0x0], $0xffff  }
0x161: {  	v34 =	vmul.f32 v51, v17;
	v49 =	vld.idx.msk [tilespmem:v19+s26+$0x0], $0xffff;
	v45 =	vadd.f32 v35, v38;
	[tilespmem:s6+$0x10] =	vst v52  }
0x162: {  	v50 =	vmul.f32 v57, v28;
	v57 =	vld.idx.msk [tilespmem:v18+s28+$0x0], $0xffff  }
0x163: {  	v34 =	vadd.f32 v34, v62;
	v24 =	vld.idx.msk [tilespmem:v24+s28+$0x0], $0xffff;
	[tilespmem:s6+$0xFFFFF060] =	vst v45  }
0x164: {  	v37 =	vmul.f32 v58, v14;
	v51 =	vld.idx.msk [tilespmem:v1+s26+$0x0], $0xffff  }
0x165: {  	v29 =	vmul.f32 v31, v29;
	v25 =	vmul.f32 v32, v25;
	[tilespmem:s6+$0x0] =	vst v34;
	v53 =	vld.idx.msk [tilespmem:v3+s26+$0x0], $0xffff  }
0x166: {  	v54 =	vmul.f32 v59, v8;
	v55 =	vmul.f32 v61, v6;
	v31 =	vadd.f32 v37, v50;
	v20 =	vld.idx.msk [tilespmem:v20+s28+$0x0], $0xffff  }
0x167: {  	v25 =	vadd.f32 v25, v29;
	v26 =	vld.idx.msk [tilespmem:v26+s28+$0x0], $0xffff  }
0x168: {  	v18 =	vadd.f32 v55, v54;
	v56 =	vmul.f32 v63, v10;
	[tilespmem:s6+$0x20] =	vst v31;
	v58 =	vmul.f32 v46, v5  }
0x169: {  	[tilespmem:s6+$0x1070] =	vst v25;
	v59 =	vmul.f32 v48, v9;
	v60 =	vmul.f32 v49, v4;
	v15 =	vld.idx.msk [tilespmem:v15+s28+$0x0], $0xffff  }
0x16a: {  	[tilespmem:s6+$0x30] =	vst v18;
	v23 =	vld.idx.msk [tilespmem:v23+s28+$0x0], $0xffff;
	v18 =	vadd.f32 v58, v56  }
0x16b: {  	v13 =	vld.idx.msk [tilespmem:v13+s28+$0x0], $0xffff;
	v25 =	vadd.f32 v60, v59;
	v61 =	vmul.f32 v51, v7;
	v62 =	vmul.f32 v53, v2  }
0x16c: {  	[tilespmem:s6+$0x40] =	vst v18;
	v20 =	vmul.f32 v20, v30;
	v17 =	vmul.f32 v26, v17;
	v18 =	vld.idx.msk [tilespmem:v21+s28+$0x0], $0xffff  }
0x16d: {  	[tilespmem:s6+$0x50] =	vst v25;
	v12 =	vld.idx.msk [tilespmem:v12+s28+$0x0], $0xffff;
	v21 =	vadd.f32 v62, v61  }
0x16e: {  	v63 =	vmul.f32 v57, v27;
	v16 =	vmul.f32 v24, v16;
	v11 =	vld.idx.msk [tilespmem:v11+s28+$0x0], $0xffff;
	v26 =	vadd.f32 v17, v20  }
0x16f: {  	v17 =	vld.idx.msk [tilespmem:v22+s28+$0x0], $0xffff;
	v20 =	vmul.f32 v15, v28;
	[tilespmem:s6+$0x60] =	vst v21  }
0x170: {  	s29 =	simm.s32 $0x1140;
	s10 =	simm.s32 $0x19080;
	s23 =	simm.s32 $0x0;
	v22 =	vadd.f32 v16, v63;
	v14 =	vmul.f32 v23, v14;
	v16 =	vld.idx.msk [tilespmem:v19+s28+$0x0], $0xffff;
	[tilespmem:s6+$0x1000] =	vst v26  }
.LBB2_7:
0x171: {  	v29 =	vld [tilespmem:s29+$0x30];
	v8 =	vmul.f32 v13, v8  }
0x172: {  	v6 =	vmul.f32 v18, v6;
	v15 =	vld [tilespmem:s29+$0xFFFFFFD0];
	[tilespmem:s6+$0x1010] =	vst v22;
	v19 =	vadd.f32 v14, v20  }
0x173: {  	v10 =	vmul.f32 v12, v10;
	v14 =	vld [tilespmem:s29+$0xFFFFFFE0]  }
0x174: {  	s23 =	sadd.s32 $0x8, s23;
	v6 =	vadd.f32 v6, v8;
	v5 =	vmul.f32 v17, v5;
	v13 =	vld [tilespmem:s29+$0xFFFFFFF0];
	[tilespmem:s6+$0x1020] =	vst v19  }
0x175: {  	p0 =	slt.u32 s23, $0xF8;
	v8 =	vmul.f32 v11, v9;
	v12 =	vld [tilespmem:s29+$0x0]  }
0x176: {  	v5 =	vadd.f32 v5, v10;
	v4 =	vmul.f32 v16, v4;
	v11 =	vld [tilespmem:s29+$0x10];
	v9 =	vadd.s32 $0x1, v29;
	[tilespmem:s6+$0x1030] =	vst v6  }
0x177: {  	v6 =	vadd.s32 $0x1, v15;
	v10 =	vld [tilespmem:s29+$0x20];
	vm0 =	vlt.s32 v9, $0xFFF  }
0x178: {  	v22 =	vld [tilespmem:s29+$0xFFFFFFC0];
	vm1 =	vlt.s32 v6, $0xFFF;
	v16 =	vadd.s32 $0x1, v14;
	v31 =	vnsel vm0, $0xFFF, v9;
	[tilespmem:s6+$0x1040] =	vst v5  }
0x179: {  	v20 =	vnsel vm1, $0xFFF, v6;
	vm0 =	vlt.s32 v16, $0xFFF;
	v5 =	vadd.s32 $0x1, v13;
	v6 =	vld.idx.msk [tilespmem:v1+s28+$0x0], $0xffff  }
0x17a: {  	s1 =	sadd.s32 $0x80, s1;
	v9 =	vld.idx.msk [tilespmem:v15+s24+$0x0], $0xffff;
	v19 =	vnsel vm0, $0xFFF, v16;
	vm0 =	vlt.s32 v5, $0xFFF;
	v16 =	vadd.s32 $0x1, v12  }
0x17b: {  	v18 =	vnsel vm0, $0xFFF, v5;
	vm0 =	vlt.s32 v16, $0xFFF;
	v5 =	vadd.s32 $0x1, v11;
	v30 =	vld [tilespmem:s1+$0x30]  }
0x17c: {  	v17 =	vnsel vm0, $0xFFF, v16;
	vm0 =	vlt.s32 v5, $0xFFF;
	v21 =	vadd.s32 $0x1, v10;
	v25 =	vld.idx.msk [tilespmem:v29+s24+$0x0], $0xffff;
	v1 =	vmovc v10  }
0x17d: {  	v10 =	vadd.s32 $0x1, v22;
	v16 =	vnsel vm0, $0xFFF, v5;
	vm0 =	vlt.s32 v21, $0xFFF;
	v26 =	vld.idx.msk [tilespmem:v31+s24+$0x0], $0xffff  }
0x17e: {  	v4 =	vadd.f32 v4, v8;
	v24 =	vld [tilespmem:s1+$0xFFFFFFC0];
	vm1 =	vlt.s32 v10, $0xFFF;
	v33 =	vnsel vm0, $0xFFF, v21  }
0x17f: {  	v34 =	vmul.f32 v6, v7;
	v28 =	vnsel vm1, $0xFFF, v10;
	v23 =	vld [tilespmem:s1+$0xFFFFFFD0]  }
0x180: {  	v21 =	vld [tilespmem:s1+$0xFFFFFFE0];
	[tilespmem:s6+$0x1050] =	vst v4  }
0x181: {  	v32 =	vsub.f32 $1.000000000e+00, v30;
	v6 =	vld [tilespmem:s1+$0xFFFFFFF0]  }
0x182: {  	v5 =	vld [tilespmem:s1+$0x0]  }
0x183: {  	v7 =	vmul.f32 v25, v32;
	v8 =	vmul.f32 v26, v30;
	v27 =	vsub.f32 $1.000000000e+00, v24;
	v4 =	vld [tilespmem:s1+$0x10]  }
0x184: {  	v26 =	vsub.f32 $1.000000000e+00, v23;
	v35 =	vld [tilespmem:s1+$0x20]  }
0x185: {  	v7 =	vadd.f32 v8, v7;
	v36 =	vld.idx.msk [tilespmem:v28+s24+$0x0], $0xffff;
	v25 =	vsub.f32 $1.000000000e+00, v21  }
0x186: {  	s6 =	sadd.s32 $0x80, s6;
	v37 =	vld.idx.msk [tilespmem:v20+s24+$0x0], $0xffff;
	v38 =	vmul.f32 v9, v26;
	v8 =	vsub.f32 $1.000000000e+00, v6  }
0x187: {  	v39 =	vld.idx.msk [tilespmem:v19+s24+$0x0], $0xffff;
	v10 =	vsub.f32 $1.000000000e+00, v5;
	[tilespmem:s6+$0xFFFFE070] =	vst v7  }
0x188: {  	v9 =	vsub.f32 $1.000000000e+00, v4;
	v40 =	vld.idx.msk [tilespmem:v29+s25+$0x0], $0xffff  }
0x189: {  	v7 =	vsub.f32 $1.000000000e+00, v35;
	v41 =	vld.idx.msk [tilespmem:v31+s25+$0x0], $0xffff  }
0x18a: {  	v42 =	vld.idx.msk [tilespmem:v18+s24+$0x0], $0xffff  }
0x18b: {  	v36 =	vmul.f32 v36, v24;
	v43 =	vld.idx.msk [tilespmem:v17+s24+$0x0], $0xffff  }
0x18c: {  	v37 =	vmul.f32 v37, v23;
	v44 =	vld.idx.msk [tilespmem:v16+s24+$0x0], $0xffff  }
0x18d: {  	v39 =	vmul.f32 v39, v21;
	v45 =	vld.idx.msk [tilespmem:v33+s24+$0x0], $0xffff  }
0x18e: {  	v37 =	vadd.f32 v37, v38;
	v46 =	vld.idx.msk [tilespmem:v22+s24+$0x0], $0xffff  }
0x18f: {  	v40 =	vmul.f32 v40, v32;
	v41 =	vmul.f32 v41, v30;
	v38 =	vld.idx.msk [tilespmem:v14+s24+$0x0], $0xffff  }
0x190: {  	v42 =	vmul.f32 v42, v6;
	[tilespmem:s6+$0xFFFFE010] =	vst v37;
	v37 =	vld.idx.msk [tilespmem:v13+s24+$0x0], $0xffff  }
0x191: {  	v43 =	vmul.f32 v43, v5;
	v40 =	vadd.f32 v41, v40;
	v47 =	vld.idx.msk [tilespmem:v12+s24+$0x0], $0xffff  }
0x192: {  	v44 =	vmul.f32 v44, v4;
	v41 =	vld.idx.msk [tilespmem:v11+s24+$0x0], $0xffff  }
0x193: {  	v45 =	vmul.f32 v45, v35;
	v48 =	vld.idx.msk [tilespmem:v1+s24+$0x0], $0xffff;
	[tilespmem:s6+$0xFFFFF070] =	vst v40  }
0x194: {  	v40 =	vmul.f32 v46, v27;
	v46 =	vld.idx.msk [tilespmem:v29+s26+$0x0], $0xffff  }
0x195: {  	v38 =	vmul.f32 v38, v25;
	v49 =	vld.idx.msk [tilespmem:v31+s26+$0x0], $0xffff  }
0x196: {  	v36 =	vadd.f32 v36, v40;
	v37 =	vmul.f32 v37, v8;
	v40 =	vld.idx.msk [tilespmem:v15+s25+$0x0], $0xffff  }
0x197: {  	v38 =	vadd.f32 v39, v38;
	v39 =	vmul.f32 v47, v10;
	v50 =	vld.idx.msk [tilespmem:v20+s25+$0x0], $0xffff  }
0x198: {  	[tilespmem:s6+$0xFFFFE000] =	vst v36;
	v36 =	vadd.f32 v42, v37;
	v37 =	vmul.f32 v41, v9;
	v41 =	vld.idx.msk [tilespmem:v3+s28+$0x0], $0xffff;
	v3 =	vmov v33  }
0x199: {  	v33 =	vld.idx.msk [tilespmem:v22+s25+$0x0], $0xffff;
	[tilespmem:s6+$0xFFFFE020] =	vst v38;
	v38 =	vadd.f32 v43, v39;
	v39 =	vmul.f32 v48, v7  }
0x19a: {  	v42 =	vld.idx.msk [tilespmem:v28+s25+$0x0], $0xffff;
	[tilespmem:s6+$0xFFFFE030] =	vst v36;
	v36 =	vadd.f32 v44, v37  }
0x19b: {  	[tilespmem:s6+$0xFFFFE040] =	vst v38;
	v37 =	vadd.f32 v45, v39;
	v38 =	vmul.f32 v46, v32;
	v39 =	vmul.f32 v49, v30  }
0x19c: {  	v40 =	vmul.f32 v40, v26;
	v43 =	vld.idx.msk [tilespmem:v14+s25+$0x0], $0xffff;
	[tilespmem:s6+$0xFFFFE050] =	vst v36  }
0x19d: {  	v36 =	vmul.f32 v50, v23;
	v44 =	vld.idx.msk [tilespmem:v19+s25+$0x0], $0xffff;
	[tilespmem:s6+$0xFFFFE060] =	vst v37;
	v37 =	vadd.f32 v39, v38  }
0x19e: {  	v39 =	vmul.f32 v41, v2;
	v2 =	vmov v35;
	v38 =	vld.idx.msk [tilespmem:v13+s25+$0x0], $0xffff  }
0x19f: {  	v33 =	vmul.f32 v33, v27;
	v35 =	vadd.f32 v36, v40;
	v36 =	vld.idx.msk [tilespmem:v18+s25+$0x0], $0xffff;
	[tilespmem:s6+$0x70] =	vst v37  }
0x1a0: {  	v37 =	vmul.f32 v42, v24;
	v34 =	vadd.f32 v39, v34;
	v29 =	vld.idx.msk [tilespmem:v29+s28+$0x0], $0xffff  }
0x1a1: {  	[tilespmem:s6+$0xFFFFF010] =	vst v35;
	v31 =	vld.idx.msk [tilespmem:v31+s28+$0x0], $0xffff  }
0x1a2: {  	v33 =	vadd.f32 v37, v33;
	v35 =	vmul.f32 v43, v25;
	v37 =	vld.idx.msk [tilespmem:v12+s25+$0x0], $0xffff;
	[tilespmem:s10+$0x1060] =	vst v34;
	s10 =	smov.u32 s6  }
0x1a3: {  	v34 =	vmul.f32 v44, v21;
	v39 =	vld.idx.msk [tilespmem:v17+s25+$0x0], $0xffff  }
0x1a4: {  	[tilespmem:s6+$0xFFFFF000] =	vst v33;
	v33 =	vmul.f32 v38, v8;
	v38 =	vld.idx.msk [tilespmem:v11+s25+$0x0], $0xffff  }
0x1a5: {  	v34 =	vadd.f32 v34, v35;
	v35 =	vmul.f32 v36, v6;
	v36 =	vld.idx.msk [tilespmem:v16+s25+$0x0], $0xffff  }
0x1a6: {  	v40 =	vld.idx.msk [tilespmem:v1+s25+$0x0], $0xffff  }
0x1a7: {  	v29 =	vmul.f32 v29, v32;
	v33 =	vadd.f32 v35, v33;
	v30 =	vmul.f32 v31, v30;
	v35 =	vld.idx.msk [tilespmem:v3+s25+$0x0], $0xffff  }
0x1a8: {  	v32 =	vmul.f32 v37, v10;
	v31 =	vld.idx.msk [tilespmem:v22+s26+$0x0], $0xffff;
	[tilespmem:s6+$0xFFFFF020] =	vst v34  }
0x1a9: {  	v29 =	vadd.f32 v30, v29;
	v34 =	vld.idx.msk [tilespmem:v28+s26+$0x0], $0xffff;
	[tilespmem:s6+$0xFFFFF030] =	vst v33;
	v33 =	vmul.f32 v39, v5  }
0x1aa: {  	v37 =	vmul.f32 v38, v9;
	v30 =	vld.idx.msk [tilespmem:v15+s26+$0x0], $0xffff  }
0x1ab: {  	v38 =	vld.idx.msk [tilespmem:v20+s26+$0x0], $0xffff;
	v32 =	vadd.f32 v33, v32;
	v33 =	vmul.f32 v36, v4;
	[tilespmem:s6+$0x1070] =	vst v29  }
0x1ac: {  	v36 =	vmul.f32 v40, v7;
	v29 =	vld.idx.msk [tilespmem:v14+s26+$0x0], $0xffff  }
0x1ad: {  	v39 =	vld.idx.msk [tilespmem:v19+s26+$0x0], $0xffff;
	[tilespmem:s6+$0xFFFFF040] =	vst v32;
	v32 =	vadd.f32 v33, v37;
	v33 =	vmul.f32 v35, v2  }
0x1ae: {  	v31 =	vmul.f32 v31, v27;
	v35 =	vld.idx.msk [tilespmem:v13+s26+$0x0], $0xffff  }
0x1af: {  	v34 =	vmul.f32 v34, v24;
	v37 =	vld.idx.msk [tilespmem:v18+s26+$0x0], $0xffff;
	[tilespmem:s6+$0xFFFFF050] =	vst v32;
	v32 =	vadd.f32 v33, v36  }
0x1b0: {  	v30 =	vmul.f32 v30, v26;
	v33 =	vld.idx.msk [tilespmem:v12+s26+$0x0], $0xffff  }
0x1b1: {  	v31 =	vadd.f32 v34, v31;
	v34 =	vmul.f32 v38, v23;
	v36 =	vld.idx.msk [tilespmem:v17+s26+$0x0], $0xffff;
	[tilespmem:s6+$0xFFFFF060] =	vst v32  }
0x1b2: {  	v29 =	vmul.f32 v29, v25;
	v32 =	vld.idx.msk [tilespmem:v11+s26+$0x0], $0xffff  }
0x1b3: {  	v30 =	vadd.f32 v34, v30;
	[tilespmem:s6+$0x0] =	vst v31;
	v31 =	vmul.f32 v39, v21;
	v34 =	vld.idx.msk [tilespmem:v16+s26+$0x0], $0xffff  }
0x1b4: {  	v35 =	vmul.f32 v35, v8;
	v38 =	vld.idx.msk [tilespmem:v1+s26+$0x0], $0xffff  }
0x1b5: {  	[tilespmem:s6+$0x10] =	vst v30;
	v29 =	vadd.f32 v31, v29;
	v30 =	vmul.f32 v37, v6;
	v31 =	vld.idx.msk [tilespmem:v3+s26+$0x0], $0xffff  }
0x1b6: {  	v33 =	vmul.f32 v33, v10;
	v22 =	vld.idx.msk [tilespmem:v22+s28+$0x0], $0xffff  }
0x1b7: {  	v28 =	vld.idx.msk [tilespmem:v28+s28+$0x0], $0xffff;
	[tilespmem:s6+$0x20] =	vst v29;
	v29 =	vadd.f32 v30, v35;
	v30 =	vmul.f32 v36, v5  }
0x1b8: {  	v32 =	vmul.f32 v32, v9;
	v15 =	vld.idx.msk [tilespmem:v15+s28+$0x0], $0xffff  }
0x1b9: {  	v20 =	vld.idx.msk [tilespmem:v20+s28+$0x0], $0xffff;
	[tilespmem:s6+$0x30] =	vst v29;
	v29 =	vadd.f32 v30, v33;
	v30 =	vmul.f32 v34, v4  }
0x1ba: {  	v33 =	vmul.f32 v38, v7;
	v14 =	vld.idx.msk [tilespmem:v14+s28+$0x0], $0xffff  }
0x1bb: {  	v19 =	vld.idx.msk [tilespmem:v19+s28+$0x0], $0xffff;
	[tilespmem:s6+$0x40] =	vst v29;
	v29 =	vadd.f32 v30, v32;
	v30 =	vmul.f32 v31, v2  }
0x1bc: {  	v22 =	vmul.f32 v22, v27;
	v13 =	vld.idx.msk [tilespmem:v13+s28+$0x0], $0xffff  }
.Ltmp4:
0x1bd: {  	v24 =	vmul.f32 v28, v24;
	v18 =	vld.idx.msk [tilespmem:v18+s28+$0x0], $0xffff;
	[tilespmem:s6+$0x50] =	vst v29;
	v27 =	vadd.f32 v30, v33;
	(pc) =	sbr.rel @p0 .LBB2_7-.Ltmp4, $4  }
0x1be: {  	v15 =	vmul.f32 v15, v26;
	v12 =	vld.idx.msk [tilespmem:v12+s28+$0x0], $0xffff  }
0x1bf: {  	v22 =	vadd.f32 v24, v22;
	v23 =	vmul.f32 v20, v23;
	v17 =	vld.idx.msk [tilespmem:v17+s28+$0x0], $0xffff;
	[tilespmem:s6+$0x60] =	vst v27  }
0x1c0: {  	v20 =	vmul.f32 v14, v25;
	v11 =	vld.idx.msk [tilespmem:v11+s28+$0x0], $0xffff  }
0x1c1: {  	s29 =	sadd.s32 $0x80, s29;
	v14 =	vmul.f32 v19, v21;
	[tilespmem:s6+$0x1000] =	vst v22;
	v22 =	vadd.f32 v23, v15;
	v16 =	vld.idx.msk [tilespmem:v16+s28+$0x0], $0xffff  }
0x1c2: {  	_ =	sdelay $0x3  }
0x1c3: {  	v1 =	vld.idx.msk [tilespmem:v1+s28+$0x0], $0xffff  }
0x1c4: {  	v3 =	vld.idx.msk [tilespmem:v3+s28+$0x0], $0xffff;
	_ =	sdelay $0x1  }
0x1c5: {  	v8 =	vmul.f32 v13, v8;
	v6 =	vmul.f32 v18, v6  }
0x1c6: {  	v13 =	vadd.f32 v14, v20;
	v10 =	vmul.f32 v12, v10;
	v5 =	vmul.f32 v17, v5  }
0x1c7: {  	[tilespmem:s6+$0x1010] =	vst v22;
	v6 =	vadd.f32 v6, v8;
	v8 =	vmul.f32 v11, v9;
	v4 =	vmul.f32 v16, v4  }
0x1c8: {  	[tilespmem:s6+$0x1020] =	vst v13;
	v5 =	vadd.f32 v5, v10;
	v1 =	vmul.f32 v1, v7;
	v2 =	vmul.f32 v3, v2  }
0x1c9: {  	[tilespmem:s6+$0x1030] =	vst v6;
	v3 =	vadd.f32 v4, v8  }
0x1ca: {  	[tilespmem:s6+$0x1040] =	vst v5;
	v1 =	vadd.f32 v2, v1  }
0x1cb: {  	s11 =	sadd.s32 s11, s5;
	[tilespmem:s6+$0x1050] =	vst v3  }
0x1cc: {  	s1 =	sadd.s32 $0x4000, s11;
	[tilespmem:s10+$0x1060] =	vst v1;
	s10 =	simm.s32 $0x17080  }
0x1cd: {  	[hbm4b:s1+s13] =	stream.strided.scatter [tilespmem:s10], [sflag:$0x4], $0x4000, s14, s13, $0x38;
	[tilespmem:$0x1B080] =	vst v63  }
0x1ce: {  	p0 =	seq.s32 s18, $0xF;
	s1 =	rddreg [dreg:$0x9]  }
0x1cf: {  	s1 =	sadd.s32 @!p0 s7, s1  }
0x1d0: {  	s23 =	simm.s32 @!p0 $0x3080;
	s6 =	rddreg [dreg:$0x0];
	s1 =	sshrl.u32 @!p0 s1, $0x3  }
0x1d1: {  	s10 =	simm.s32 @!p0 $0x400;
	s1 =	sadd.s32 @!p0 s6, s1;
	s6 =	simm.s32 @!p0 $0x80  }
0x1d2: {  	[tilespmem:s23], [sflag:$0x1] =	stream.strided.gather @!p0 [hbm4b:s1+s6], $0x8000, s10, s6, $0x38;
	[tilespmem:$0x1B080] =	vst v63  }
0x1d3: {  	_ =	swait.ge [sflag:s30], $0x8000  }
0x1d4: {  	[sflag:s30] =	ssyncset.done $0x0  }
0x1d5: {  	[sflag:s30] =	ssyncadd.s32 $0xFFFF8000  }
0x1d6: {  	_ =	swait.ge [sflag:s31], $0x4000  }
0x1d7: {  	[sflag:s31] =	ssyncset.done $0x0  }
0x1d8: {  	s23 =	simm.s32 $0x10C0;
	[sflag:s31] =	ssyncadd.s32 $0xFFFFC000  }
0x1d9: {  	v31 =	vld [tilespmem:s23+$0x30]  }
0x1da: {  	v18 =	vld [tilespmem:s23+$0xFFFFFFD0]  }
0x1db: {  	v15 =	vld [tilespmem:s23+$0xFFFFFFE0]  }
0x1dc: {  	v13 =	vld [tilespmem:s23+$0xFFFFFFF0]  }
0x1dd: {  	v12 =	vld [tilespmem:s23+$0x0]  }
0x1de: {  	v11 =	vld [tilespmem:s23+$0x10];
	v2 =	vadd.s32 $0x1, v31  }
0x1df: {  	v1 =	vld [tilespmem:s23+$0x20];
	vm0 =	vlt.s32 v2, $0xFFF  }
0x1e0: {  	s1 =	simm.s32 $0x20C0;
	v20 =	vld [tilespmem:s23+$0xFFFFFFC0];
	v32 =	vnsel vm0, $0xFFF, v2  }
0x1e1: {  	v25 =	vld [tilespmem:s1+$0x30]  }
0x1e2: {  	v17 =	vld [tilespmem:s1+$0xFFFFFFC0]  }
0x1e3: {  	v16 =	vld [tilespmem:s1+$0xFFFFFFD0]  }
0x1e4: {  	v2 =	vld.idx.msk [tilespmem:v31+s16+$0x0], $0xffff  }
0x1e5: {  	v3 =	vld.idx.msk [tilespmem:v32+s16+$0x0], $0xffff  }
0x1e6: {  	v14 =	vld [tilespmem:s1+$0xFFFFFFE0];
	v5 =	vadd.s32 $0x1, v18  }
0x1e7: {  	v6 =	vld [tilespmem:s1+$0xFFFFFFF0];
	v4 =	vadd.s32 $0x1, v20;
	v8 =	vadd.s32 $0x1, v15;
	vm1 =	vlt.s32 v5, $0xFFF  }
0x1e8: {  	v29 =	vsub.f32 $1.000000000e+00, v25;
	vm10 =	vlt.s32 v4, $0xFFF;
	v24 =	vnsel vm1, $0xFFF, v5;
	v5 =	vld [tilespmem:s1+$0x0]  }
0x1e9: {  	vm11 =	vlt.s32 v8, $0xFFF;
	v26 =	vnsel vm10, $0xFFF, v4;
	v4 =	vld [tilespmem:s1+$0x10]  }
0x1ea: {  	v23 =	vnsel vm11, $0xFFF, v8;
	v7 =	vld.idx.msk [tilespmem:v18+s16+$0x0], $0xffff;
	v8 =	vmul.f32 v2, v29;
	v3 =	vmul.f32 v3, v25  }
0x1eb: {  	v38 =	vld.idx.msk [tilespmem:v20+s16+$0x0], $0xffff  }
0x1ec: {  	v39 =	vld.idx.msk [tilespmem:v15+s16+$0x0], $0xffff;
	v3 =	vadd.f32 v3, v8  }
0x1ed: {  	s6 =	simm.s32 $0x15080;
	v40 =	vld.idx.msk [tilespmem:v13+s16+$0x0], $0xffff;
	v8 =	vadd.s32 $0x1, v1  }
0x1ee: {  	v41 =	vld.idx.msk [tilespmem:v12+s16+$0x0], $0xffff;
	vm15 =	vlt.s32 v8, $0xFFF;
	[tilespmem:s6+$0xFFFFE070] =	vst v3  }
0x1ef: {  	v9 =	vadd.s32 $0x1, v13;
	v3 =	vnsel vm15, $0xFFF, v8;
	v8 =	vld.idx.msk [tilespmem:v31+s0+$0x0], $0xffff  }
0x1f0: {  	v10 =	vadd.s32 $0x1, v12;
	vm12 =	vlt.s32 v9, $0xFFF;
	v27 =	vld.idx.msk [tilespmem:v32+s0+$0x0], $0xffff  }
0x1f1: {  	vm13 =	vlt.s32 v10, $0xFFF;
	v21 =	vnsel vm12, $0xFFF, v9;
	v42 =	vld.idx.msk [tilespmem:v11+s16+$0x0], $0xffff  }
0x1f2: {  	v9 =	vadd.s32 $0x1, v11;
	v22 =	vnsel vm13, $0xFFF, v10;
	v44 =	vld.idx.msk [tilespmem:v1+s16+$0x0], $0xffff  }
0x1f3: {  	vm14 =	vlt.s32 v9, $0xFFF;
	v10 =	vld.idx.msk [tilespmem:v24+s16+$0x0], $0xffff  }
0x1f4: {  	v19 =	vnsel vm14, $0xFFF, v9;
	v33 =	vld.idx.msk [tilespmem:v26+s16+$0x0], $0xffff  }
0x1f5: {  	v9 =	vld.idx.msk [tilespmem:v23+s16+$0x0], $0xffff;
	v8 =	vmul.f32 v8, v29;
	v28 =	vmul.f32 v27, v25  }
0x1f6: {  	v34 =	vld.idx.msk [tilespmem:v21+s16+$0x0], $0xffff;
	v27 =	vsub.f32 $1.000000000e+00, v16  }
0x1f7: {  	v35 =	vld.idx.msk [tilespmem:v22+s16+$0x0], $0xffff;
	v8 =	vadd.f32 v28, v8  }
0x1f8: {  	v30 =	vsub.f32 $1.000000000e+00, v17;
	v2 =	vld [tilespmem:s1+$0x20];
	v10 =	vmul.f32 v10, v16;
	v7 =	vmul.f32 v7, v27  }
0x1f9: {  	v36 =	vld.idx.msk [tilespmem:v19+s16+$0x0], $0xffff;
	v33 =	vmul.f32 v33, v17;
	[tilespmem:s6+$0xFFFFF070] =	vst v8  }
0x1fa: {  	v28 =	vsub.f32 $1.000000000e+00, v14;
	v7 =	vadd.f32 v10, v7;
	v10 =	vmul.f32 v38, v30;
	v59 =	vld.idx.msk [tilespmem:v31+s2+$0x0], $0xffff  }
0x1fb: {  	v9 =	vmul.f32 v9, v14;
	v8 =	vsub.f32 $1.000000000e+00, v6;
	v43 =	vld.idx.msk [tilespmem:v32+s2+$0x0], $0xffff  }
0x1fc: {  	v37 =	vld.idx.msk [tilespmem:v3+s16+$0x0], $0xffff;
	[tilespmem:s6+$0xFFFFE010] =	vst v7;
	v7 =	vmul.f32 v39, v28;
	v10 =	vadd.f32 v33, v10  }
0x1fd: {  	v60 =	vmul.f32 v34, v6;
	v62 =	vmul.f32 v40, v8;
	v61 =	vld.idx.msk [tilespmem:v18+s0+$0x0], $0xffff  }
0x1fe: {  	v63 =	vld.idx.msk [tilespmem:v24+s0+$0x0], $0xffff;
	v7 =	vadd.f32 v9, v7;
	[tilespmem:s6+$0xFFFFE000] =	vst v10  }
0x1ff: {  	v33 =	vadd.f32 v60, v62;
	v48 =	vld.idx.msk [tilespmem:v20+s0+$0x0], $0xffff  }
0x200: {  	v10 =	vsub.f32 $1.000000000e+00, v5;
	v45 =	vld.idx.msk [tilespmem:v26+s0+$0x0], $0xffff;
	[tilespmem:s6+$0xFFFFE020] =	vst v7;
	v7 =	vmul.f32 v59, v29;
	v49 =	vmul.f32 v43, v25  }
0x201: {  	v35 =	vmul.f32 v35, v5;
	v9 =	vsub.f32 $1.000000000e+00, v4;
	v50 =	vld.idx.msk [tilespmem:v15+s0+$0x0], $0xffff  }
0x202: {  	v41 =	vmul.f32 v41, v10;
	[tilespmem:s6+$0xFFFFE030] =	vst v33;
	v51 =	vld.idx.msk [tilespmem:v23+s0+$0x0], $0xffff;
	v38 =	vadd.f32 v49, v7  }
0x203: {  	v36 =	vmul.f32 v36, v4;
	v42 =	vmul.f32 v42, v9;
	v46 =	vld.idx.msk [tilespmem:v13+s0+$0x0], $0xffff  }
0x204: {  	v52 =	vld.idx.msk [tilespmem:v21+s0+$0x0], $0xffff;
	v35 =	vadd.f32 v35, v41;
	[tilespmem:s6+$0x70] =	vst v38  }
0x205: {  	v36 =	vadd.f32 v36, v42;
	v31 =	vld.idx.msk [tilespmem:v31+s17+$0x0], $0xffff  }
0x206: {  	v7 =	vsub.f32 $1.000000000e+00, v2;
	v34 =	vmul.f32 v61, v27;
	v40 =	vmul.f32 v63, v16;
	[tilespmem:s6+$0xFFFFE040] =	vst v35;
	v32 =	vld.idx.msk [tilespmem:v32+s17+$0x0], $0xffff  }
0x207: {  	v37 =	vmul.f32 v37, v2;
	v55 =	vld.idx.msk [tilespmem:v12+s0+$0x0], $0xffff  }
0x208: {  	v53 =	vmul.f32 v44, v7;
	[tilespmem:s6+$0xFFFFE050] =	vst v36;
	v34 =	vadd.f32 v40, v34;
	v58 =	vld.idx.msk [tilespmem:v22+s0+$0x0], $0xffff  }
0x209: {  	v56 =	vmul.f32 v48, v30;
	v57 =	vmul.f32 v45, v17;
	v59 =	vld.idx.msk [tilespmem:v11+s0+$0x0], $0xffff  }
0x20a: {  	v61 =	vld.idx.msk [tilespmem:v19+s0+$0x0], $0xffff;
	v54 =	vadd.f32 v37, v53;
	[tilespmem:s6+$0xFFFFF010] =	vst v34  }
0x20b: {  	v60 =	vadd.f32 v57, v56;
	v53 =	vld.idx.msk [tilespmem:v18+s2+$0x0], $0xffff  }
0x20c: {  	v63 =	vmul.f32 v50, v28;
	v33 =	vmul.f32 v51, v14;
	v56 =	vld.idx.msk [tilespmem:v24+s2+$0x0], $0xffff;
	[tilespmem:s6+$0xFFFFE060] =	vst v54  }
0x20d: {  	v49 =	vmul.f32 v46, v8;
	v62 =	vld.idx.msk [tilespmem:v1+s0+$0x0], $0xffff  }
0x20e: {  	v41 =	vmul.f32 v52, v6;
	[tilespmem:s6+$0xFFFFF000] =	vst v60;
	v33 =	vadd.f32 v33, v63;
	v48 =	vld.idx.msk [tilespmem:v3+s0+$0x0], $0xffff  }
0x20f: {  	v50 =	vld.idx.msk [tilespmem:v20+s2+$0x0], $0xffff  }
0x210: {  	v52 =	vadd.f32 v41, v49;
	v51 =	vld.idx.msk [tilespmem:v26+s2+$0x0], $0xffff;
	[tilespmem:s6+$0xFFFFF020] =	vst v33  }
0x211: {  	v54 =	vmul.f32 v55, v10;
	v55 =	vmul.f32 v58, v5;
	v57 =	vld.idx.msk [tilespmem:v15+s2+$0x0], $0xffff  }
0x212: {  	[tilespmem:s6+$0xFFFFF030] =	vst v52;
	v58 =	vld.idx.msk [tilespmem:v23+s2+$0x0], $0xffff  }
0x213: {  	v42 =	vmul.f32 v59, v9;
	v36 =	vmul.f32 v61, v4;
	v59 =	vld.idx.msk [tilespmem:v13+s2+$0x0], $0xffff;
	v33 =	vadd.f32 v55, v54  }
0x214: {  	v61 =	vld.idx.msk [tilespmem:v21+s2+$0x0], $0xffff  }
0x215: {  	v60 =	vadd.f32 v36, v42;
	v47 =	vmul.f32 v53, v27;
	v39 =	vmul.f32 v56, v16;
	[tilespmem:s6+$0xFFFFF040] =	vst v33  }
0x216: {  	v38 =	vmul.f32 v62, v7;
	v63 =	vld.idx.msk [tilespmem:v12+s2+$0x0], $0xffff  }
0x217: {  	v35 =	vmul.f32 v48, v2;
	[tilespmem:s6+$0xFFFFF050] =	vst v60;
	v52 =	vadd.f32 v39, v47;
	v46 =	vld.idx.msk [tilespmem:v22+s2+$0x0], $0xffff  }
0x218: {  	v62 =	vmul.f32 v50, v30;
	v48 =	vld.idx.msk [tilespmem:v11+s2+$0x0], $0xffff  }
0x219: {  	v34 =	vmul.f32 v51, v17;
	v49 =	vld.idx.msk [tilespmem:v19+s2+$0x0], $0xffff;
	v45 =	vadd.f32 v35, v38;
	[tilespmem:s6+$0x10] =	vst v52  }
0x21a: {  	v50 =	vmul.f32 v57, v28;
	v57 =	vld.idx.msk [tilespmem:v18+s17+$0x0], $0xffff  }
0x21b: {  	v34 =	vadd.f32 v34, v62;
	v24 =	vld.idx.msk [tilespmem:v24+s17+$0x0], $0xffff;
	[tilespmem:s6+$0xFFFFF060] =	vst v45  }
0x21c: {  	v37 =	vmul.f32 v58, v14;
	v51 =	vld.idx.msk [tilespmem:v1+s2+$0x0], $0xffff  }
0x21d: {  	v29 =	vmul.f32 v31, v29;
	v25 =	vmul.f32 v32, v25;
	[tilespmem:s6+$0x0] =	vst v34;
	v53 =	vld.idx.msk [tilespmem:v3+s2+$0x0], $0xffff  }
0x21e: {  	v54 =	vmul.f32 v59, v8;
	v55 =	vmul.f32 v61, v6;
	v31 =	vadd.f32 v37, v50;
	v20 =	vld.idx.msk [tilespmem:v20+s17+$0x0], $0xffff  }
0x21f: {  	v25 =	vadd.f32 v25, v29;
	v26 =	vld.idx.msk [tilespmem:v26+s17+$0x0], $0xffff  }
0x220: {  	v18 =	vadd.f32 v55, v54;
	v56 =	vmul.f32 v63, v10;
	[tilespmem:s6+$0x20] =	vst v31;
	v58 =	vmul.f32 v46, v5  }
0x221: {  	[tilespmem:s6+$0x1070] =	vst v25;
	v59 =	vmul.f32 v48, v9;
	v60 =	vmul.f32 v49, v4;
	v15 =	vld.idx.msk [tilespmem:v15+s17+$0x0], $0xffff  }
0x222: {  	[tilespmem:s6+$0x30] =	vst v18;
	v23 =	vld.idx.msk [tilespmem:v23+s17+$0x0], $0xffff;
	v18 =	vadd.f32 v58, v56  }
0x223: {  	v13 =	vld.idx.msk [tilespmem:v13+s17+$0x0], $0xffff;
	v25 =	vadd.f32 v60, v59;
	v61 =	vmul.f32 v51, v7;
	v62 =	vmul.f32 v53, v2  }
0x224: {  	[tilespmem:s6+$0x40] =	vst v18;
	v20 =	vmul.f32 v20, v30;
	v17 =	vmul.f32 v26, v17;
	v18 =	vld.idx.msk [tilespmem:v21+s17+$0x0], $0xffff  }
0x225: {  	[tilespmem:s6+$0x50] =	vst v25;
	v12 =	vld.idx.msk [tilespmem:v12+s17+$0x0], $0xffff;
	v21 =	vadd.f32 v62, v61  }
0x226: {  	v63 =	vmul.f32 v57, v27;
	v16 =	vmul.f32 v24, v16;
	v11 =	vld.idx.msk [tilespmem:v11+s17+$0x0], $0xffff;
	v26 =	vadd.f32 v17, v20  }
0x227: {  	v17 =	vld.idx.msk [tilespmem:v22+s17+$0x0], $0xffff;
	v20 =	vmul.f32 v15, v28;
	[tilespmem:s6+$0x60] =	vst v21  }
0x228: {  	s29 =	simm.s32 $0x1140;
	s10 =	simm.s32 $0x15080;
	s23 =	simm.s32 $0x0;
	v22 =	vadd.f32 v16, v63;
	v14 =	vmul.f32 v23, v14;
	v16 =	vld.idx.msk [tilespmem:v19+s17+$0x0], $0xffff;
	[tilespmem:s6+$0x1000] =	vst v26  }
.LBB2_9:
0x229: {  	v29 =	vld [tilespmem:s29+$0x30];
	v8 =	vmul.f32 v13, v8  }
0x22a: {  	v6 =	vmul.f32 v18, v6;
	v15 =	vld [tilespmem:s29+$0xFFFFFFD0];
	[tilespmem:s6+$0x1010] =	vst v22;
	v19 =	vadd.f32 v14, v20  }
0x22b: {  	v10 =	vmul.f32 v12, v10;
	v14 =	vld [tilespmem:s29+$0xFFFFFFE0]  }
0x22c: {  	s23 =	sadd.s32 $0x8, s23;
	v6 =	vadd.f32 v6, v8;
	v5 =	vmul.f32 v17, v5;
	v13 =	vld [tilespmem:s29+$0xFFFFFFF0];
	[tilespmem:s6+$0x1020] =	vst v19  }
0x22d: {  	p1 =	slt.u32 s23, $0xF8;
	v8 =	vmul.f32 v11, v9;
	v12 =	vld [tilespmem:s29+$0x0]  }
0x22e: {  	v5 =	vadd.f32 v5, v10;
	v4 =	vmul.f32 v16, v4;
	v11 =	vld [tilespmem:s29+$0x10];
	v9 =	vadd.s32 $0x1, v29;
	[tilespmem:s6+$0x1030] =	vst v6  }
0x22f: {  	v6 =	vadd.s32 $0x1, v15;
	v10 =	vld [tilespmem:s29+$0x20];
	vm0 =	vlt.s32 v9, $0xFFF  }
0x230: {  	v22 =	vld [tilespmem:s29+$0xFFFFFFC0];
	vm1 =	vlt.s32 v6, $0xFFF;
	v16 =	vadd.s32 $0x1, v14;
	v31 =	vnsel vm0, $0xFFF, v9;
	[tilespmem:s6+$0x1040] =	vst v5  }
0x231: {  	v20 =	vnsel vm1, $0xFFF, v6;
	vm0 =	vlt.s32 v16, $0xFFF;
	v5 =	vadd.s32 $0x1, v13;
	v6 =	vld.idx.msk [tilespmem:v1+s17+$0x0], $0xffff  }
0x232: {  	s1 =	sadd.s32 $0x80, s1;
	v9 =	vld.idx.msk [tilespmem:v15+s16+$0x0], $0xffff;
	v19 =	vnsel vm0, $0xFFF, v16;
	vm0 =	vlt.s32 v5, $0xFFF;
	v16 =	vadd.s32 $0x1, v12  }
0x233: {  	v18 =	vnsel vm0, $0xFFF, v5;
	vm0 =	vlt.s32 v16, $0xFFF;
	v5 =	vadd.s32 $0x1, v11;
	v30 =	vld [tilespmem:s1+$0x30]  }
0x234: {  	v17 =	vnsel vm0, $0xFFF, v16;
	vm0 =	vlt.s32 v5, $0xFFF;
	v21 =	vadd.s32 $0x1, v10;
	v25 =	vld.idx.msk [tilespmem:v29+s16+$0x0], $0xffff;
	v1 =	vmovc v10  }
0x235: {  	v10 =	vadd.s32 $0x1, v22;
	v16 =	vnsel vm0, $0xFFF, v5;
	vm0 =	vlt.s32 v21, $0xFFF;
	v26 =	vld.idx.msk [tilespmem:v31+s16+$0x0], $0xffff  }
0x236: {  	v4 =	vadd.f32 v4, v8;
	v24 =	vld [tilespmem:s1+$0xFFFFFFC0];
	vm1 =	vlt.s32 v10, $0xFFF;
	v33 =	vnsel vm0, $0xFFF, v21  }
0x237: {  	v34 =	vmul.f32 v6, v7;
	v28 =	vnsel vm1, $0xFFF, v10;
	v23 =	vld [tilespmem:s1+$0xFFFFFFD0]  }
0x238: {  	v21 =	vld [tilespmem:s1+$0xFFFFFFE0];
	[tilespmem:s6+$0x1050] =	vst v4  }
0x239: {  	v32 =	vsub.f32 $1.000000000e+00, v30;
	v6 =	vld [tilespmem:s1+$0xFFFFFFF0]  }
0x23a: {  	v5 =	vld [tilespmem:s1+$0x0]  }
0x23b: {  	v7 =	vmul.f32 v25, v32;
	v8 =	vmul.f32 v26, v30;
	v27 =	vsub.f32 $1.000000000e+00, v24;
	v4 =	vld [tilespmem:s1+$0x10]  }
0x23c: {  	v26 =	vsub.f32 $1.000000000e+00, v23;
	v35 =	vld [tilespmem:s1+$0x20]  }
0x23d: {  	v7 =	vadd.f32 v8, v7;
	v36 =	vld.idx.msk [tilespmem:v28+s16+$0x0], $0xffff;
	v25 =	vsub.f32 $1.000000000e+00, v21  }
0x23e: {  	s6 =	sadd.s32 $0x80, s6;
	v37 =	vld.idx.msk [tilespmem:v20+s16+$0x0], $0xffff;
	v38 =	vmul.f32 v9, v26;
	v8 =	vsub.f32 $1.000000000e+00, v6  }
0x23f: {  	v39 =	vld.idx.msk [tilespmem:v19+s16+$0x0], $0xffff;
	v10 =	vsub.f32 $1.000000000e+00, v5;
	[tilespmem:s6+$0xFFFFE070] =	vst v7  }
0x240: {  	v9 =	vsub.f32 $1.000000000e+00, v4;
	v40 =	vld.idx.msk [tilespmem:v29+s0+$0x0], $0xffff  }
0x241: {  	v7 =	vsub.f32 $1.000000000e+00, v35;
	v41 =	vld.idx.msk [tilespmem:v31+s0+$0x0], $0xffff  }
0x242: {  	v42 =	vld.idx.msk [tilespmem:v18+s16+$0x0], $0xffff  }
0x243: {  	v36 =	vmul.f32 v36, v24;
	v43 =	vld.idx.msk [tilespmem:v17+s16+$0x0], $0xffff  }
0x244: {  	v37 =	vmul.f32 v37, v23;
	v44 =	vld.idx.msk [tilespmem:v16+s16+$0x0], $0xffff  }
0x245: {  	v39 =	vmul.f32 v39, v21;
	v45 =	vld.idx.msk [tilespmem:v33+s16+$0x0], $0xffff  }
0x246: {  	v37 =	vadd.f32 v37, v38;
	v46 =	vld.idx.msk [tilespmem:v22+s16+$0x0], $0xffff  }
0x247: {  	v40 =	vmul.f32 v40, v32;
	v41 =	vmul.f32 v41, v30;
	v38 =	vld.idx.msk [tilespmem:v14+s16+$0x0], $0xffff  }
0x248: {  	v42 =	vmul.f32 v42, v6;
	[tilespmem:s6+$0xFFFFE010] =	vst v37;
	v37 =	vld.idx.msk [tilespmem:v13+s16+$0x0], $0xffff  }
0x249: {  	v43 =	vmul.f32 v43, v5;
	v40 =	vadd.f32 v41, v40;
	v47 =	vld.idx.msk [tilespmem:v12+s16+$0x0], $0xffff  }
0x24a: {  	v44 =	vmul.f32 v44, v4;
	v41 =	vld.idx.msk [tilespmem:v11+s16+$0x0], $0xffff  }
0x24b: {  	v45 =	vmul.f32 v45, v35;
	v48 =	vld.idx.msk [tilespmem:v1+s16+$0x0], $0xffff;
	[tilespmem:s6+$0xFFFFF070] =	vst v40  }
0x24c: {  	v40 =	vmul.f32 v46, v27;
	v46 =	vld.idx.msk [tilespmem:v29+s2+$0x0], $0xffff  }
0x24d: {  	v38 =	vmul.f32 v38, v25;
	v49 =	vld.idx.msk [tilespmem:v31+s2+$0x0], $0xffff  }
0x24e: {  	v36 =	vadd.f32 v36, v40;
	v37 =	vmul.f32 v37, v8;
	v40 =	vld.idx.msk [tilespmem:v15+s0+$0x0], $0xffff  }
0x24f: {  	v38 =	vadd.f32 v39, v38;
	v39 =	vmul.f32 v47, v10;
	v50 =	vld.idx.msk [tilespmem:v20+s0+$0x0], $0xffff  }
0x250: {  	[tilespmem:s6+$0xFFFFE000] =	vst v36;
	v36 =	vadd.f32 v42, v37;
	v37 =	vmul.f32 v41, v9;
	v41 =	vld.idx.msk [tilespmem:v3+s17+$0x0], $0xffff;
	v3 =	vmov v33  }
0x251: {  	v33 =	vld.idx.msk [tilespmem:v22+s0+$0x0], $0xffff;
	[tilespmem:s6+$0xFFFFE020] =	vst v38;
	v38 =	vadd.f32 v43, v39;
	v39 =	vmul.f32 v48, v7  }
0x252: {  	v42 =	vld.idx.msk [tilespmem:v28+s0+$0x0], $0xffff;
	[tilespmem:s6+$0xFFFFE030] =	vst v36;
	v36 =	vadd.f32 v44, v37  }
0x253: {  	[tilespmem:s6+$0xFFFFE040] =	vst v38;
	v37 =	vadd.f32 v45, v39;
	v38 =	vmul.f32 v46, v32;
	v39 =	vmul.f32 v49, v30  }
0x254: {  	v40 =	vmul.f32 v40, v26;
	v43 =	vld.idx.msk [tilespmem:v14+s0+$0x0], $0xffff;
	[tilespmem:s6+$0xFFFFE050] =	vst v36  }
0x255: {  	v36 =	vmul.f32 v50, v23;
	v44 =	vld.idx.msk [tilespmem:v19+s0+$0x0], $0xffff;
	[tilespmem:s6+$0xFFFFE060] =	vst v37;
	v37 =	vadd.f32 v39, v38  }
0x256: {  	v39 =	vmul.f32 v41, v2;
	v2 =	vmov v35;
	v38 =	vld.idx.msk [tilespmem:v13+s0+$0x0], $0xffff  }
0x257: {  	v33 =	vmul.f32 v33, v27;
	v35 =	vadd.f32 v36, v40;
	v36 =	vld.idx.msk [tilespmem:v18+s0+$0x0], $0xffff;
	[tilespmem:s6+$0x70] =	vst v37  }
0x258: {  	v37 =	vmul.f32 v42, v24;
	v34 =	vadd.f32 v39, v34;
	v29 =	vld.idx.msk [tilespmem:v29+s17+$0x0], $0xffff  }
0x259: {  	[tilespmem:s6+$0xFFFFF010] =	vst v35;
	v31 =	vld.idx.msk [tilespmem:v31+s17+$0x0], $0xffff  }
0x25a: {  	v33 =	vadd.f32 v37, v33;
	v35 =	vmul.f32 v43, v25;
	v37 =	vld.idx.msk [tilespmem:v12+s0+$0x0], $0xffff;
	[tilespmem:s10+$0x1060] =	vst v34;
	s10 =	smov.u32 s6  }
0x25b: {  	v34 =	vmul.f32 v44, v21;
	v39 =	vld.idx.msk [tilespmem:v17+s0+$0x0], $0xffff  }
0x25c: {  	[tilespmem:s6+$0xFFFFF000] =	vst v33;
	v33 =	vmul.f32 v38, v8;
	v38 =	vld.idx.msk [tilespmem:v11+s0+$0x0], $0xffff  }
0x25d: {  	v34 =	vadd.f32 v34, v35;
	v35 =	vmul.f32 v36, v6;
	v36 =	vld.idx.msk [tilespmem:v16+s0+$0x0], $0xffff  }
0x25e: {  	v40 =	vld.idx.msk [tilespmem:v1+s0+$0x0], $0xffff  }
0x25f: {  	v29 =	vmul.f32 v29, v32;
	v33 =	vadd.f32 v35, v33;
	v30 =	vmul.f32 v31, v30;
	v35 =	vld.idx.msk [tilespmem:v3+s0+$0x0], $0xffff  }
0x260: {  	v32 =	vmul.f32 v37, v10;
	v31 =	vld.idx.msk [tilespmem:v22+s2+$0x0], $0xffff;
	[tilespmem:s6+$0xFFFFF020] =	vst v34  }
0x261: {  	v29 =	vadd.f32 v30, v29;
	v34 =	vld.idx.msk [tilespmem:v28+s2+$0x0], $0xffff;
	[tilespmem:s6+$0xFFFFF030] =	vst v33;
	v33 =	vmul.f32 v39, v5  }
0x262: {  	v37 =	vmul.f32 v38, v9;
	v30 =	vld.idx.msk [tilespmem:v15+s2+$0x0], $0xffff  }
0x263: {  	v38 =	vld.idx.msk [tilespmem:v20+s2+$0x0], $0xffff;
	v32 =	vadd.f32 v33, v32;
	v33 =	vmul.f32 v36, v4;
	[tilespmem:s6+$0x1070] =	vst v29  }
0x264: {  	v36 =	vmul.f32 v40, v7;
	v29 =	vld.idx.msk [tilespmem:v14+s2+$0x0], $0xffff  }
0x265: {  	v39 =	vld.idx.msk [tilespmem:v19+s2+$0x0], $0xffff;
	[tilespmem:s6+$0xFFFFF040] =	vst v32;
	v32 =	vadd.f32 v33, v37;
	v33 =	vmul.f32 v35, v2  }
0x266: {  	v31 =	vmul.f32 v31, v27;
	v35 =	vld.idx.msk [tilespmem:v13+s2+$0x0], $0xffff  }
0x267: {  	v34 =	vmul.f32 v34, v24;
	v37 =	vld.idx.msk [tilespmem:v18+s2+$0x0], $0xffff;
	[tilespmem:s6+$0xFFFFF050] =	vst v32;
	v32 =	vadd.f32 v33, v36  }
0x268: {  	v30 =	vmul.f32 v30, v26;
	v33 =	vld.idx.msk [tilespmem:v12+s2+$0x0], $0xffff  }
0x269: {  	v31 =	vadd.f32 v34, v31;
	v34 =	vmul.f32 v38, v23;
	v36 =	vld.idx.msk [tilespmem:v17+s2+$0x0], $0xffff;
	[tilespmem:s6+$0xFFFFF060] =	vst v32  }
0x26a: {  	v29 =	vmul.f32 v29, v25;
	v32 =	vld.idx.msk [tilespmem:v11+s2+$0x0], $0xffff  }
0x26b: {  	v30 =	vadd.f32 v34, v30;
	[tilespmem:s6+$0x0] =	vst v31;
	v31 =	vmul.f32 v39, v21;
	v34 =	vld.idx.msk [tilespmem:v16+s2+$0x0], $0xffff  }
0x26c: {  	v35 =	vmul.f32 v35, v8;
	v38 =	vld.idx.msk [tilespmem:v1+s2+$0x0], $0xffff  }
0x26d: {  	[tilespmem:s6+$0x10] =	vst v30;
	v29 =	vadd.f32 v31, v29;
	v30 =	vmul.f32 v37, v6;
	v31 =	vld.idx.msk [tilespmem:v3+s2+$0x0], $0xffff  }
0x26e: {  	v33 =	vmul.f32 v33, v10;
	v22 =	vld.idx.msk [tilespmem:v22+s17+$0x0], $0xffff  }
0x26f: {  	v28 =	vld.idx.msk [tilespmem:v28+s17+$0x0], $0xffff;
	[tilespmem:s6+$0x20] =	vst v29;
	v29 =	vadd.f32 v30, v35;
	v30 =	vmul.f32 v36, v5  }
0x270: {  	v32 =	vmul.f32 v32, v9;
	v15 =	vld.idx.msk [tilespmem:v15+s17+$0x0], $0xffff  }
0x271: {  	v20 =	vld.idx.msk [tilespmem:v20+s17+$0x0], $0xffff;
	[tilespmem:s6+$0x30] =	vst v29;
	v29 =	vadd.f32 v30, v33;
	v30 =	vmul.f32 v34, v4  }
0x272: {  	v33 =	vmul.f32 v38, v7;
	v14 =	vld.idx.msk [tilespmem:v14+s17+$0x0], $0xffff  }
0x273: {  	v19 =	vld.idx.msk [tilespmem:v19+s17+$0x0], $0xffff;
	[tilespmem:s6+$0x40] =	vst v29;
	v29 =	vadd.f32 v30, v32;
	v30 =	vmul.f32 v31, v2  }
0x274: {  	v22 =	vmul.f32 v22, v27;
	v13 =	vld.idx.msk [tilespmem:v13+s17+$0x0], $0xffff  }
.Ltmp5:
0x275: {  	v24 =	vmul.f32 v28, v24;
	v18 =	vld.idx.msk [tilespmem:v18+s17+$0x0], $0xffff;
	[tilespmem:s6+$0x50] =	vst v29;
	v27 =	vadd.f32 v30, v33;
	(pc) =	sbr.rel @p1 .LBB2_9-.Ltmp5, $4  }
0x276: {  	v15 =	vmul.f32 v15, v26;
	v12 =	vld.idx.msk [tilespmem:v12+s17+$0x0], $0xffff  }
0x277: {  	v22 =	vadd.f32 v24, v22;
	v23 =	vmul.f32 v20, v23;
	v17 =	vld.idx.msk [tilespmem:v17+s17+$0x0], $0xffff;
	[tilespmem:s6+$0x60] =	vst v27  }
0x278: {  	v20 =	vmul.f32 v14, v25;
	v11 =	vld.idx.msk [tilespmem:v11+s17+$0x0], $0xffff  }
0x279: {  	s29 =	sadd.s32 $0x80, s29;
	v14 =	vmul.f32 v19, v21;
	[tilespmem:s6+$0x1000] =	vst v22;
	v22 =	vadd.f32 v23, v15;
	v16 =	vld.idx.msk [tilespmem:v16+s17+$0x0], $0xffff  }
0x27a: {  	_ =	sdelay $0x3  }
0x27b: {  	v1 =	vld.idx.msk [tilespmem:v1+s17+$0x0], $0xffff  }
0x27c: {  	v3 =	vld.idx.msk [tilespmem:v3+s17+$0x0], $0xffff;
	_ =	sdelay $0x1  }
0x27d: {  	v8 =	vmul.f32 v13, v8;
	v6 =	vmul.f32 v18, v6  }
0x27e: {  	v13 =	vadd.f32 v14, v20;
	v10 =	vmul.f32 v12, v10;
	v5 =	vmul.f32 v17, v5  }
0x27f: {  	[tilespmem:s6+$0x1010] =	vst v22;
	v6 =	vadd.f32 v6, v8;
	v8 =	vmul.f32 v11, v9;
	v4 =	vmul.f32 v16, v4  }
0x280: {  	[tilespmem:s6+$0x1020] =	vst v13;
	v5 =	vadd.f32 v5, v10;
	v1 =	vmul.f32 v1, v7;
	v2 =	vmul.f32 v3, v2  }
0x281: {  	[tilespmem:s6+$0x1030] =	vst v6;
	v3 =	vadd.f32 v4, v8  }
0x282: {  	[tilespmem:s6+$0x1040] =	vst v5;
	v1 =	vadd.f32 v2, v1  }
0x283: {  	[tilespmem:s6+$0x1050] =	vst v3  }
0x284: {  	s1 =	sadd.s32 $0x8000, s11;
	[tilespmem:s10+$0x1060] =	vst v1;
	s10 =	simm.s32 $0x13080  }
0x285: {  	[hbm4b:s1+s13] =	stream.strided.scatter [tilespmem:s10], [sflag:$0x3], $0x4000, s14, s13, $0x38;
	[tilespmem:$0x1B080] =	vst v63  }
0x286: {  	_ =	swait.ge [sflag:s3], $0x4000  }
0x287: {  	[sflag:s3] =	ssyncset.done $0x0  }
0x288: {  	s23 =	simm.s32 $0x10C0;
	[sflag:s3] =	ssyncadd.s32 $0xFFFFC000  }
0x289: {  	v31 =	vld [tilespmem:s23+$0x30]  }
0x28a: {  	v18 =	vld [tilespmem:s23+$0xFFFFFFD0]  }
0x28b: {  	v15 =	vld [tilespmem:s23+$0xFFFFFFE0]  }
0x28c: {  	v13 =	vld [tilespmem:s23+$0xFFFFFFF0]  }
0x28d: {  	v12 =	vld [tilespmem:s23+$0x0]  }
0x28e: {  	v11 =	vld [tilespmem:s23+$0x10];
	v2 =	vadd.s32 $0x1, v31  }
0x28f: {  	v1 =	vld [tilespmem:s23+$0x20];
	vm0 =	vlt.s32 v2, $0xFFF  }
0x290: {  	s1 =	simm.s32 $0x20C0;
	v20 =	vld [tilespmem:s23+$0xFFFFFFC0];
	v32 =	vnsel vm0, $0xFFF, v2  }
0x291: {  	v25 =	vld [tilespmem:s1+$0x30]  }
0x292: {  	v17 =	vld [tilespmem:s1+$0xFFFFFFC0]  }
0x293: {  	v16 =	vld [tilespmem:s1+$0xFFFFFFD0]  }
0x294: {  	v2 =	vld.idx.msk [tilespmem:v31+s4+$0x0], $0xffff  }
0x295: {  	v3 =	vld.idx.msk [tilespmem:v32+s4+$0x0], $0xffff  }
0x296: {  	v14 =	vld [tilespmem:s1+$0xFFFFFFE0];
	v5 =	vadd.s32 $0x1, v18  }
0x297: {  	v6 =	vld [tilespmem:s1+$0xFFFFFFF0];
	v4 =	vadd.s32 $0x1, v20;
	v8 =	vadd.s32 $0x1, v15;
	vm1 =	vlt.s32 v5, $0xFFF  }
0x298: {  	v29 =	vsub.f32 $1.000000000e+00, v25;
	vm10 =	vlt.s32 v4, $0xFFF;
	v24 =	vnsel vm1, $0xFFF, v5;
	v5 =	vld [tilespmem:s1+$0x0]  }
0x299: {  	vm11 =	vlt.s32 v8, $0xFFF;
	v26 =	vnsel vm10, $0xFFF, v4;
	v4 =	vld [tilespmem:s1+$0x10]  }
0x29a: {  	v23 =	vnsel vm11, $0xFFF, v8;
	v7 =	vld.idx.msk [tilespmem:v18+s4+$0x0], $0xffff;
	v8 =	vmul.f32 v2, v29;
	v3 =	vmul.f32 v3, v25  }
0x29b: {  	v38 =	vld.idx.msk [tilespmem:v20+s4+$0x0], $0xffff  }
0x29c: {  	v39 =	vld.idx.msk [tilespmem:v15+s4+$0x0], $0xffff;
	v3 =	vadd.f32 v3, v8  }
0x29d: {  	s6 =	simm.s32 $0x19080;
	v40 =	vld.idx.msk [tilespmem:v13+s4+$0x0], $0xffff;
	v8 =	vadd.s32 $0x1, v1  }
0x29e: {  	v41 =	vld.idx.msk [tilespmem:v12+s4+$0x0], $0xffff;
	vm15 =	vlt.s32 v8, $0xFFF;
	[tilespmem:s6+$0xFFFFE070] =	vst v3  }
0x29f: {  	v9 =	vadd.s32 $0x1, v13;
	v3 =	vnsel vm15, $0xFFF, v8;
	v8 =	vld.idx.msk [tilespmem:v31+s8+$0x0], $0xffff  }
0x2a0: {  	v10 =	vadd.s32 $0x1, v12;
	vm12 =	vlt.s32 v9, $0xFFF;
	v27 =	vld.idx.msk [tilespmem:v32+s8+$0x0], $0xffff  }
0x2a1: {  	vm13 =	vlt.s32 v10, $0xFFF;
	v21 =	vnsel vm12, $0xFFF, v9;
	v42 =	vld.idx.msk [tilespmem:v11+s4+$0x0], $0xffff  }
0x2a2: {  	v9 =	vadd.s32 $0x1, v11;
	v22 =	vnsel vm13, $0xFFF, v10;
	v44 =	vld.idx.msk [tilespmem:v1+s4+$0x0], $0xffff  }
0x2a3: {  	vm14 =	vlt.s32 v9, $0xFFF;
	v10 =	vld.idx.msk [tilespmem:v24+s4+$0x0], $0xffff  }
0x2a4: {  	v19 =	vnsel vm14, $0xFFF, v9;
	v33 =	vld.idx.msk [tilespmem:v26+s4+$0x0], $0xffff  }
0x2a5: {  	v9 =	vld.idx.msk [tilespmem:v23+s4+$0x0], $0xffff;
	v8 =	vmul.f32 v8, v29;
	v28 =	vmul.f32 v27, v25  }
0x2a6: {  	v34 =	vld.idx.msk [tilespmem:v21+s4+$0x0], $0xffff;
	v27 =	vsub.f32 $1.000000000e+00, v16  }
0x2a7: {  	v35 =	vld.idx.msk [tilespmem:v22+s4+$0x0], $0xffff;
	v8 =	vadd.f32 v28, v8  }
0x2a8: {  	v30 =	vsub.f32 $1.000000000e+00, v17;
	v2 =	vld [tilespmem:s1+$0x20];
	v10 =	vmul.f32 v10, v16;
	v7 =	vmul.f32 v7, v27  }
0x2a9: {  	v36 =	vld.idx.msk [tilespmem:v19+s4+$0x0], $0xffff;
	v33 =	vmul.f32 v33, v17;
	[tilespmem:s6+$0xFFFFF070] =	vst v8  }
0x2aa: {  	v28 =	vsub.f32 $1.000000000e+00, v14;
	v7 =	vadd.f32 v10, v7;
	v10 =	vmul.f32 v38, v30;
	v59 =	vld.idx.msk [tilespmem:v31+s9+$0x0], $0xffff  }
0x2ab: {  	v9 =	vmul.f32 v9, v14;
	v8 =	vsub.f32 $1.000000000e+00, v6;
	v43 =	vld.idx.msk [tilespmem:v32+s9+$0x0], $0xffff  }
0x2ac: {  	v37 =	vld.idx.msk [tilespmem:v3+s4+$0x0], $0xffff;
	[tilespmem:s6+$0xFFFFE010] =	vst v7;
	v7 =	vmul.f32 v39, v28;
	v10 =	vadd.f32 v33, v10  }
0x2ad: {  	v60 =	vmul.f32 v34, v6;
	v62 =	vmul.f32 v40, v8;
	v61 =	vld.idx.msk [tilespmem:v18+s8+$0x0], $0xffff  }
0x2ae: {  	v63 =	vld.idx.msk [tilespmem:v24+s8+$0x0], $0xffff;
	v7 =	vadd.f32 v9, v7;
	[tilespmem:s6+$0xFFFFE000] =	vst v10  }
0x2af: {  	v33 =	vadd.f32 v60, v62;
	v48 =	vld.idx.msk [tilespmem:v20+s8+$0x0], $0xffff  }
0x2b0: {  	v10 =	vsub.f32 $1.000000000e+00, v5;
	v45 =	vld.idx.msk [tilespmem:v26+s8+$0x0], $0xffff;
	[tilespmem:s6+$0xFFFFE020] =	vst v7;
	v7 =	vmul.f32 v59, v29;
	v49 =	vmul.f32 v43, v25  }
0x2b1: {  	v35 =	vmul.f32 v35, v5;
	v9 =	vsub.f32 $1.000000000e+00, v4;
	v50 =	vld.idx.msk [tilespmem:v15+s8+$0x0], $0xffff  }
0x2b2: {  	v41 =	vmul.f32 v41, v10;
	[tilespmem:s6+$0xFFFFE030] =	vst v33;
	v51 =	vld.idx.msk [tilespmem:v23+s8+$0x0], $0xffff;
	v38 =	vadd.f32 v49, v7  }
0x2b3: {  	v36 =	vmul.f32 v36, v4;
	v42 =	vmul.f32 v42, v9;
	v46 =	vld.idx.msk [tilespmem:v13+s8+$0x0], $0xffff  }
0x2b4: {  	v52 =	vld.idx.msk [tilespmem:v21+s8+$0x0], $0xffff;
	v35 =	vadd.f32 v35, v41;
	[tilespmem:s6+$0x70] =	vst v38  }
0x2b5: {  	v36 =	vadd.f32 v36, v42;
	v31 =	vld.idx.msk [tilespmem:v31+s12+$0x0], $0xffff  }
0x2b6: {  	v7 =	vsub.f32 $1.000000000e+00, v2;
	v34 =	vmul.f32 v61, v27;
	v40 =	vmul.f32 v63, v16;
	[tilespmem:s6+$0xFFFFE040] =	vst v35;
	v32 =	vld.idx.msk [tilespmem:v32+s12+$0x0], $0xffff  }
0x2b7: {  	v37 =	vmul.f32 v37, v2;
	v55 =	vld.idx.msk [tilespmem:v12+s8+$0x0], $0xffff  }
0x2b8: {  	v53 =	vmul.f32 v44, v7;
	[tilespmem:s6+$0xFFFFE050] =	vst v36;
	v34 =	vadd.f32 v40, v34;
	v58 =	vld.idx.msk [tilespmem:v22+s8+$0x0], $0xffff  }
0x2b9: {  	v56 =	vmul.f32 v48, v30;
	v57 =	vmul.f32 v45, v17;
	v59 =	vld.idx.msk [tilespmem:v11+s8+$0x0], $0xffff  }
0x2ba: {  	v61 =	vld.idx.msk [tilespmem:v19+s8+$0x0], $0xffff;
	v54 =	vadd.f32 v37, v53;
	[tilespmem:s6+$0xFFFFF010] =	vst v34  }
0x2bb: {  	v60 =	vadd.f32 v57, v56;
	v53 =	vld.idx.msk [tilespmem:v18+s9+$0x0], $0xffff  }
0x2bc: {  	v63 =	vmul.f32 v50, v28;
	v33 =	vmul.f32 v51, v14;
	v56 =	vld.idx.msk [tilespmem:v24+s9+$0x0], $0xffff;
	[tilespmem:s6+$0xFFFFE060] =	vst v54  }
0x2bd: {  	v49 =	vmul.f32 v46, v8;
	v62 =	vld.idx.msk [tilespmem:v1+s8+$0x0], $0xffff  }
0x2be: {  	v41 =	vmul.f32 v52, v6;
	[tilespmem:s6+$0xFFFFF000] =	vst v60;
	v33 =	vadd.f32 v33, v63;
	v48 =	vld.idx.msk [tilespmem:v3+s8+$0x0], $0xffff  }
0x2bf: {  	v50 =	vld.idx.msk [tilespmem:v20+s9+$0x0], $0xffff  }
0x2c0: {  	v52 =	vadd.f32 v41, v49;
	v51 =	vld.idx.msk [tilespmem:v26+s9+$0x0], $0xffff;
	[tilespmem:s6+$0xFFFFF020] =	vst v33  }
0x2c1: {  	v54 =	vmul.f32 v55, v10;
	v55 =	vmul.f32 v58, v5;
	v57 =	vld.idx.msk [tilespmem:v15+s9+$0x0], $0xffff  }
0x2c2: {  	[tilespmem:s6+$0xFFFFF030] =	vst v52;
	v58 =	vld.idx.msk [tilespmem:v23+s9+$0x0], $0xffff  }
0x2c3: {  	v42 =	vmul.f32 v59, v9;
	v36 =	vmul.f32 v61, v4;
	v59 =	vld.idx.msk [tilespmem:v13+s9+$0x0], $0xffff;
	v33 =	vadd.f32 v55, v54  }
0x2c4: {  	v61 =	vld.idx.msk [tilespmem:v21+s9+$0x0], $0xffff  }
0x2c5: {  	v60 =	vadd.f32 v36, v42;
	v47 =	vmul.f32 v53, v27;
	v39 =	vmul.f32 v56, v16;
	[tilespmem:s6+$0xFFFFF040] =	vst v33  }
0x2c6: {  	v38 =	vmul.f32 v62, v7;
	v63 =	vld.idx.msk [tilespmem:v12+s9+$0x0], $0xffff  }
0x2c7: {  	v35 =	vmul.f32 v48, v2;
	[tilespmem:s6+$0xFFFFF050] =	vst v60;
	v52 =	vadd.f32 v39, v47;
	v46 =	vld.idx.msk [tilespmem:v22+s9+$0x0], $0xffff  }
0x2c8: {  	v62 =	vmul.f32 v50, v30;
	v48 =	vld.idx.msk [tilespmem:v11+s9+$0x0], $0xffff  }
0x2c9: {  	v34 =	vmul.f32 v51, v17;
	v49 =	vld.idx.msk [tilespmem:v19+s9+$0x0], $0xffff;
	v45 =	vadd.f32 v35, v38;
	[tilespmem:s6+$0x10] =	vst v52  }
0x2ca: {  	v50 =	vmul.f32 v57, v28;
	v57 =	vld.idx.msk [tilespmem:v18+s12+$0x0], $0xffff  }
0x2cb: {  	v34 =	vadd.f32 v34, v62;
	v24 =	vld.idx.msk [tilespmem:v24+s12+$0x0], $0xffff;
	[tilespmem:s6+$0xFFFFF060] =	vst v45  }
0x2cc: {  	v37 =	vmul.f32 v58, v14;
	v51 =	vld.idx.msk [tilespmem:v1+s9+$0x0], $0xffff  }
0x2cd: {  	v29 =	vmul.f32 v31, v29;
	v25 =	vmul.f32 v32, v25;
	[tilespmem:s6+$0x0] =	vst v34;
	v53 =	vld.idx.msk [tilespmem:v3+s9+$0x0], $0xffff  }
0x2ce: {  	v54 =	vmul.f32 v59, v8;
	v55 =	vmul.f32 v61, v6;
	v31 =	vadd.f32 v37, v50;
	v20 =	vld.idx.msk [tilespmem:v20+s12+$0x0], $0xffff  }
0x2cf: {  	v25 =	vadd.f32 v25, v29;
	v26 =	vld.idx.msk [tilespmem:v26+s12+$0x0], $0xffff  }
0x2d0: {  	v18 =	vadd.f32 v55, v54;
	v56 =	vmul.f32 v63, v10;
	[tilespmem:s6+$0x20] =	vst v31;
	v58 =	vmul.f32 v46, v5  }
0x2d1: {  	[tilespmem:s6+$0x1070] =	vst v25;
	v59 =	vmul.f32 v48, v9;
	v60 =	vmul.f32 v49, v4;
	v15 =	vld.idx.msk [tilespmem:v15+s12+$0x0], $0xffff  }
0x2d2: {  	[tilespmem:s6+$0x30] =	vst v18;
	v23 =	vld.idx.msk [tilespmem:v23+s12+$0x0], $0xffff;
	v18 =	vadd.f32 v58, v56  }
0x2d3: {  	v13 =	vld.idx.msk [tilespmem:v13+s12+$0x0], $0xffff;
	v25 =	vadd.f32 v60, v59;
	v61 =	vmul.f32 v51, v7;
	v62 =	vmul.f32 v53, v2  }
0x2d4: {  	[tilespmem:s6+$0x40] =	vst v18;
	v20 =	vmul.f32 v20, v30;
	v17 =	vmul.f32 v26, v17;
	v18 =	vld.idx.msk [tilespmem:v21+s12+$0x0], $0xffff  }
0x2d5: {  	[tilespmem:s6+$0x50] =	vst v25;
	v12 =	vld.idx.msk [tilespmem:v12+s12+$0x0], $0xffff;
	v21 =	vadd.f32 v62, v61  }
0x2d6: {  	v63 =	vmul.f32 v57, v27;
	v16 =	vmul.f32 v24, v16;
	v11 =	vld.idx.msk [tilespmem:v11+s12+$0x0], $0xffff;
	v26 =	vadd.f32 v17, v20  }
0x2d7: {  	v17 =	vld.idx.msk [tilespmem:v22+s12+$0x0], $0xffff;
	v20 =	vmul.f32 v15, v28;
	[tilespmem:s6+$0x60] =	vst v21  }
0x2d8: {  	s29 =	simm.s32 $0x1140;
	s10 =	simm.s32 $0x19080;
	s23 =	simm.s32 $0x0;
	v22 =	vadd.f32 v16, v63;
	v14 =	vmul.f32 v23, v14;
	v16 =	vld.idx.msk [tilespmem:v19+s12+$0x0], $0xffff;
	[tilespmem:s6+$0x1000] =	vst v26  }
.LBB2_11:
0x2d9: {  	v29 =	vld [tilespmem:s29+$0x30];
	v8 =	vmul.f32 v13, v8  }
0x2da: {  	v6 =	vmul.f32 v18, v6;
	v15 =	vld [tilespmem:s29+$0xFFFFFFD0];
	[tilespmem:s6+$0x1010] =	vst v22;
	v19 =	vadd.f32 v14, v20  }
0x2db: {  	v10 =	vmul.f32 v12, v10;
	v14 =	vld [tilespmem:s29+$0xFFFFFFE0]  }
0x2dc: {  	s23 =	sadd.s32 $0x8, s23;
	v6 =	vadd.f32 v6, v8;
	v5 =	vmul.f32 v17, v5;
	v13 =	vld [tilespmem:s29+$0xFFFFFFF0];
	[tilespmem:s6+$0x1020] =	vst v19  }
0x2dd: {  	p1 =	slt.u32 s23, $0xF8;
	v8 =	vmul.f32 v11, v9;
	v12 =	vld [tilespmem:s29+$0x0]  }
0x2de: {  	v5 =	vadd.f32 v5, v10;
	v4 =	vmul.f32 v16, v4;
	v11 =	vld [tilespmem:s29+$0x10];
	v9 =	vadd.s32 $0x1, v29;
	[tilespmem:s6+$0x1030] =	vst v6  }
0x2df: {  	v6 =	vadd.s32 $0x1, v15;
	v10 =	vld [tilespmem:s29+$0x20];
	vm0 =	vlt.s32 v9, $0xFFF  }
0x2e0: {  	v22 =	vld [tilespmem:s29+$0xFFFFFFC0];
	vm1 =	vlt.s32 v6, $0xFFF;
	v16 =	vadd.s32 $0x1, v14;
	v31 =	vnsel vm0, $0xFFF, v9;
	[tilespmem:s6+$0x1040] =	vst v5  }
0x2e1: {  	v20 =	vnsel vm1, $0xFFF, v6;
	vm0 =	vlt.s32 v16, $0xFFF;
	v5 =	vadd.s32 $0x1, v13;
	v6 =	vld.idx.msk [tilespmem:v1+s12+$0x0], $0xffff  }
0x2e2: {  	s1 =	sadd.s32 $0x80, s1;
	v9 =	vld.idx.msk [tilespmem:v15+s4+$0x0], $0xffff;
	v19 =	vnsel vm0, $0xFFF, v16;
	vm0 =	vlt.s32 v5, $0xFFF;
	v16 =	vadd.s32 $0x1, v12  }
0x2e3: {  	v18 =	vnsel vm0, $0xFFF, v5;
	vm0 =	vlt.s32 v16, $0xFFF;
	v5 =	vadd.s32 $0x1, v11;
	v30 =	vld [tilespmem:s1+$0x30]  }
0x2e4: {  	v17 =	vnsel vm0, $0xFFF, v16;
	vm0 =	vlt.s32 v5, $0xFFF;
	v21 =	vadd.s32 $0x1, v10;
	v25 =	vld.idx.msk [tilespmem:v29+s4+$0x0], $0xffff;
	v1 =	vmovc v10  }
0x2e5: {  	v10 =	vadd.s32 $0x1, v22;
	v16 =	vnsel vm0, $0xFFF, v5;
	vm0 =	vlt.s32 v21, $0xFFF;
	v26 =	vld.idx.msk [tilespmem:v31+s4+$0x0], $0xffff  }
0x2e6: {  	v4 =	vadd.f32 v4, v8;
	v24 =	vld [tilespmem:s1+$0xFFFFFFC0];
	vm1 =	vlt.s32 v10, $0xFFF;
	v33 =	vnsel vm0, $0xFFF, v21  }
0x2e7: {  	v34 =	vmul.f32 v6, v7;
	v28 =	vnsel vm1, $0xFFF, v10;
	v23 =	vld [tilespmem:s1+$0xFFFFFFD0]  }
0x2e8: {  	v21 =	vld [tilespmem:s1+$0xFFFFFFE0];
	[tilespmem:s6+$0x1050] =	vst v4  }
0x2e9: {  	v32 =	vsub.f32 $1.000000000e+00, v30;
	v6 =	vld [tilespmem:s1+$0xFFFFFFF0]  }
0x2ea: {  	v5 =	vld [tilespmem:s1+$0x0]  }
0x2eb: {  	v7 =	vmul.f32 v25, v32;
	v8 =	vmul.f32 v26, v30;
	v27 =	vsub.f32 $1.000000000e+00, v24;
	v4 =	vld [tilespmem:s1+$0x10]  }
0x2ec: {  	v26 =	vsub.f32 $1.000000000e+00, v23;
	v35 =	vld [tilespmem:s1+$0x20]  }
0x2ed: {  	v7 =	vadd.f32 v8, v7;
	v36 =	vld.idx.msk [tilespmem:v28+s4+$0x0], $0xffff;
	v25 =	vsub.f32 $1.000000000e+00, v21  }
0x2ee: {  	s6 =	sadd.s32 $0x80, s6;
	v37 =	vld.idx.msk [tilespmem:v20+s4+$0x0], $0xffff;
	v38 =	vmul.f32 v9, v26;
	v8 =	vsub.f32 $1.000000000e+00, v6  }
0x2ef: {  	v39 =	vld.idx.msk [tilespmem:v19+s4+$0x0], $0xffff;
	v10 =	vsub.f32 $1.000000000e+00, v5;
	[tilespmem:s6+$0xFFFFE070] =	vst v7  }
0x2f0: {  	v9 =	vsub.f32 $1.000000000e+00, v4;
	v40 =	vld.idx.msk [tilespmem:v29+s8+$0x0], $0xffff  }
0x2f1: {  	v7 =	vsub.f32 $1.000000000e+00, v35;
	v41 =	vld.idx.msk [tilespmem:v31+s8+$0x0], $0xffff  }
0x2f2: {  	v42 =	vld.idx.msk [tilespmem:v18+s4+$0x0], $0xffff  }
0x2f3: {  	v36 =	vmul.f32 v36, v24;
	v43 =	vld.idx.msk [tilespmem:v17+s4+$0x0], $0xffff  }
0x2f4: {  	v37 =	vmul.f32 v37, v23;
	v44 =	vld.idx.msk [tilespmem:v16+s4+$0x0], $0xffff  }
0x2f5: {  	v39 =	vmul.f32 v39, v21;
	v45 =	vld.idx.msk [tilespmem:v33+s4+$0x0], $0xffff  }
0x2f6: {  	v37 =	vadd.f32 v37, v38;
	v46 =	vld.idx.msk [tilespmem:v22+s4+$0x0], $0xffff  }
0x2f7: {  	v40 =	vmul.f32 v40, v32;
	v41 =	vmul.f32 v41, v30;
	v38 =	vld.idx.msk [tilespmem:v14+s4+$0x0], $0xffff  }
0x2f8: {  	v42 =	vmul.f32 v42, v6;
	[tilespmem:s6+$0xFFFFE010] =	vst v37;
	v37 =	vld.idx.msk [tilespmem:v13+s4+$0x0], $0xffff  }
0x2f9: {  	v43 =	vmul.f32 v43, v5;
	v40 =	vadd.f32 v41, v40;
	v47 =	vld.idx.msk [tilespmem:v12+s4+$0x0], $0xffff  }
0x2fa: {  	v44 =	vmul.f32 v44, v4;
	v41 =	vld.idx.msk [tilespmem:v11+s4+$0x0], $0xffff  }
0x2fb: {  	v45 =	vmul.f32 v45, v35;
	v48 =	vld.idx.msk [tilespmem:v1+s4+$0x0], $0xffff;
	[tilespmem:s6+$0xFFFFF070] =	vst v40  }
0x2fc: {  	v40 =	vmul.f32 v46, v27;
	v46 =	vld.idx.msk [tilespmem:v29+s9+$0x0], $0xffff  }
0x2fd: {  	v38 =	vmul.f32 v38, v25;
	v49 =	vld.idx.msk [tilespmem:v31+s9+$0x0], $0xffff  }
0x2fe: {  	v36 =	vadd.f32 v36, v40;
	v37 =	vmul.f32 v37, v8;
	v40 =	vld.idx.msk [tilespmem:v15+s8+$0x0], $0xffff  }
0x2ff: {  	v38 =	vadd.f32 v39, v38;
	v39 =	vmul.f32 v47, v10;
	v50 =	vld.idx.msk [tilespmem:v20+s8+$0x0], $0xffff  }
0x300: {  	[tilespmem:s6+$0xFFFFE000] =	vst v36;
	v36 =	vadd.f32 v42, v37;
	v37 =	vmul.f32 v41, v9;
	v41 =	vld.idx.msk [tilespmem:v3+s12+$0x0], $0xffff;
	v3 =	vmov v33  }
0x301: {  	v33 =	vld.idx.msk [tilespmem:v22+s8+$0x0], $0xffff;
	[tilespmem:s6+$0xFFFFE020] =	vst v38;
	v38 =	vadd.f32 v43, v39;
	v39 =	vmul.f32 v48, v7  }
0x302: {  	v42 =	vld.idx.msk [tilespmem:v28+s8+$0x0], $0xffff;
	[tilespmem:s6+$0xFFFFE030] =	vst v36;
	v36 =	vadd.f32 v44, v37  }
0x303: {  	[tilespmem:s6+$0xFFFFE040] =	vst v38;
	v37 =	vadd.f32 v45, v39;
	v38 =	vmul.f32 v46, v32;
	v39 =	vmul.f32 v49, v30  }
0x304: {  	v40 =	vmul.f32 v40, v26;
	v43 =	vld.idx.msk [tilespmem:v14+s8+$0x0], $0xffff;
	[tilespmem:s6+$0xFFFFE050] =	vst v36  }
0x305: {  	v36 =	vmul.f32 v50, v23;
	v44 =	vld.idx.msk [tilespmem:v19+s8+$0x0], $0xffff;
	[tilespmem:s6+$0xFFFFE060] =	vst v37;
	v37 =	vadd.f32 v39, v38  }
0x306: {  	v39 =	vmul.f32 v41, v2;
	v2 =	vmov v35;
	v38 =	vld.idx.msk [tilespmem:v13+s8+$0x0], $0xffff  }
0x307: {  	v33 =	vmul.f32 v33, v27;
	v35 =	vadd.f32 v36, v40;
	v36 =	vld.idx.msk [tilespmem:v18+s8+$0x0], $0xffff;
	[tilespmem:s6+$0x70] =	vst v37  }
0x308: {  	v37 =	vmul.f32 v42, v24;
	v34 =	vadd.f32 v39, v34;
	v29 =	vld.idx.msk [tilespmem:v29+s12+$0x0], $0xffff  }
0x309: {  	[tilespmem:s6+$0xFFFFF010] =	vst v35;
	v31 =	vld.idx.msk [tilespmem:v31+s12+$0x0], $0xffff  }
0x30a: {  	v33 =	vadd.f32 v37, v33;
	v35 =	vmul.f32 v43, v25;
	v37 =	vld.idx.msk [tilespmem:v12+s8+$0x0], $0xffff;
	[tilespmem:s10+$0x1060] =	vst v34;
	s10 =	smov.u32 s6  }
0x30b: {  	v34 =	vmul.f32 v44, v21;
	v39 =	vld.idx.msk [tilespmem:v17+s8+$0x0], $0xffff  }
0x30c: {  	[tilespmem:s6+$0xFFFFF000] =	vst v33;
	v33 =	vmul.f32 v38, v8;
	v38 =	vld.idx.msk [tilespmem:v11+s8+$0x0], $0xffff  }
0x30d: {  	v34 =	vadd.f32 v34, v35;
	v35 =	vmul.f32 v36, v6;
	v36 =	vld.idx.msk [tilespmem:v16+s8+$0x0], $0xffff  }
0x30e: {  	v40 =	vld.idx.msk [tilespmem:v1+s8+$0x0], $0xffff  }
0x30f: {  	v29 =	vmul.f32 v29, v32;
	v33 =	vadd.f32 v35, v33;
	v30 =	vmul.f32 v31, v30;
	v35 =	vld.idx.msk [tilespmem:v3+s8+$0x0], $0xffff  }
0x310: {  	v32 =	vmul.f32 v37, v10;
	v31 =	vld.idx.msk [tilespmem:v22+s9+$0x0], $0xffff;
	[tilespmem:s6+$0xFFFFF020] =	vst v34  }
0x311: {  	v29 =	vadd.f32 v30, v29;
	v34 =	vld.idx.msk [tilespmem:v28+s9+$0x0], $0xffff;
	[tilespmem:s6+$0xFFFFF030] =	vst v33;
	v33 =	vmul.f32 v39, v5  }
0x312: {  	v37 =	vmul.f32 v38, v9;
	v30 =	vld.idx.msk [tilespmem:v15+s9+$0x0], $0xffff  }
0x313: {  	v38 =	vld.idx.msk [tilespmem:v20+s9+$0x0], $0xffff;
	v32 =	vadd.f32 v33, v32;
	v33 =	vmul.f32 v36, v4;
	[tilespmem:s6+$0x1070] =	vst v29  }
0x314: {  	v36 =	vmul.f32 v40, v7;
	v29 =	vld.idx.msk [tilespmem:v14+s9+$0x0], $0xffff  }
0x315: {  	v39 =	vld.idx.msk [tilespmem:v19+s9+$0x0], $0xffff;
	[tilespmem:s6+$0xFFFFF040] =	vst v32;
	v32 =	vadd.f32 v33, v37;
	v33 =	vmul.f32 v35, v2  }
0x316: {  	v31 =	vmul.f32 v31, v27;
	v35 =	vld.idx.msk [tilespmem:v13+s9+$0x0], $0xffff  }
0x317: {  	v34 =	vmul.f32 v34, v24;
	v37 =	vld.idx.msk [tilespmem:v18+s9+$0x0], $0xffff;
	[tilespmem:s6+$0xFFFFF050] =	vst v32;
	v32 =	vadd.f32 v33, v36  }
0x318: {  	v30 =	vmul.f32 v30, v26;
	v33 =	vld.idx.msk [tilespmem:v12+s9+$0x0], $0xffff  }
0x319: {  	v31 =	vadd.f32 v34, v31;
	v34 =	vmul.f32 v38, v23;
	v36 =	vld.idx.msk [tilespmem:v17+s9+$0x0], $0xffff;
	[tilespmem:s6+$0xFFFFF060] =	vst v32  }
0x31a: {  	v29 =	vmul.f32 v29, v25;
	v32 =	vld.idx.msk [tilespmem:v11+s9+$0x0], $0xffff  }
0x31b: {  	v30 =	vadd.f32 v34, v30;
	[tilespmem:s6+$0x0] =	vst v31;
	v31 =	vmul.f32 v39, v21;
	v34 =	vld.idx.msk [tilespmem:v16+s9+$0x0], $0xffff  }
0x31c: {  	v35 =	vmul.f32 v35, v8;
	v38 =	vld.idx.msk [tilespmem:v1+s9+$0x0], $0xffff  }
0x31d: {  	[tilespmem:s6+$0x10] =	vst v30;
	v29 =	vadd.f32 v31, v29;
	v30 =	vmul.f32 v37, v6;
	v31 =	vld.idx.msk [tilespmem:v3+s9+$0x0], $0xffff  }
0x31e: {  	v33 =	vmul.f32 v33, v10;
	v22 =	vld.idx.msk [tilespmem:v22+s12+$0x0], $0xffff  }
0x31f: {  	v28 =	vld.idx.msk [tilespmem:v28+s12+$0x0], $0xffff;
	[tilespmem:s6+$0x20] =	vst v29;
	v29 =	vadd.f32 v30, v35;
	v30 =	vmul.f32 v36, v5  }
0x320: {  	v32 =	vmul.f32 v32, v9;
	v15 =	vld.idx.msk [tilespmem:v15+s12+$0x0], $0xffff  }
0x321: {  	v20 =	vld.idx.msk [tilespmem:v20+s12+$0x0], $0xffff;
	[tilespmem:s6+$0x30] =	vst v29;
	v29 =	vadd.f32 v30, v33;
	v30 =	vmul.f32 v34, v4  }
0x322: {  	v33 =	vmul.f32 v38, v7;
	v14 =	vld.idx.msk [tilespmem:v14+s12+$0x0], $0xffff  }
0x323: {  	v19 =	vld.idx.msk [tilespmem:v19+s12+$0x0], $0xffff;
	[tilespmem:s6+$0x40] =	vst v29;
	v29 =	vadd.f32 v30, v32;
	v30 =	vmul.f32 v31, v2  }
0x324: {  	v22 =	vmul.f32 v22, v27;
	v13 =	vld.idx.msk [tilespmem:v13+s12+$0x0], $0xffff  }
.Ltmp6:
0x325: {  	v24 =	vmul.f32 v28, v24;
	v18 =	vld.idx.msk [tilespmem:v18+s12+$0x0], $0xffff;
	[tilespmem:s6+$0x50] =	vst v29;
	v27 =	vadd.f32 v30, v33;
	(pc) =	sbr.rel @p1 .LBB2_11-.Ltmp6, $4  }
0x326: {  	v15 =	vmul.f32 v15, v26;
	v12 =	vld.idx.msk [tilespmem:v12+s12+$0x0], $0xffff  }
0x327: {  	v22 =	vadd.f32 v24, v22;
	v23 =	vmul.f32 v20, v23;
	v17 =	vld.idx.msk [tilespmem:v17+s12+$0x0], $0xffff;
	[tilespmem:s6+$0x60] =	vst v27  }
0x328: {  	v20 =	vmul.f32 v14, v25;
	v11 =	vld.idx.msk [tilespmem:v11+s12+$0x0], $0xffff  }
0x329: {  	s29 =	sadd.s32 $0x80, s29;
	v14 =	vmul.f32 v19, v21;
	[tilespmem:s6+$0x1000] =	vst v22;
	v22 =	vadd.f32 v23, v15;
	v16 =	vld.idx.msk [tilespmem:v16+s12+$0x0], $0xffff  }
0x32a: {  	_ =	sdelay $0x3  }
0x32b: {  	v1 =	vld.idx.msk [tilespmem:v1+s12+$0x0], $0xffff  }
0x32c: {  	v3 =	vld.idx.msk [tilespmem:v3+s12+$0x0], $0xffff;
	_ =	sdelay $0x1  }
0x32d: {  	v8 =	vmul.f32 v13, v8;
	v6 =	vmul.f32 v18, v6  }
0x32e: {  	v62 =	vadd.f32 v14, v20;
	v10 =	vmul.f32 v12, v10;
	v5 =	vmul.f32 v17, v5  }
0x32f: {  	[tilespmem:s6+$0x1010] =	vst v22;
	v6 =	vadd.f32 v6, v8;
	v63 =	vmul.f32 v11, v9;
	v4 =	vmul.f32 v16, v4  }
0x330: {  	[tilespmem:s6+$0x1020] =	vst v62;
	v5 =	vadd.f32 v5, v10;
	v1 =	vmul.f32 v1, v7;
	v2 =	vmul.f32 v3, v2  }
.Ltmp7:
0x331: {  	[tilespmem:s6+$0x1030] =	vst v6;
	v3 =	vadd.f32 v4, v63;
	(pc) =	sbr.rel @p0 .LBB2_14-.Ltmp7, $4  }
0x332: {  	[tilespmem:s6+$0x1040] =	vst v5;
	v1 =	vadd.f32 v2, v1  }
0x333: {  	[tilespmem:s6+$0x1050] =	vst v3  }
0x334: {  	s1 =	sadd.s32 $0xC000, s11;
	s29 =	simm.s32 $0x17080;
	[tilespmem:s10+$0x1060] =	vst v1  }
0x335: {  	[hbm4b:s1+s13] =	stream.strided.scatter [tilespmem:s29], [sflag:$0x4], $0x4000, s14, s13, $0x38;
	[tilespmem:$0x1B080] =	vst v63  }
.Ltmp8:
0x336: {  	s1 =	rddreg [dreg:$0xa];
	(pc) =	sbr.rel .LBB2_4-.Ltmp8, $4  }
0x337: {  	s1 =	sadd.s32 s7, s1  }
0x338: {  	s6 =	rddreg [dreg:$0x0];
	s1 =	sshrl.u32 s1, $0x3  }
0x339: {  	s18 =	sadd.s32 $0x1, s18;
	s1 =	sadd.s32 s6, s1  }
0x33a: {  	[tilespmem:s16], [sflag:$0x2] =	stream.strided.gather [hbm4b:s1+s13], $0x8000, s14, s13, $0x38;
	[tilespmem:$0x1B080] =	vst v63  }
.LBB2_15:
0x33b: {  	_ =	sfence.sel $0x180000  }
0x33c: {  	[bflag:$0x0] =	sbarrier.arrive $0xFFFF  }
0x33d: {  	_ =	strace $0x9000004A  }
0x33e: {  	s0 =	stileid.u32;
	[bflag:$0x2] =	sbarrier.arrive $0xFFFF  }
0x33f: {  	p0 =	sne.s32 s0, $0x0;
	s0 =	rddreg [dreg:$0x3]  }
0x340: {  	s0 =	sadd.s32 @!p0 $0x100000, s0  }
0x341: {  	[sflag:s0] =	ssyncadd.tile.s32 @!p0 $0x1;
	_ =	shalt  }
.Lfunc_end2:
_tile_overlayer_lowered:
.L_overlay_start_2:
0x342: {  	(tag) =	ssettag $0x2  }
0x343: {  	s0 =	rddreg [dreg:$0x0];
	s2 =	stileid.u32  }
0x344: {  	s1 =	rddreg [dreg:$0x1];
	p0 =	sne.s32 s2, $0x0  }
0x345: {  	s3 =	rddreg [dreg:$0x2];
	[bflag:$0x3] =	sbarrier.arrive $0xFFFF;
	s2 =	simm.s32 @!p0 $0x1C05  }
0x346: {  	[timem:s3], [sflag:s2] =	dma.local @!p0 [hbm:s0], s1  }
0x347: {  	s0 =	simm.s32 @!p0 $0x5  }
0x348: {  	_ =	swait.ge @!p0 [sflag:s0], s1  }
0x349: {  	s1 =	ssub.s32 @!p0 $0x0, s1;
	[sflag:s0] =	ssyncset.done @!p0 $0x0  }
0x34a: {  	[sflag:s0] =	ssyncadd.s32 @!p0 s1  }
0x34b: {  	[bflag:$0x3] =	sbarrier.arrive $0xFFFF  }
0x34c: {  	_ =	shalt  }

// kernel: sparse-core-data-format-call.1.cloned.1.call-start
scs
called_computation.1_lowered:
.L_overlay_start_0:
0x0: {  	s2 =	sld [smem:$0x3FD9]  }
0x1: {  	s3 =	sld [smem:$0x3FFE];
	_ =	sdelay $0x1  }
0x2: {  	s1 =	srdreg.scid  }
0x3: {  	s0 =	sand.u32 $0x1, s1  }
0x4: {  	s19 =	sshll.u32 s0, $0xA;
	s2 =	sadd.s32 s3, s2  }
0x5: {  	s2 =	sadd.s32 s2, s19  }
0x6: {  	[smem:$0x3FC4] =	sst s2  }
0x7: {  	_ = 	snop  }
0x8: {  	s2 =	sld [smem:$0x3FC9]  }
0x9: {  	s20 =	sld [smem:$0x3FD0];
	(tm) =	ssettm $0x1  }
0xa: {  	s4 =	sld [smem:$0x3FFB];
	_ =	sdelay $0x3  }
0xb: {  	_ =	strace s4  }
0xc: {  	s4 =	sld [smem:$0x3FFC];
	_ =	sdelay $0x3  }
0xd: {  	_ =	strace s4  }
0xe: {  	s4 =	sld [smem:$0x3FFD];
	_ =	sdelay $0x3  }
0xf: {  	_ =	strace s4  }
0x10: {  	_ =	strace $0x8FFFFFFF  }
0x11: {  	s21 =	sld [smem:$0x3FDB];
	_ =	sdelay $0x1  }
0x12: {  	s5 =	simm.s32 $_scs_section_size  }
0x13: {  	s6 =	simm.s32 $_size__tile_overlayer_lowered;
	s7 =	simm.s32 $_tile_overlayer_lowered  }
0x14: {  	s24 =	simm.s32 $0x1BFF;
	s23 =	sshll.u32 s7, $0x1;
	s4 =	sadd.s32 s5, s21  }
0x15: {  	s8 =	simm.s32 $0x0;
	s22 =	sshll.u32 s6, $0x1;
	s6 =	sadd.s32 s23, s4  }
0x16: {  	[timem:s8], [sflag:s24] =	dma.local [hbm:s6], s22  }
0x17: {  	_ =	swait.ge [sflag:s24], s22  }
0x18: {  	s5 =	ssub.s32 $0x0, s22;
	[sflag:s24] =	ssyncset.done $0x0  }
0x19: {  	[sflag:s24] =	ssyncadd.s32 s5;
	_ =	sdelay $0x1  }
0x1a: {  	s25 =	simm.s32 $0x1B8B  }
0x1b: {  	_ =	swait.ge [sflag:s25], $0x1  }
0x1c: {  	[sflag:s25] =	ssyncset.done $0x0  }
0x1d: {  	s26 =	simm.s32 $0x1B8E;
	[sflag:s25] =	ssyncadd.s32 $0xFFFFFFFF  }
0x1e: {  	s27 =	simm.s32 $execute0_lowered;
	[smem:$0x3FD2] =	sst s26  }
0x1f: {  	s5 =	sshll.u32 s27, $0x1;
	_ =	strace $0x80000046;
	[dreg:$0x1] =	wrdreg $0xFFFFFFFF  }
0x20: {  	s28 =	simm.s32 $_size_execute0_lowered;
	s4 =	sadd.s32 s4, s5;
	[dreg:$0x0] =	wrdreg $0x0  }
0x21: {  	s5 =	sshll.u32 s28, $0x1;
	[dreg:$0x2] =	wrdreg s4  }
0x22: {  	[dreg:$0x3] =	wrdreg s5  }
0x23: {  	[dreg:$0x4] =	wrdreg $0xC0  }
0x24: {  	_ =	task [dreg:s8], $0x5FFFF  }
0x25: {  	[dreg:$0x1] =	wrdreg $0xFFFFFFFF  }
0x26: {  	[dreg:$0x0] =	wrdreg $0x60  }
0x27: {  	[dreg:$0x2] =	wrdreg s2  }
0x28: {  	[dreg:$0x3] =	wrdreg s20  }
0x29: {  	[dreg:$0x4] =	wrdreg $0x9  }
0x2a: {  	_ =	task.clear_ibuf [dreg:s8], $0x5FFFF;
	_ =	strace $0x90000046  }
0x2b: {  	s29 =	simm.s32 $0x9;
	_ =	strace $0x80000048  }
0x2c: {  	_ =	swait.ge [sflag:s29], $0x1  }
0x2d: {  	[sflag:s29] =	ssyncadd.s32 $0xFFFFFFFF  }
0x2e: {  	_ =	strace $0x90000048  }
0x2f: {  	_ =	sfence  }
0x30: {  	s30 =	sld [smem:$0x0];
	_ =	sdelay $0x2  }
0x31: {  	s31 =	sshll.u32 s1, $0xD;
	s1 =	sshrl.u32 s1, $0x2  }
0x32: {  	s3 =	sand.u32 $0x4000, s31;
	s1 =	sadd.s32 s1, s30  }
0x33: {  	s0 =	sor.u32 s3, s0;
	s1 =	sshll.u32 s1, $0x11  }
0x34: {  	s0 =	sor.u32 s1, s0  }
0x35: {  	s0 =	sadd.s32 $0x8F2B, s0  }
0x36: {  	[sflag:s0] =	ssyncadd.remote.s32 $0x1  }
0x37: {  	_ =	sfence.sel $0xFFFF  }
0x38: {  	[dreg:$0x0] =	wrdreg $0xFFFFFFFF;
	(pc) =	sbr.abs _section_cstart, $3  }
0x39: {  	[dreg:$0x1] =	wrdreg $0xFFFFFFFF  }
0x3a: {  	_ =	task.clear_ibuf [dreg:s8], $0x2FFFF;
	_ =	strace $0x9FFFFFFF  }
0x3b: {  	(tm) =	ssettm $0x7FFFFFFF  }
tec
execute0_lowered:
.L_overlay_start_1:
0x0: {  	(tag) =	ssettag $0x1  }
0x1: {  	s2 =	rddreg [dreg:$0x0]  }
0x2: {  	s3 =	rddreg [dreg:$0x1]  }
0x3: {  	s0 =	rddreg [dreg:$0x2]  }
0x4: {  	s1 =	srdreg.scid;
	_ =	strace $0x80000047;
	s7 =	simm.s32 $0x2  }
0x5: {  	s13 =	simm.s32 $0x0;
	p0 =	por $0x0, $0x0;
	s14 =	simm.s32 $0x0  }
0x6: {  	s16 =	simm.s32 $0x0;
	s15 =	simm.s32 $0x0;
	s9 =	simm.s32 $0x0  }
.Ltmp0:
0x7: {  	s10 =	simm.s32 $0x0;
	s4 =	sshll.u32 s1, $0x4;
	(pc) =	sbr.rel .LBB1_1-.Ltmp0, $4  }
0x8: {  	s1 =	stileid.u32;
	s5 =	sand.u32 $0x10, s4;
	s4 =	simm.s32 $0x1  }
0x9: {  	s8 =	simm.s32 $0x0;
	s6 =	sor.u32 s1, s5;
	[sflag:s4] =	ssyncpa.u1 $0x0  }
0xa: {  	s5 =	sand.u32 $0x3, s1;
	s6 =	sshrl.u32 s6, $0x2;
	[sflag:s7] =	ssyncpa.u1 $0x0  }
0xb: {  	s7 =	simm.s32 $0x8000;
	s12 =	smov.u32 s5;
	s11 =	smov.u32 s6  }
.LBB1_5:
0xc: {  	s17 =	sadd.s32 $0x80, s9  }
0xd: {  	s13 =	sadd.s32 $0x80, s10;
	s18 =	smov.u32 s10;
	p2 =	sgt.s32 s17, $0xFFF  }
0xe: {  	s18 =	smov.u32 @p2 s13  }
0xf: {  	s19 =	smov.u32 s11;
	s13 =	sadd.s32 $0x8, s11;
	p3 =	sgt.s32 s18, $0xFF  }
0x10: {  	s19 =	smov.u32 @p3 s13  }
0x11: {  	s20 =	smov.u32 s12;
	s13 =	sadd.s32 $0x4, s12;
	p4 =	sgt.s32 s19, $0x7  }
0x12: {  	p1 =	slt.u32 s8, $0x2;
	s20 =	smov.u32 @p4 s13  }
0x13: {  	s8 =	sadd.s32 $0x1, s8;
	s17 =	simm.s32 @p2 $0x0;
	p2 =	sgt.s32 s20, $0x3  }
0x14: {  	s21 =	simm.s32 @!p1 $0x2;
	s20 =	smov.u32 @p2 s5;
	p2 =	sne.s32 s8, $0x42  }
.Ltmp1:
0x15: {  	s14 =	smov.u32 s10;
	_ =	swait.ge @!p1 [sflag:s21], $0x4000;
	(pc) =	sbr.rel @!p2 .LBB1_6-.Ltmp1, $4  }
0x16: {  	s16 =	smov.u32 s11;
	s15 =	smov.u32 s12;
	[sflag:s21] =	ssyncset.done @!p1 $0x0  }
0x17: {  	p0 =	por !p0, !p0;
	s18 =	simm.s32 @p3 $0x0;
	[sflag:s21] =	ssyncadd.s32 @!p1 $0xFFFFC000  }
0x18: {  	s10 =	smov.u32 s18;
	s19 =	smov.u32 @p4 s6;
	s13 =	smov.u32 s9  }
0x19: {  	s9 =	smov.u32 s17;
	s11 =	smov.u32 s19;
	s12 =	smov.u32 s20  }
.LBB1_1:
0x1a: {  	p1 =	sgt.u32 s8, $0x3F  }
0x1b: {  	s17 =	sxor.u32 @!p1 $0xFFFFFFFF, s8;
	s18 =	sand.u32 @!p1 $0x78, s9  }
0x1c: {  	s19 =	sshll.u32 @!p1 s10, $0x7;
	s20 =	sshll.u32 @!p1 s10, $0xC;
	s21 =	sshll.u32 @!p1 s9, $0x3  }
0x1d: {  	s17 =	sshll.u32 @!p1 s17, $0xE;
	s19 =	sand.u32 @!p1 $0x380, s19;
	s20 =	sand.u32 @!p1 $0xF8000, s20  }
0x1e: {  	s17 =	sand.u32 @!p1 $0x4000, s17;
	s18 =	sor.u32 @!p1 s19, s18;
	s19 =	sand.u32 @!p1 $0xC00, s21  }
0x1f: {  	s20 =	sadd.s32 @!p1 s20, s21;
	s18 =	sor.u32 @!p1 s19, s18;
	s19 =	sshll.u32 @!p1 s12, $0x14  }
0x20: {  	s21 =	sshll.u32 @!p1 s11, $0x11;
	s20 =	sshrl.u32 @!p1 s20, $0x3;
	s19 =	sadd.s32 @!p1 s2, s19  }
0x21: {  	s20 =	sand.u32 @!p1 $0x1FE00, s20;
	s19 =	sadd.s32 @!p1 s21, s19;
	s21 =	sand.u32 @!p1 $0x7, s9  }
0x22: {  	s18 =	sshrl.u32 @!p1 s18, $0x3;
	s19 =	sadd.s32 @!p1 s20, s19;
	s20 =	sshll.u32 @!p1 s21, $0x12  }
0x23: {  	s18 =	sadd.s32 @!p1 s18, s19;
	s19 =	sor.u32 @!p1 $0x400, s20;
	s20 =	simm.s32 @!p1 $0x8000  }
0x24: {  	[tilespmem:s17], [sflag:$0x1] =	stream.strided.gather @!p1 [hbm4b:s18+s19], $0x4000, s20, s19, $0x38;
	[tilespmem:$0x10000] =	vst v63  }
0x25: {  	p1 =	seq.s32 s8, $0x0  }
0x26: {  	p2 =	seq.s32 @!p1 s8, $0x41  }
0x27: {  	p1 =	por p1, p2  }
.Ltmp2:
0x28: {  	_ = 	snop;
	(pc) =	sbr.rel @p1 .LBB1_5-.Ltmp2, $1  }
0x29: {  	_ =	sdelay $0x3  }
0x2a: {  	s17 =	simm.s32 $0x1  }
0x2b: {  	s17 =	simm.s32 @!p0 $0x0  }
0x2c: {  	s17 =	sshll.u32 s17, $0xE  }
0x2d: {  	s18 =	sor.u32 $0x40, s17  }
0x2e: {  	v1 =	vmov s18;
	_ =	sdelay $0x1  }
0x2f: {  	_ =	swait.ge [sflag:s4], $0x4000  }
0x30: {  	[sflag:s4] =	ssyncset.done $0x0  }
0x31: {  	s19 =	simm.s32 $0x0;
	[sflag:s4] =	ssyncadd.s32 $0xFFFFC000  }
0x32: {  	s17 =	sor.u32 $0x8070, s17;
	v7 =	vld.idx.msk [tilespmem:v1+s19+$0x30 ss:$0x1], $0xffff  }
0x33: {  	v0 =	vmov s17;
	v8 =	vld.idx.msk [tilespmem:v1+s19+$0xFFFFFFC0 ss:$0x1], $0xffff  }
0x34: {  	v6 =	vld.idx.msk [tilespmem:v1+s19+$0xFFFFFFD0 ss:$0x1], $0xffff  }
0x35: {  	v4 =	vld.idx.msk [tilespmem:v1+s19+$0xFFFFFFE0 ss:$0x1], $0xffff  }
0x36: {  	v2 =	vld.idx.msk [tilespmem:v1+s19+$0xFFFFFFF0 ss:$0x1], $0xffff  }
0x37: {  	s31 =	sshll.u32 s8, $0xE;
	v3 =	vld.idx.msk [tilespmem:v1+s19+$0x0 ss:$0x1], $0xffff  }
0x38: {  	s17 =	sand.u32 $0x4000, s31;
	v5 =	vld.idx.msk [tilespmem:v1+s19+$0x10 ss:$0x1], $0xffff;
	[tilespmem:v0+s19+$0x0 ss:$0x1] =	vst.idx.msk $0xffff, v7  }
0x39: {  	s20 =	simm.s32 $0x400;
	s18 =	simm.s32 $0x80;
	s17 =	sor.u32 $0x8000, s17;
	[tilespmem:v0+s19+$0xFFFFFF90 ss:$0x1] =	vst.idx.msk $0xffff, v8;
	v7 =	vld.idx.msk [tilespmem:v1+s19+$0x20 ss:$0x1], $0xffff  }
.LBB1_3:
0x3a: {  	p1 =	sne.s32 s20, $0xFE00;
	v8 =	vld.idx.msk [tilespmem:v1+s18+$0x30 ss:$0x1], $0xffff;
	[tilespmem:v0+s19+$0xFFFFFFA0 ss:$0x1] =	vst.idx.msk $0xffff, v6  }
0x3b: {  	v9 =	vld.idx.msk [tilespmem:v1+s18+$0xFFFFFFC0 ss:$0x1], $0xffff;
	[tilespmem:v0+s19+$0xFFFFFFB0 ss:$0x1] =	vst.idx.msk $0xffff, v4  }
0x3c: {  	v6 =	vld.idx.msk [tilespmem:v1+s18+$0xFFFFFFD0 ss:$0x1], $0xffff;
	[tilespmem:v0+s19+$0xFFFFFFC0 ss:$0x1] =	vst.idx.msk $0xffff, v2  }
.Ltmp3:
0x3d: {  	v4 =	vld.idx.msk [tilespmem:v1+s18+$0xFFFFFFE0 ss:$0x1], $0xffff;
	[tilespmem:v0+s19+$0xFFFFFFD0 ss:$0x1] =	vst.idx.msk $0xffff, v3;
	(pc) =	sbr.rel @p1 .LBB1_3-.Ltmp3, $4  }
0x3e: {  	v2 =	vld.idx.msk [tilespmem:v1+s18+$0xFFFFFFF0 ss:$0x1], $0xffff;
	[tilespmem:v0+s19+$0xFFFFFFE0 ss:$0x1] =	vst.idx.msk $0xffff, v5  }
0x3f: {  	v3 =	vld.idx.msk [tilespmem:v1+s18+$0x0 ss:$0x1], $0xffff;
	[tilespmem:v0+s19+$0xFFFFFFF0 ss:$0x1] =	vst.idx.msk $0xffff, v7;
	s19 =	smov.u32 s18  }
0x40: {  	v5 =	vld.idx.msk [tilespmem:v1+s19+$0x10 ss:$0x1], $0xffff;
	[tilespmem:v0+s19+$0x0 ss:$0x1] =	vst.idx.msk $0xffff, v8  }
0x41: {  	s18 =	sshra.s32 s20, $0x2;
	s20 =	sadd.s32 $0x200, s20;
	[tilespmem:v0+s19+$0xFFFFFF90 ss:$0x1] =	vst.idx.msk $0xffff, v9;
	v7 =	vld.idx.msk [tilespmem:v1+s19+$0x20 ss:$0x1], $0xffff  }
0x42: {  	_ =	sdelay $0x3  }
0x43: {  	[tilespmem:v0+s19+$0xFFFFFFA0 ss:$0x1] =	vst.idx.msk $0xffff, v6  }
0x44: {  	v56 =	vld.idx.msk [tilespmem:v1+s18+$0x30 ss:$0x1], $0xffff;
	[tilespmem:v0+s19+$0xFFFFFFB0 ss:$0x1] =	vst.idx.msk $0xffff, v4  }
0x45: {  	v57 =	vld.idx.msk [tilespmem:v1+s18+$0xFFFFFFC0 ss:$0x1], $0xffff;
	[tilespmem:v0+s19+$0xFFFFFFC0 ss:$0x1] =	vst.idx.msk $0xffff, v2  }
0x46: {  	v58 =	vld.idx.msk [tilespmem:v1+s18+$0xFFFFFFD0 ss:$0x1], $0xffff;
	[tilespmem:v0+s19+$0xFFFFFFD0 ss:$0x1] =	vst.idx.msk $0xffff, v3  }
0x47: {  	v59 =	vld.idx.msk [tilespmem:v1+s18+$0xFFFFFFE0 ss:$0x1], $0xffff;
	[tilespmem:v0+s19+$0xFFFFFFE0 ss:$0x1] =	vst.idx.msk $0xffff, v5  }
0x48: {  	v60 =	vld.idx.msk [tilespmem:v1+s18+$0xFFFFFFF0 ss:$0x1], $0xffff;
	[tilespmem:v0+s19+$0xFFFFFFF0 ss:$0x1] =	vst.idx.msk $0xffff, v7  }
0x49: {  	v61 =	vld.idx.msk [tilespmem:v1+s18+$0x0 ss:$0x1], $0xffff;
	[tilespmem:v0+s18+$0x0 ss:$0x1] =	vst.idx.msk $0xffff, v56  }
0x4a: {  	v62 =	vld.idx.msk [tilespmem:v1+s18+$0x10 ss:$0x1], $0xffff;
	s16 =	sshll.u32 s16, $0x7;
	s27 =	sand.u32 $0x78, s13;
	[tilespmem:v0+s18+$0xFFFFFF90 ss:$0x1] =	vst.idx.msk $0xffff, v57  }
0x4b: {  	v63 =	vld.idx.msk [tilespmem:v1+s18+$0x20 ss:$0x1], $0xffff;
	s20 =	sshll.u32 s13, $0x3;
	s15 =	sshll.u32 s15, $0x14;
	s14 =	sshll.u32 s14, $0xC;
	[tilespmem:v0+s18+$0xFFFFFFA0 ss:$0x1] =	vst.idx.msk $0xffff, v58  }
0x4c: {  	s29 =	sand.u32 $0xE00, s13;
	s16 =	sand.u32 $0x380, s16;
	s28 =	sand.u32 $0xC00, s20;
	[tilespmem:v0+s18+$0xFFFFFFB0 ss:$0x1] =	vst.idx.msk $0xffff, v59  }
.Ltmp4:
0x4d: {  	s15 =	sadd.s32 s3, s15;
	s16 =	sor.u32 s16, s27;
	[tilespmem:v0+s18+$0xFFFFFFC0 ss:$0x1] =	vst.idx.msk $0xffff, v60;
	(pc) =	sbr.rel .LBB1_5-.Ltmp4, $4  }
0x4e: {  	s30 =	sand.u32 $0x7, s13;
	s14 =	sadd.s32 s14, s15;
	s16 =	sor.u32 s28, s16;
	[tilespmem:v0+s18+$0xFFFFFFD0 ss:$0x1] =	vst.idx.msk $0xffff, v61  }
0x4f: {  	s13 =	sshll.u32 s30, $0x12;
	s14 =	sadd.s32 s29, s14;
	s31 =	sshrl.u32 s16, $0x3;
	[tilespmem:v0+s18+$0xFFFFFFE0 ss:$0x1] =	vst.idx.msk $0xffff, v62  }
0x50: {  	s13 =	sor.u32 $0x80, s13;
	[tilespmem:v0+s18+$0xFFFFFFF0 ss:$0x1] =	vst.idx.msk $0xffff, v63;
	s14 =	sadd.s32 s31, s14  }
0x51: {  	[hbm4b:s14+s13] =	stream.strided.scatter [tilespmem:s17], [sflag:$0x2], $0x4000, s7, s13, $0x38;
	[tilespmem:$0x10000] =	vst v63  }
.LBB1_6:
0x52: {  	_ =	sfence.sel $0x180000  }
0x53: {  	s2 =	simm.s32 $0x1;
	[bflag:$0x0] =	sbarrier.arrive $0xFFFF  }
0x54: {  	s31 =	simm.s32 $0x2;
	[sflag:s2] =	ssyncpa.u1 $0x1  }
0x55: {  	[sflag:s31] =	ssyncpa.u1 $0x1  }
0x56: {  	p0 =	sne.s32 s1, $0x0;
	_ =	strace $0x90000047  }
0x57: {  	s0 =	sadd.s32 @!p0 $0x100000, s0;
	[bflag:$0x2] =	sbarrier.arrive $0xFFFF  }
0x58: {  	[sflag:s0] =	ssyncadd.tile.s32 @!p0 $0x1;
	_ =	shalt  }
.Lfunc_end1:
_tile_overlayer_lowered:
.L_overlay_start_2:
0x59: {  	(tag) =	ssettag $0x2  }
0x5a: {  	s0 =	rddreg [dreg:$0x0];
	s2 =	stileid.u32  }
0x5b: {  	s1 =	rddreg [dreg:$0x1];
	p0 =	sne.s32 s2, $0x0  }
0x5c: {  	s3 =	rddreg [dreg:$0x2];
	[bflag:$0x3] =	sbarrier.arrive $0xFFFF;
	s2 =	simm.s32 @!p0 $0x1C01  }
0x5d: {  	[timem:s3], [sflag:s2] =	dma.local @!p0 [hbm:s0], s1  }
0x5e: {  	s0 =	simm.s32 @!p0 $0x1  }
0x5f: {  	_ =	swait.ge @!p0 [sflag:s0], s1  }
0x60: {  	s1 =	ssub.s32 @!p0 $0x0, s1;
	[sflag:s0] =	ssyncset.done @!p0 $0x0  }
0x61: {  	[sflag:s0] =	ssyncadd.s32 @!p0 s1  }
0x62: {  	[bflag:$0x3] =	sbarrier.arrive $0xFFFF  }
0x63: {  	_ =	shalt  }

// kernel: sparse-core-data-format-call.cloned.1.call-start
scs
called_computation_lowered:
.L_overlay_start_0:
0x0: {  	s2 =	sld [smem:$0x3FD9]  }
0x1: {  	s3 =	sld [smem:$0x3FFE];
	_ =	sdelay $0x1  }
0x2: {  	s1 =	srdreg.scid  }
0x3: {  	s0 =	sand.u32 $0x1, s1  }
0x4: {  	s18 =	sshll.u32 s0, $0xA;
	s2 =	sadd.s32 s3, s2  }
0x5: {  	s2 =	sadd.s32 s2, s18  }
0x6: {  	[smem:$0x3FC4] =	sst s2  }
0x7: {  	_ = 	snop  }
0x8: {  	s2 =	sld [smem:$0x3FD0];
	(tm) =	ssettm $0x1  }
0x9: {  	s19 =	sld [smem:$0x3FFB];
	_ =	sdelay $0x3  }
0xa: {  	_ =	strace s19  }
0xb: {  	s3 =	sld [smem:$0x3FFC];
	_ =	sdelay $0x3  }
0xc: {  	_ =	strace s3  }
0xd: {  	s3 =	sld [smem:$0x3FFD];
	_ =	sdelay $0x3  }
0xe: {  	_ =	strace s3  }
0xf: {  	_ =	strace $0x8FFFFFFF  }
0x10: {  	s20 =	sld [smem:$0x3FDB];
	_ =	sdelay $0x1  }
0x11: {  	s4 =	simm.s32 $_scs_section_size  }
0x12: {  	s5 =	simm.s32 $_size__tile_overlayer_lowered;
	s6 =	simm.s32 $_tile_overlayer_lowered  }
0x13: {  	s23 =	simm.s32 $0x1BFF;
	s22 =	sshll.u32 s6, $0x1;
	s3 =	sadd.s32 s4, s20  }
0x14: {  	s7 =	simm.s32 $0x0;
	s21 =	sshll.u32 s5, $0x1;
	s5 =	sadd.s32 s22, s3  }
0x15: {  	[timem:s7], [sflag:s23] =	dma.local [hbm:s5], s21  }
0x16: {  	_ =	swait.ge [sflag:s23], s21  }
0x17: {  	s4 =	ssub.s32 $0x0, s21;
	[sflag:s23] =	ssyncset.done $0x0  }
0x18: {  	[sflag:s23] =	ssyncadd.s32 s4;
	_ =	sdelay $0x1  }
0x19: {  	s24 =	simm.s32 $0x1B8B  }
0x1a: {  	_ =	swait.ge [sflag:s24], $0x1  }
0x1b: {  	[sflag:s24] =	ssyncset.done $0x0  }
0x1c: {  	s26 =	simm.s32 $0x1B8E;
	s25 =	sld [smem:$0x3FFE];
	[sflag:s24] =	ssyncadd.s32 $0xFFFFFFFF  }
0x1d: {  	s27 =	simm.s32 $execute0_lowered;
	[smem:$0x3FD2] =	sst s26  }
0x1e: {  	s5 =	sshll.u32 s27, $0x1;
	_ =	strace $0x8000004C;
	[dreg:$0x1] =	wrdreg $0xFFFFFFFF  }
0x1f: {  	s28 =	simm.s32 $_size_execute0_lowered;
	s3 =	sadd.s32 s3, s5;
	[dreg:$0x0] =	wrdreg $0x0  }
0x20: {  	s5 =	sshll.u32 s28, $0x1;
	[dreg:$0x2] =	wrdreg s3  }
0x21: {  	[dreg:$0x3] =	wrdreg s5  }
0x22: {  	[dreg:$0x4] =	wrdreg $0xC0  }
0x23: {  	_ =	task [dreg:s7], $0x5FFFF  }
0x24: {  	[dreg:$0x1] =	wrdreg $0xFFFFFFFF  }
0x25: {  	[dreg:$0x0] =	wrdreg $0x60  }
0x26: {  	[dreg:$0x2] =	wrdreg s25  }
0x27: {  	[dreg:$0x3] =	wrdreg s2  }
0x28: {  	[dreg:$0x4] =	wrdreg $0x9  }
0x29: {  	_ =	task.clear_ibuf [dreg:s7], $0x5FFFF;
	_ =	strace $0x9000004C  }
0x2a: {  	s29 =	simm.s32 $0x9;
	_ =	strace $0x8000004E  }
0x2b: {  	_ =	swait.ge [sflag:s29], $0x1  }
0x2c: {  	[sflag:s29] =	ssyncadd.s32 $0xFFFFFFFF  }
0x2d: {  	_ =	strace $0x9000004E  }
0x2e: {  	_ =	sfence  }
0x2f: {  	s30 =	sld [smem:$0x0];
	_ =	sdelay $0x2  }
0x30: {  	s31 =	sshll.u32 s1, $0xD;
	s1 =	sshrl.u32 s1, $0x2  }
0x31: {  	s3 =	sand.u32 $0x4000, s31;
	s1 =	sadd.s32 s1, s30  }
0x32: {  	s0 =	sor.u32 s3, s0;
	s1 =	sshll.u32 s1, $0x11  }
0x33: {  	s0 =	sor.u32 s1, s0  }
0x34: {  	s0 =	sadd.s32 $0x8F2B, s0  }
0x35: {  	[sflag:s0] =	ssyncadd.remote.s32 $0x1  }
0x36: {  	_ =	sfence.sel $0xFFFF  }
0x37: {  	[dreg:$0x0] =	wrdreg $0xFFFFFFFF;
	(pc) =	sbr.abs _section_cstart, $3  }
0x38: {  	[dreg:$0x1] =	wrdreg $0xFFFFFFFF  }
0x39: {  	_ =	task.clear_ibuf [dreg:s7], $0x2FFFF;
	_ =	strace $0x9FFFFFFF  }
0x3a: {  	(tm) =	ssettm $0x7FFFFFFF  }
0x3b: {  	_ =	shalt  }
tec
execute0_lowered:
.L_overlay_start_1:
0x0: {  	(tag) =	ssettag $0x1  }
0x1: {  	s7 =	stileid.u32;
	s28 =	rddreg [dreg:$0x0]  }
0x2: {  	s0 =	srdreg.scid;
	s3 =	rddreg [dreg:$0x1]  }
0x3: {  	s6 =	simm.s32 $0x1;
	_ =	strace $0x8000004D;
	s5 =	simm.s32 $0x1  }
0x4: {  	s31 =	simm.s32 $0x2;
	s1 =	sshll.u32 s7, $0x1;
	s0 =	sshll.u32 s0, $0x5  }
0x5: {  	s16 =	simm.s32 $0x0;
	s9 =	simm.s32 $0x100000;
	s0 =	sor.u32 s1, s0  }
0x6: {  	s10 =	simm.s32 $0x0;
	s17 =	simm.s32 $0x0;
	s2 =	sand.u32 $0x38, s0  }
0x7: {  	s19 =	simm.s32 $0x0;
	s18 =	simm.s32 $0x0;
	s29 =	ssub.s32 $0x100, s2  }
0x8: {  	s11 =	simm.s32 $0x0;
	s12 =	simm.s32 $0x0;
	s4 =	sand.u32 $0x38, s29  }
.Ltmp0:
0x9: {  	s15 =	simm.s32 $0x0;
	p0 =	sne.s32 s4, $0x0;
	(pc) =	sbr.rel .LBB1_1-.Ltmp0, $4  }
0xa: {  	s25 =	simm.s32 $0x0;
	s1 =	sshrl.u32 s29, $0x6;
	s6 =	simm.s32 @!p0 $0x0  }
0xb: {  	[sflag:s5] =	ssyncpa.u1 $0x0;
	s7 =	sand.u32 $0x3, s7;
	s30 =	sadd.s32 s6, s1  }
0xc: {  	[sflag:s31] =	ssyncpa.u1 $0x0;
	s14 =	smov.u32 s7;
	s6 =	sshll.u32 s30, $0x4  }
0xd: {  	s13 =	smov.u32 s2;
	s4 =	sadd.s32 $0xE00, s28;
	s8 =	sor.u32 $0x1, s6  }
.LBB1_7:
0xe: {  	s0 =	sadd.s32 $0x100, s11  }
0xf: {  	s1 =	sadd.s32 $0x8, s12;
	s20 =	smov.u32 s12;
	p1 =	sgt.s32 s0, $0xFFF  }
0x10: {  	s20 =	smov.u32 @p1 s1  }
0x11: {  	s21 =	smov.u32 s13;
	s1 =	sadd.s32 $0x40, s13;
	p2 =	sgt.s32 s20, $0x7  }
0x12: {  	s21 =	smov.u32 @p2 s1  }
0x13: {  	s22 =	smov.u32 s14;
	s1 =	sadd.s32 $0x4, s14;
	p3 =	sgt.s32 s21, $0xFF  }
0x14: {  	p0 =	slt.u32 s15, $0x2;
	s22 =	smov.u32 @p3 s1  }
0x15: {  	s16 =	smov.u32 s11;
	s0 =	simm.s32 @p1 $0x0;
	p1 =	sgt.s32 s22, $0x3  }
0x16: {  	s17 =	smov.u32 s12;
	s22 =	smov.u32 @p1 s7;
	p1 =	sne.s32 s15, s8  }
.Ltmp1:
0x17: {  	s19 =	smov.u32 s13;
	s18 =	smov.u32 s14;
	(pc) =	sbr.rel @!p1 .LBB1_8-.Ltmp1, $4  }
0x18: {  	s10 =	sadd.s32 $0x4000, s10;
	s11 =	smov.u32 s0;
	s1 =	simm.s32 @!p0 $0x2  }
0x19: {  	s20 =	simm.s32 @p2 $0x0;
	s21 =	smov.u32 @p3 s2;
	_ =	swait.ge @!p0 [sflag:s1], $0x4000  }
0x1a: {  	s12 =	smov.u32 s20;
	s13 =	smov.u32 s21;
	[sflag:s1] =	ssyncset.done @!p0 $0x0  }
0x1b: {  	s15 =	sadd.s32 $0x1, s15;
	[sflag:s1] =	ssyncadd.s32 @!p0 $0xFFFFC000;
	s14 =	smov.u32 s22  }
.LBB1_1:
0x1c: {  	p0 =	sge.u32 s15, s6  }
0x1d: {  	s31 =	sadd.s32 $0xFFFFFFFF, s15;
	s0 =	sxor.u32 @!p0 $0xFFFFFFFF, s15  }
0x1e: {  	s1 =	sshll.u32 @!p0 s12, $0x7;
	s20 =	sand.u32 @!p0 $0x78, s11;
	s21 =	sshll.u32 @!p0 s11, $0x3  }
0x1f: {  	s22 =	sand.u32 @!p0 $0xE00, s11;
	s0 =	sshll.u32 @!p0 s0, $0xE;
	s1 =	sand.u32 @!p0 $0x380, s1  }
0x20: {  	s21 =	sand.u32 @!p0 $0xC00, s21;
	s1 =	sor.u32 @!p0 s1, s20;
	s20 =	sshll.u32 @!p0 s14, $0x14  }
0x21: {  	s1 =	sor.u32 @!p0 s21, s1;
	s21 =	sshll.u32 @!p0 s13, $0xC;
	s20 =	sadd.s32 @!p0 s4, s20  }
0x22: {  	s0 =	sand.u32 @!p0 $0x4000, s0;
	s20 =	sadd.s32 @!p0 s21, s20;
	s21 =	sand.u32 @!p0 $0x7, s11  }
0x23: {  	s1 =	sshrl.u32 @!p0 s1, $0x3;
	s20 =	sadd.s32 @!p0 s22, s20;
	s21 =	sshll.u32 @!p0 s21, $0x12  }
0x24: {  	s1 =	sadd.s32 @!p0 s1, s20;
	s20 =	sor.u32 @!p0 $0x800, s21;
	s21 =	simm.s32 @!p0 $0x8000  }
0x25: {  	[tilespmem:s0], [sflag:$0x1] =	stream.strided.gather @!p0 [hbm4b:s1+s20], $0x4000, s21, s20, $0x38;
	[tilespmem:$0x10000] =	vst v63  }
0x26: {  	p0 =	sge.u32 s31, s6  }
.Ltmp2:
0x27: {  	_ = 	snop;
	(pc) =	sbr.rel @p0 .LBB1_7-.Ltmp2, $1  }
0x28: {  	_ =	sdelay $0x3  }
0x29: {  	s0 =	sshll.u32 s10, $0x2;
	_ =	swait.ge [sflag:s5], $0x4000;
	s1 =	sshll.u32 s15, $0xE  }
0x2a: {  	p0 =	por $0x0, $0x0;
	s26 =	simm.s32 $0x0;
	s27 =	simm.s32 $0x0  }
0x2b: {  	s0 =	sand.u32 $0x10000, s0;
	[sflag:s5] =	ssyncset.done $0x0;
	s23 =	sand.u32 $0x4000, s1  }
0x2c: {  	s0 =	sshrl.u32 s0, $0x2;
	[sflag:s5] =	ssyncadd.s32 $0xFFFFC000;
	s20 =	sor.u32 $0x8000, s23  }
0x2d: {  	s21 =	sor.u32 $0x40, s0;
	s22 =	sor.u32 $0x8410, s0;
	s24 =	sadd.s32 $0x8400, s0  }
.LBB1_3:
0x2e: {  	v1 =	vld [tilespmem:s21+$0xFFFFFFD0]  }
0x2f: {  	v2 =	vld [tilespmem:s21+$0x430]  }
0x30: {  	s0 =	sshll.u32 s27, $0xB;
	v4 =	vld [tilespmem:s21+$0xFFFFFFE0]  }
0x31: {  	v7 =	vld [tilespmem:s21+$0xFFFFFFF0];
	v0 =	vmov s0  }
0x32: {  	v8 =	vld [tilespmem:s21+$0x0]  }
0x33: {  	v9 =	vld [tilespmem:s21+$0x10];
	s0 =	sand.u32 $0x300, s25  }
0x34: {  	s1 =	sand.u32 $0x80, s25;
	v10 =	vld [tilespmem:s21+$0x20];
	s0 =	sadd.s32 s0, s23  }
0x35: {  	v11 =	vld [tilespmem:s21+$0x30];
	s0 =	sadd.s32 s1, s0;
	s1 =	simm.s32 $0x1;
	[tilespmem:s22+$0x60] =	vst v2  }
0x36: {  	s1 =	simm.s32 @!p0 $0x0;
	[tilespmem:s22+$0xFFFFFC00] =	vst v1;
	v3 =	vld.idx.msk [tilespmem:v0+s0+$0x400 ss:$0x1], $0xffff;
	s0 =	sshll.u32 s26, $0x2  }
0x37: {  	v6 =	vld [tilespmem:s21+$0x3D0];
	s1 =	sshll.u32 s1, $0x9;
	[tilespmem:s22+$0xFFFFFC10] =	vst v4;
	s0 =	sand.u32 $0xFFFFFC00, s0  }
0x38: {  	v5 =	vld [tilespmem:s21+$0x3E0];
	[tilespmem:s22+$0xFFFFFC20] =	vst v7;
	s0 =	sor.u32 s1, s0  }
0x39: {  	[tilespmem:s22+$0xFFFFFC30] =	vst v8;
	v4 =	vld [tilespmem:s21+$0x400];
	s0 =	sshrl.u32 s0, $0x2  }
0x3a: {  	[tilespmem:s22+$0xFFFFFC40] =	vst v9;
	v1 =	vld [tilespmem:s21+$0x410];
	s28 =	sadd.s32 s0, s24  }
0x3b: {  	[tilespmem:s28+$0x0] =	vst v3;
	v3 =	vld [tilespmem:s21+$0x3F0]  }
0x3c: {  	s31 =	simm.s32 $0x100;
	[tilespmem:s22+$0xFFFFFC50] =	vst v10;
	v2 =	vld [tilespmem:s21+$0x420];
	s1 =	simm.s32 $0x80  }
0x3d: {  	s29 =	sadd.s32 $0x80, s21;
	s30 =	smov.u32 s22;
	v7 =	vld [tilespmem:s21+$0xFFFFFFC0];
	[tilespmem:s22+$0xFFFFFC60] =	vst v11;
	s0 =	sand.u32 $0x300, s1  }
.LBB1_4:
0x3e: {  	p1 =	sne.s32 s31, $0x380;
	v8 =	vld [tilespmem:s29+$0xFFFFFFD0];
	s1 =	sand.u32 $0x80, s1;
	s0 =	sadd.s32 s0, s23;
	[tilespmem:s30+$0x0] =	vst v6  }
0x3f: {  	s0 =	sadd.s32 s1, s0;
	v6 =	vld [tilespmem:s29+$0x430];
	[tilespmem:s30+$0x10] =	vst v5;
	s1 =	smov.u32 s31  }
0x40: {  	v5 =	vld.idx.msk [tilespmem:v0+s0+$0x400 ss:$0x1], $0xffff;
	[tilespmem:s30+$0x20] =	vst v3  }
0x41: {  	v3 =	vld [tilespmem:s29+$0xFFFFFFE0];
	[tilespmem:s30+$0x30] =	vst v4  }
0x42: {  	v4 =	vld [tilespmem:s29+$0xFFFFFFF0];
	[tilespmem:s30+$0xFFFFFBF0] =	vst v7  }
0x43: {  	v7 =	vld [tilespmem:s29+$0x0];
	[tilespmem:s30+$0x40] =	vst v1  }
0x44: {  	v1 =	vld [tilespmem:s29+$0x10];
	[tilespmem:s30+$0x50] =	vst v2;
	s30 =	sadd.s32 $0x800, s30  }
0x45: {  	s28 =	sadd.s32 $0x800, s28;
	v2 =	vld [tilespmem:s29+$0x20];
	[tilespmem:s30+$0x60] =	vst v6  }
0x46: {  	v9 =	vld [tilespmem:s29+$0x30];
	[tilespmem:s28+$0x0] =	vst v5  }
0x47: {  	[tilespmem:s30+$0xFFFFFC00] =	vst v8;
	v6 =	vld [tilespmem:s29+$0x3D0]  }
0x48: {  	[tilespmem:s30+$0xFFFFFC10] =	vst v3;
	v5 =	vld [tilespmem:s29+$0x3E0]  }
.Ltmp3:
0x49: {  	[tilespmem:s30+$0xFFFFFC20] =	vst v4;
	v3 =	vld [tilespmem:s29+$0x3F0];
	(pc) =	sbr.rel @p1 .LBB1_4-.Ltmp3, $4  }
0x4a: {  	[tilespmem:s30+$0xFFFFFC30] =	vst v7;
	v4 =	vld [tilespmem:s29+$0x400]  }
0x4b: {  	[tilespmem:s30+$0xFFFFFC40] =	vst v1;
	v1 =	vld [tilespmem:s29+$0x410]  }
0x4c: {  	[tilespmem:s30+$0xFFFFFC50] =	vst v2;
	v2 =	vld [tilespmem:s29+$0x420]  }
0x4d: {  	s31 =	sadd.s32 $0x80, s31;
	s0 =	sand.u32 $0x300, s1;
	v7 =	vld [tilespmem:s29+$0xFFFFFFC0];
	[tilespmem:s30+$0xFFFFFC60] =	vst v9;
	s29 =	sadd.s32 $0x80, s29  }
0x4e: {  	[tilespmem:s30+$0x0] =	vst v6  }
0x4f: {  	[tilespmem:s30+$0x10] =	vst v5  }
0x50: {  	v49 =	vld [tilespmem:s29+$0x430];
	[tilespmem:s30+$0x20] =	vst v3  }
0x51: {  	v50 =	vld [tilespmem:s29+$0xFFFFFFD0];
	[tilespmem:s30+$0x30] =	vst v4  }
0x52: {  	v51 =	vld [tilespmem:s29+$0xFFFFFFE0];
	[tilespmem:s30+$0x40] =	vst v1  }
0x53: {  	v52 =	vld [tilespmem:s29+$0xFFFFFFF0];
	[tilespmem:s30+$0x50] =	vst v2  }
0x54: {  	v53 =	vld [tilespmem:s29+$0x0];
	[tilespmem:s30+$0xFFFFFBF0] =	vst v7;
	s30 =	sadd.s32 $0x800, s30  }
0x55: {  	v54 =	vld [tilespmem:s29+$0x10];
	[tilespmem:s30+$0x60] =	vst v49  }
0x56: {  	v55 =	vld [tilespmem:s29+$0x20];
	[tilespmem:s30+$0xFFFFFC00] =	vst v50  }
0x57: {  	v56 =	vld [tilespmem:s29+$0x30];
	[tilespmem:s30+$0xFFFFFC10] =	vst v51  }
0x58: {  	v57 =	vld [tilespmem:s29+$0x3D0];
	[tilespmem:s30+$0xFFFFFC20] =	vst v52  }
0x59: {  	v58 =	vld [tilespmem:s29+$0x3E0];
	[tilespmem:s30+$0xFFFFFC30] =	vst v53  }
0x5a: {  	v59 =	vld [tilespmem:s29+$0x3F0];
	[tilespmem:s30+$0xFFFFFC40] =	vst v54  }
0x5b: {  	v60 =	vld [tilespmem:s29+$0x400];
	[tilespmem:s30+$0xFFFFFC50] =	vst v55  }
0x5c: {  	v61 =	vld [tilespmem:s29+$0xFFFFFFC0];
	[tilespmem:s30+$0xFFFFFC60] =	vst v56  }
0x5d: {  	s1 =	sand.u32 $0x80, s1;
	s0 =	sadd.s32 s0, s23;
	v62 =	vld [tilespmem:s29+$0x410];
	[tilespmem:s30+$0x0] =	vst v57  }
0x5e: {  	v63 =	vld [tilespmem:s29+$0x420];
	s27 =	sadd.s32 $0x1, s27;
	s0 =	sadd.s32 s1, s0;
	[tilespmem:s30+$0x10] =	vst v58  }
0x5f: {  	p1 =	sne.s32 s27, $0x8;
	v0 =	vld.idx.msk [tilespmem:v0+s0+$0x400 ss:$0x1], $0xffff;
	[tilespmem:s30+$0x20] =	vst v59  }
.Ltmp4:
0x60: {  	[tilespmem:s30+$0x30] =	vst v60;
	(pc) =	sbr.rel @p1 .LBB1_3-.Ltmp4, $4  }
0x61: {  	[tilespmem:s30+$0xFFFFFBF0] =	vst v61  }
0x62: {  	[tilespmem:s30+$0x40] =	vst v62  }
0x63: {  	s31 =	sadd.s32 $0x800, s28;
	s21 =	sadd.s32 $0x800, s21;
	[tilespmem:s30+$0x50] =	vst v63  }
0x64: {  	s26 =	sadd.s32 $0x80, s26;
	p0 =	por !p0, !p0;
	s22 =	sadd.s32 $0x80, s22;
	[tilespmem:s31+$0x0] =	vst v0  }
0x65: {  	s0 =	sand.u32 $0x78, s16;
	s1 =	sshll.u32 s19, $0x7;
	s26 =	sshll.u32 s19, $0xC  }
0x66: {  	s21 =	sshll.u32 s16, $0x3;
	s28 =	sshll.u32 s18, $0x14;
	s17 =	sshll.u32 s17, $0x11  }
0x67: {  	s30 =	sand.u32 $0x7, s16;
	s1 =	sand.u32 $0x380, s1;
	s19 =	sand.u32 $0xF8000, s26  }
0x68: {  	s27 =	sand.u32 $0xC00, s21;
	s0 =	sor.u32 s1, s0;
	s19 =	sadd.s32 s19, s21  }
.Ltmp5:
0x69: {  	s1 =	sadd.s32 s3, s28;
	s29 =	sshrl.u32 s19, $0x3;
	(pc) =	sbr.rel .LBB1_7-.Ltmp5, $4  }
0x6a: {  	s0 =	sor.u32 s27, s0;
	s1 =	sadd.s32 s17, s1;
	s18 =	sand.u32 $0x1FE00, s29  }
0x6b: {  	s16 =	sshll.u32 s30, $0x12;
	s0 =	sshrl.u32 s0, $0x3;
	s1 =	sadd.s32 s18, s1  }
0x6c: {  	s31 =	sor.u32 $0x800, s16;
	s0 =	sadd.s32 s0, s1  }
0x6d: {  	[hbm4b:s0+s31] =	stream.strided.scatter [tilespmem:s20], [sflag:$0x2], $0x4000, s9, s31, $0x38;
	[tilespmem:$0x10000] =	vst v63  }
.LBB1_8:
0x6e: {  	_ =	sfence.sel $0x180000  }
0x6f: {  	s0 =	simm.s32 $0x1;
	[bflag:$0x0] =	sbarrier.arrive $0xFFFF  }
0x70: {  	s30 =	simm.s32 $0x2;
	[sflag:s0] =	ssyncpa.u1 $0x1  }
0x71: {  	[sflag:s30] =	ssyncpa.u1 $0x1  }
0x72: {  	_ =	strace $0x9000004D  }
0x73: {  	s31 =	stileid.u32;
	[bflag:$0x2] =	sbarrier.arrive $0xFFFF  }
0x74: {  	p0 =	sne.s32 s31, $0x0;
	s0 =	rddreg [dreg:$0x2]  }
0x75: {  	s0 =	sadd.s32 @!p0 $0x100000, s0  }
0x76: {  	[sflag:s0] =	ssyncadd.tile.s32 @!p0 $0x1;
	_ =	shalt  }
.Lfunc_end1:
_tile_overlayer_lowered:
.L_overlay_start_2:
0x77: {  	(tag) =	ssettag $0x2  }
0x78: {  	s0 =	rddreg [dreg:$0x0];
	s2 =	stileid.u32  }
0x79: {  	s1 =	rddreg [dreg:$0x1];
	p0 =	sne.s32 s2, $0x0  }
0x7a: {  	s3 =	rddreg [dreg:$0x2];
	[bflag:$0x3] =	sbarrier.arrive $0xFFFF;
	s2 =	simm.s32 @!p0 $0x1C01  }
0x7b: {  	[timem:s3], [sflag:s2] =	dma.local @!p0 [hbm:s0], s1  }
0x7c: {  	s0 =	simm.s32 @!p0 $0x1  }
0x7d: {  	_ =	swait.ge @!p0 [sflag:s0], s1  }
0x7e: {  	s1 =	ssub.s32 @!p0 $0x0, s1;
	[sflag:s0] =	ssyncset.done @!p0 $0x0  }
0x7f: {  	[sflag:s0] =	ssyncadd.s32 @!p0 s1  }
0x80: {  	[bflag:$0x3] =	sbarrier.arrive $0xFFFF  }
0x81: {  	_ =	shalt  }

</sc_bundles>
